<compile_context>
chip_gen: v7x
topology: tpu7x:2x2x1
jax: 0.10.2.dev20260603
libtpu: 0.0.44.dev20260713+nightly
codegen_flags: <defaults>
</compile_context>

<pallas_src>
import functools

import jax
import jax.numpy as jnp
from jax import lax
from jax.experimental import pallas as pl
from jax.experimental.pallas import tpu as pltpu
from jax.experimental.pallas import tpu_sc as plsc


@functools.lru_cache(maxsize=None)
def _make_gather(V, D, B):
    info = plsc.get_sparse_core_info()
    NC, NS = info.num_cores, info.num_subcores
    NW = NC * NS
    L = 128
    BURST = 4
    assert B % (8 * L * NW) == 0 or B % (L * NW) == 0
    b_per_w = B // NW
    n_groups = b_per_w // 16
    mesh = plsc.VectorSubcoreMesh(core_axis_name="c", subcore_axis_name="s")

    @functools.partial(
        pl.kernel,
        mesh=mesh,
        compiler_params=pltpu.CompilerParams(
            use_tc_tiling_on_sc=True, needs_layout_passes=False
        ),
        out_type=jax.ShapeDtypeStruct((D, B), jnp.float32),
        scratch_types=[
            pltpu.VMEM((b_per_w + 16,), jnp.int32),
            pltpu.VMEM((3 * BURST * D, L), jnp.float32),
            pltpu.VMEM((2 * D, L), jnp.float32),
            pltpu.SemaphoreType.DMA,
            pltpu.SemaphoreType.DMA,
        ],
    )
    def gather_kernel(idx_hbm, table_hbm, out_hbm, idx_v, blocks_v, rows_t,
                      sem, osem):
        wid = lax.axis_index("s") * NC + lax.axis_index("c")
        base = wid * b_per_w
        pltpu.sync_copy(
            idx_hbm.at[pl.ds(base, b_per_w)], idx_v.at[pl.ds(0, b_per_w)]
        )

        def fire(vec, h, slot):
            for k in range(BURST):
                i = vec[h * BURST + k]
                c = pl.multiple_of(
                    lax.shift_left(lax.shift_right_logical(i, 7), 7), L
                )
                pltpu.make_async_copy(
                    table_hbm.at[:, pl.ds(c, L)],
                    blocks_v.at[pl.ds((slot * BURST + k) * D, D), :],
                    sem,
                ).start()

        def wait_extract(vec, g, h, slot):
            for k in range(BURST):
                pltpu.make_async_copy(
                    table_hbm.at[:, pl.ds(0, L)],
                    blocks_v.at[pl.ds((slot * BURST + k) * D, D), :],
                    sem,
                ).wait()
            rcol_base = lax.rem(g, 8) * 16 + h * BURST
            par = lax.rem(lax.div(g, 8), 2) * D
            for k in range(BURST):
                i = vec[h * BURST + k]
                lane = jnp.full((16,), i & (L - 1), jnp.int32)
                rcol = jnp.full((16,), rcol_base + k, jnp.int32)
                for q in range(D // 16):
                    rpos = lax.iota(jnp.int32, 16) + (
                        (slot * BURST + k) * D + q * 16
                    )
                    v16 = plsc.load_gather(blocks_v, [rpos, lane])
                    plsc.store_scatter(
                        rows_t,
                        [lax.iota(jnp.int32, 16) + q * 16 + par, rcol],
                        v16,
                    )

        vec0 = idx_v[pl.ds(0, 16)]
        fire(vec0, 0, 0)
        fire(vec0, 1, 1)
        fire(vec0, 2, 2)

        def group_body(g, s):
            vec = idx_v[pl.ds(g * 16, 16)]
            vecn = idx_v[pl.ds(g * 16 + 16, 16)]
            s1 = lax.rem(s + 1, 3)
            s2 = lax.rem(s + 2, 3)
            more = g + 1 < n_groups

            @pl.when((lax.rem(g, 8) == 0) & (g >= 16))
            def _():
                pltpu.make_async_copy(
                    rows_t.at[pl.ds(0, D), :],
                    out_hbm.at[:, pl.ds(base, L)],
                    osem,
                ).wait()

            wait_extract(vec, g, 0, s)
            fire(vec, 3, s)
            wait_extract(vec, g, 1, s1)

            @pl.when(more)
            def _():
                fire(vecn, 0, s1)

            wait_extract(vec, g, 2, s2)

            @pl.when(more)
            def _():
                fire(vecn, 1, s2)

            wait_extract(vec, g, 3, s)

            @pl.when(more)
            def _():
                fire(vecn, 2, s)

            @pl.when(lax.rem(g, 8) == 7)
            def _():
                par = lax.rem(lax.div(g, 8), 2) * D
                off = pl.multiple_of(base + (g - 7) * 16, L)
                pltpu.make_async_copy(
                    rows_t.at[pl.ds(par, D), :],
                    out_hbm.at[:, pl.ds(off, L)],
                    osem,
                ).start()

            return s1

        lax.fori_loop(0, n_groups, group_body, 0)
        for _ in range(2):
            pltpu.make_async_copy(
                rows_t.at[pl.ds(0, D), :],
                out_hbm.at[:, pl.ds(base, L)],
                osem,
            ).wait()

    return gather_kernel


def kernel(beta, emb_weight):
    (B,) = beta.shape
    V, D = emb_weight.shape
    beta = beta.astype(jnp.int32)
    out_t = _make_gather(V, D, B)(beta, emb_weight.T)
    return out_t.T

# --- scband reference (transcript-rebuilt; emitter-appended) ---
"""Pipeline reference for scband-treat-embedding-54133767799379 (READ-ONLY COPY).

The authoritative reference and input builder live on the scoring server;
editing this copy changes nothing except your own understanding.
"""

import jax, jax.numpy as jnp
import numpy as np

D_MODEL = 64
BETA_DIM = 1000000
BATCH = 16384

def setup_inputs(seed: int = 0) -> dict:
    key = jax.random.key(seed)
    k1, k2 = jax.random.split(key)
    beta = jax.random.randint(k1, (BATCH,), 0, BETA_DIM, dtype=jnp.int64 if jax.config.jax_enable_x64 else jnp.int32)
    # nn.Embedding default init: N(0, 1)
    emb_weight = jax.random.normal(k2, (BETA_DIM, D_MODEL), dtype=jnp.float32)
    return {"beta": beta, "emb_weight": emb_weight}

def reference(beta, emb_weight):
    out = jnp.take(emb_weight, beta, axis=0)
    return jnp.squeeze(out)

if __name__ == "__main__":
    import jax
    _d = setup_inputs()
    print(jax.jit(kernel)(*tuple(_d.values())))

</pallas_src>

<mosaic_0001>
#map = affine_map<(d0, d1) -> (0)>
#map1 = affine_map<(d0, d1) -> (0, 0)>
module attributes {stable_mosaic.version = 14 : i64} {
  func.func @gather_kernel(%arg0: i32, %arg1: i32, %arg2: memref<16384xi32, #tpu.memory_space<hbm>>, %arg3: memref<64x1000000xf32, #tpu.memory_space<hbm>>, %arg4: memref<64x16384xf32, #tpu.memory_space<hbm>>, %arg5: memref<528xi32, #tpu.memory_space<vmem>>, %arg6: memref<768x128xf32, #tpu.memory_space<vmem>>, %arg7: memref<128x128xf32, #tpu.memory_space<vmem>>, %arg8: memref<!tpu.dma_semaphore, #tpu.memory_space<semaphore_mem>>, %arg9: memref<!tpu.dma_semaphore, #tpu.memory_space<semaphore_mem>>) attributes {dimension_semantics = [#tpu.dimension_semantics<core_parallel>, #tpu.dimension_semantics<subcore_parallel>], iteration_bounds = array<i64: 2, 16>, scalar_prefetch = 0 : i64, scratch_operands = 5 : i64, tpu.core_type = #tpu.core_type<sc_vector_subcore>, window_params = [{transform_indices = #map}, {transform_indices = #map1}, {transform_indices = #map1}]} {
    %mul3A = arith.constant 2 : i32
    %mul3A_0 = arith.muli %arg1, %mul3A : i32
    %add3A = arith.addi %mul3A_0, %arg0 : i32
    %mul3A_1 = arith.constant 512 : i32
    %mul3A_2 = arith.muli %add3A, %mul3A_1 : i32
    "tpu.region"() ({
      %run_scoped3A = tpu.sem_alloc : memref<!tpu.dma_semaphore, #tpu.memory_space<semaphore_mem>>
      %dma_start3A_227 = arith.constant 0 : i32
      %dma_start3A_228 = tpu.memref_slice %arg5[%dma_start3A_227] : memref<528xi32, #tpu.memory_space<vmem>> -> memref<512xi32, #tpu.memory_space<vmem>>
      %dma_start3A_229 = tpu.memref_slice %arg2[%mul3A_2] : memref<16384xi32, #tpu.memory_space<hbm>> -> memref<512xi32, #tpu.memory_space<hbm>>
      %dma_start3A_230 = arith.constant 0 : i32
      %dma_start3A_231 = tpu.memref_slice %arg5[%dma_start3A_230] : memref<528xi32, #tpu.memory_space<vmem>> -> memref<512xi32, #tpu.memory_space<vmem>>
      %dma_start3A_232 = tpu.memref_slice %arg2[%mul3A_2] : memref<16384xi32, #tpu.memory_space<hbm>> -> memref<512xi32, #tpu.memory_space<hbm>>
      tpu.enqueue_dma source(%dma_start3A_232 : memref<512xi32, #tpu.memory_space<hbm>>) target(%dma_start3A_231 : memref<512xi32, #tpu.memory_space<vmem>>) target_semaphore(%run_scoped3A : memref<!tpu.dma_semaphore, #tpu.memory_space<semaphore_mem>>)
      %dma_wait3A_233 = arith.constant 0 : i32
      %dma_wait3A_234 = tpu.memref_slice %arg5[%dma_wait3A_233] : memref<528xi32, #tpu.memory_space<vmem>> -> memref<512xi32, #tpu.memory_space<vmem>>
      %dma_wait3A_235 = tpu.memref_slice %arg2[%mul3A_2] : memref<16384xi32, #tpu.memory_space<hbm>> -> memref<512xi32, #tpu.memory_space<hbm>>
      %dma_wait3A_236 = arith.constant 0 : i32
      %dma_wait3A_237 = tpu.memref_slice %arg5[%dma_wait3A_236] : memref<528xi32, #tpu.memory_space<vmem>> -> memref<512xi32, #tpu.memory_space<vmem>>
      %dma_wait3A_238 = tpu.memref_slice %arg2[%mul3A_2] : memref<16384xi32, #tpu.memory_space<hbm>> -> memref<512xi32, #tpu.memory_space<hbm>>
      tpu.wait_dma2 semaphore(%run_scoped3A : memref<!tpu.dma_semaphore, #tpu.memory_space<semaphore_mem>>) src(%dma_wait3A_238 : memref<512xi32, #tpu.memory_space<hbm>>) dst(%dma_wait3A_237 : memref<512xi32, #tpu.memory_space<vmem>>)
      tpu.yield
    }) : () -> ()
    %get3A = arith.constant 0 : index
    %get3A_3 = tpu.vector_load %arg5[%get3A] {strides = array<i32>} : memref<528xi32, #tpu.memory_space<vmem>>, vector<16xi32>,
    %slice3A = vector.extract_strided_slice %get3A_3 {offsets = [0], sizes = [1], strides = [1]} : vector<16xi32> to vector<1xi32>
    %squeeze3A = vector.extract %slice3A[0] : i32 from vector<1xi32>
    %shift_right_logical3A = arith.constant 7 : i32
    %shift_right_logical3A_4 = arith.shrui %squeeze3A, %shift_right_logical3A : i32
    %shift_left3A = arith.constant 7 : i32
    %shift_left3A_5 = arith.shli %shift_right_logical3A_4, %shift_left3A : i32
    %multiple_of3A = tpu.assume_multiple %shift_left3A_5, 128 : i32
    %dma_start3A = arith.constant 0 : i32
    %dma_start3A_6 = arith.constant 0 : i32
    %dma_start3A_7 = tpu.memref_slice %arg6[%dma_start3A, %dma_start3A_6] : memref<768x128xf32, #tpu.memory_space<vmem>> -> memref<64x128xf32, #tpu.memory_space<vmem>>
    %dma_start3A_8 = arith.constant 0 : i32
    %dma_start3A_9 = tpu.memref_slice %arg3[%dma_start3A_8, %multiple_of3A] : memref<64x1000000xf32, #tpu.memory_space<hbm>> -> memref<64x128xf32, #tpu.memory_space<hbm>>
    %dma_start3A_10 = arith.constant 0 : i32
    %dma_start3A_11 = arith.constant 0 : i32
    %dma_start3A_12 = tpu.memref_slice %arg6[%dma_start3A_10, %dma_start3A_11] : memref<768x128xf32, #tpu.memory_space<vmem>> -> memref<64x128xf32, #tpu.memory_space<vmem>>
    %dma_start3A_13 = arith.constant 0 : i32
    %dma_start3A_14 = tpu.memref_slice %arg3[%dma_start3A_13, %multiple_of3A] : memref<64x1000000xf32, #tpu.memory_space<hbm>> -> memref<64x128xf32, #tpu.memory_space<hbm>>
    tpu.enqueue_dma source(%dma_start3A_14 : memref<64x128xf32, #tpu.memory_space<hbm>>) target(%dma_start3A_12 : memref<64x128xf32, #tpu.memory_space<vmem>>) target_semaphore(%arg8 : memref<!tpu.dma_semaphore, #tpu.memory_space<semaphore_mem>>)
    %slice3A_15 = vector.extract_strided_slice %get3A_3 {offsets = [1], sizes = [1], strides = [1]} : vector<16xi32> to vector<1xi32>
    %squeeze3A_16 = vector.extract %slice3A_15[0] : i32 from vector<1xi32>
    %shift_right_logical3A_17 = arith.constant 7 : i32
    %shift_right_logical3A_18 = arith.shrui %squeeze3A_16, %shift_right_logical3A_17 : i32
    %shift_left3A_19 = arith.constant 7 : i32
    %shift_left3A_20 = arith.shli %shift_right_logical3A_18, %shift_left3A_19 : i32
    %multiple_of3A_21 = tpu.assume_multiple %shift_left3A_20, 128 : i32
    %dma_start3A_22 = arith.constant 64 : i32
    %dma_start3A_23 = arith.constant 0 : i32
    %dma_start3A_24 = tpu.memref_slice %arg6[%dma_start3A_22, %dma_start3A_23] : memref<768x128xf32, #tpu.memory_space<vmem>> -> memref<64x128xf32, #tpu.memory_space<vmem>>
    %dma_start3A_25 = arith.constant 0 : i32
    %dma_start3A_26 = tpu.memref_slice %arg3[%dma_start3A_25, %multiple_of3A_21] : memref<64x1000000xf32, #tpu.memory_space<hbm>> -> memref<64x128xf32, #tpu.memory_space<hbm>>
    %dma_start3A_27 = arith.constant 64 : i32
    %dma_start3A_28 = arith.constant 0 : i32
    %dma_start3A_29 = tpu.memref_slice %arg6[%dma_start3A_27, %dma_start3A_28] : memref<768x128xf32, #tpu.memory_space<vmem>> -> memref<64x128xf32, #tpu.memory_space<vmem>>
    %dma_start3A_30 = arith.constant 0 : i32
    %dma_start3A_31 = tpu.memref_slice %arg3[%dma_start3A_30, %multiple_of3A_21] : memref<64x1000000xf32, #tpu.memory_space<hbm>> -> memref<64x128xf32, #tpu.memory_space<hbm>>
    tpu.enqueue_dma source(%dma_start3A_31 : memref<64x128xf32, #tpu.memory_space<hbm>>) target(%dma_start3A_29 : memref<64x128xf32, #tpu.memory_space<vmem>>) target_semaphore(%arg8 : memref<!tpu.dma_semaphore, #tpu.memory_space<semaphore_mem>>)
    %slice3A_32 = vector.extract_strided_slice %get3A_3 {offsets = [2], sizes = [1], strides = [1]} : vector<16xi32> to vector<1xi32>
    %squeeze3A_33 = vector.extract %slice3A_32[0] : i32 from vector<1xi32>
    %shift_right_logical3A_34 = arith.constant 7 : i32
    %shift_right_logical3A_35 = arith.shrui %squeeze3A_33, %shift_right_logical3A_34 : i32
    %shift_left3A_36 = arith.constant 7 : i32
    %shift_left3A_37 = arith.shli %shift_right_logical3A_35, %shift_left3A_36 : i32
    %multiple_of3A_38 = tpu.assume_multiple %shift_left3A_37, 128 : i32
    %dma_start3A_39 = arith.constant 128 : i32
    %dma_start3A_40 = arith.constant 0 : i32
    %dma_start3A_41 = tpu.memref_slice %arg6[%dma_start3A_39, %dma_start3A_40] : memref<768x128xf32, #tpu.memory_space<vmem>> -> memref<64x128xf32, #tpu.memory_space<vmem>>
    %dma_start3A_42 = arith.constant 0 : i32
    %dma_start3A_43 = tpu.memref_slice %arg3[%dma_start3A_42, %multiple_of3A_38] : memref<64x1000000xf32, #tpu.memory_space<hbm>> -> memref<64x128xf32, #tpu.memory_space<hbm>>
    %dma_start3A_44 = arith.constant 128 : i32
    %dma_start3A_45 = arith.constant 0 : i32
    %dma_start3A_46 = tpu.memref_slice %arg6[%dma_start3A_44, %dma_start3A_45] : memref<768x128xf32, #tpu.memory_space<vmem>> -> memref<64x128xf32, #tpu.memory_space<vmem>>
    %dma_start3A_47 = arith.constant 0 : i32
    %dma_start3A_48 = tpu.memref_slice %arg3[%dma_start3A_47, %multiple_of3A_38] : memref<64x1000000xf32, #tpu.memory_space<hbm>> -> memref<64x128xf32, #tpu.memory_space<hbm>>
    tpu.enqueue_dma source(%dma_start3A_48 : memref<64x128xf32, #tpu.memory_space<hbm>>) target(%dma_start3A_46 : memref<64x128xf32, #tpu.memory_space<vmem>>) target_semaphore(%arg8 : memref<!tpu.dma_semaphore, #tpu.memory_space<semaphore_mem>>)
    %slice3A_49 = vector.extract_strided_slice %get3A_3 {offsets = [3], sizes = [1], strides = [1]} : vector<16xi32> to vector<1xi32>
    %squeeze3A_50 = vector.extract %slice3A_49[0] : i32 from vector<1xi32>
    %shift_right_logical3A_51 = arith.constant 7 : i32
    %shift_right_logical3A_52 = arith.shrui %squeeze3A_50, %shift_right_logical3A_51 : i32
    %shift_left3A_53 = arith.constant 7 : i32
    %shift_left3A_54 = arith.shli %shift_right_logical3A_52, %shift_left3A_53 : i32
    %multiple_of3A_55 = tpu.assume_multiple %shift_left3A_54, 128 : i32
    %dma_start3A_56 = arith.constant 192 : i32
    %dma_start3A_57 = arith.constant 0 : i32
    %dma_start3A_58 = tpu.memref_slice %arg6[%dma_start3A_56, %dma_start3A_57] : memref<768x128xf32, #tpu.memory_space<vmem>> -> memref<64x128xf32, #tpu.memory_space<vmem>>
    %dma_start3A_59 = arith.constant 0 : i32
    %dma_start3A_60 = tpu.memref_slice %arg3[%dma_start3A_59, %multiple_of3A_55] : memref<64x1000000xf32, #tpu.memory_space<hbm>> -> memref<64x128xf32, #tpu.memory_space<hbm>>
    %dma_start3A_61 = arith.constant 192 : i32
    %dma_start3A_62 = arith.constant 0 : i32
    %dma_start3A_63 = tpu.memref_slice %arg6[%dma_start3A_61, %dma_start3A_62] : memref<768x128xf32, #tpu.memory_space<vmem>> -> memref<64x128xf32, #tpu.memory_space<vmem>>
    %dma_start3A_64 = arith.constant 0 : i32
    %dma_start3A_65 = tpu.memref_slice %arg3[%dma_start3A_64, %multiple_of3A_55] : memref<64x1000000xf32, #tpu.memory_space<hbm>> -> memref<64x128xf32, #tpu.memory_space<hbm>>
    tpu.enqueue_dma source(%dma_start3A_65 : memref<64x128xf32, #tpu.memory_space<hbm>>) target(%dma_start3A_63 : memref<64x128xf32, #tpu.memory_space<vmem>>) target_semaphore(%arg8 : memref<!tpu.dma_semaphore, #tpu.memory_space<semaphore_mem>>)
    %slice3A_66 = vector.extract_strided_slice %get3A_3 {offsets = [4], sizes = [1], strides = [1]} : vector<16xi32> to vector<1xi32>
    %squeeze3A_67 = vector.extract %slice3A_66[0] : i32 from vector<1xi32>
    %shift_right_logical3A_68 = arith.constant 7 : i32
    %shift_right_logical3A_69 = arith.shrui %squeeze3A_67, %shift_right_logical3A_68 : i32
    %shift_left3A_70 = arith.constant 7 : i32
    %shift_left3A_71 = arith.shli %shift_right_logical3A_69, %shift_left3A_70 : i32
    %multiple_of3A_72 = tpu.assume_multiple %shift_left3A_71, 128 : i32
    %dma_start3A_73 = arith.constant 256 : i32
    %dma_start3A_74 = arith.constant 0 : i32
    %dma_start3A_75 = tpu.memref_slice %arg6[%dma_start3A_73, %dma_start3A_74] : memref<768x128xf32, #tpu.memory_space<vmem>> -> memref<64x128xf32, #tpu.memory_space<vmem>>
    %dma_start3A_76 = arith.constant 0 : i32
    %dma_start3A_77 = tpu.memref_slice %arg3[%dma_start3A_76, %multiple_of3A_72] : memref<64x1000000xf32, #tpu.memory_space<hbm>> -> memref<64x128xf32, #tpu.memory_space<hbm>>
    %dma_start3A_78 = arith.constant 256 : i32
    %dma_start3A_79 = arith.constant 0 : i32
    %dma_start3A_80 = tpu.memref_slice %arg6[%dma_start3A_78, %dma_start3A_79] : memref<768x128xf32, #tpu.memory_space<vmem>> -> memref<64x128xf32, #tpu.memory_space<vmem>>
    %dma_start3A_81 = arith.constant 0 : i32
    %dma_start3A_82 = tpu.memref_slice %arg3[%dma_start3A_81, %multiple_of3A_72] : memref<64x1000000xf32, #tpu.memory_space<hbm>> -> memref<64x128xf32, #tpu.memory_space<hbm>>
    tpu.enqueue_dma source(%dma_start3A_82 : memref<64x128xf32, #tpu.memory_space<hbm>>) target(%dma_start3A_80 : memref<64x128xf32, #tpu.memory_space<vmem>>) target_semaphore(%arg8 : memref<!tpu.dma_semaphore, #tpu.memory_space<semaphore_mem>>)
    %slice3A_83 = vector.extract_strided_slice %get3A_3 {offsets = [5], sizes = [1], strides = [1]} : vector<16xi32> to vector<1xi32>
    %squeeze3A_84 = vector.extract %slice3A_83[0] : i32 from vector<1xi32>
    %shift_right_logical3A_85 = arith.constant 7 : i32
    %shift_right_logical3A_86 = arith.shrui %squeeze3A_84, %shift_right_logical3A_85 : i32
    %shift_left3A_87 = arith.constant 7 : i32
    %shift_left3A_88 = arith.shli %shift_right_logical3A_86, %shift_left3A_87 : i32
    %multiple_of3A_89 = tpu.assume_multiple %shift_left3A_88, 128 : i32
    %dma_start3A_90 = arith.constant 320 : i32
    %dma_start3A_91 = arith.constant 0 : i32
    %dma_start3A_92 = tpu.memref_slice %arg6[%dma_start3A_90, %dma_start3A_91] : memref<768x128xf32, #tpu.memory_space<vmem>> -> memref<64x128xf32, #tpu.memory_space<vmem>>
    %dma_start3A_93 = arith.constant 0 : i32
    %dma_start3A_94 = tpu.memref_slice %arg3[%dma_start3A_93, %multiple_of3A_89] : memref<64x1000000xf32, #tpu.memory_space<hbm>> -> memref<64x128xf32, #tpu.memory_space<hbm>>
    %dma_start3A_95 = arith.constant 320 : i32
    %dma_start3A_96 = arith.constant 0 : i32
    %dma_start3A_97 = tpu.memref_slice %arg6[%dma_start3A_95, %dma_start3A_96] : memref<768x128xf32, #tpu.memory_space<vmem>> -> memref<64x128xf32, #tpu.memory_space<vmem>>
    %dma_start3A_98 = arith.constant 0 : i32
    %dma_start3A_99 = tpu.memref_slice %arg3[%dma_start3A_98, %multiple_of3A_89] : memref<64x1000000xf32, #tpu.memory_space<hbm>> -> memref<64x128xf32, #tpu.memory_space<hbm>>
    tpu.enqueue_dma source(%dma_start3A_99 : memref<64x128xf32, #tpu.memory_space<hbm>>) target(%dma_start3A_97 : memref<64x128xf32, #tpu.memory_space<vmem>>) target_semaphore(%arg8 : memref<!tpu.dma_semaphore, #tpu.memory_space<semaphore_mem>>)
    %slice3A_100 = vector.extract_strided_slice %get3A_3 {offsets = [6], sizes = [1], strides = [1]} : vector<16xi32> to vector<1xi32>
    %squeeze3A_101 = vector.extract %slice3A_100[0] : i32 from vector<1xi32>
    %shift_right_logical3A_102 = arith.constant 7 : i32
    %shift_right_logical3A_103 = arith.shrui %squeeze3A_101, %shift_right_logical3A_102 : i32
    %shift_left3A_104 = arith.constant 7 : i32
    %shift_left3A_105 = arith.shli %shift_right_logical3A_103, %shift_left3A_104 : i32
    %multiple_of3A_106 = tpu.assume_multiple %shift_left3A_105, 128 : i32
    %dma_start3A_107 = arith.constant 384 : i32
    %dma_start3A_108 = arith.constant 0 : i32
    %dma_start3A_109 = tpu.memref_slice %arg6[%dma_start3A_107, %dma_start3A_108] : memref<768x128xf32, #tpu.memory_space<vmem>> -> memref<64x128xf32, #tpu.memory_space<vmem>>
    %dma_start3A_110 = arith.constant 0 : i32
    %dma_start3A_111 = tpu.memref_slice %arg3[%dma_start3A_110, %multiple_of3A_106] : memref<64x1000000xf32, #tpu.memory_space<hbm>> -> memref<64x128xf32, #tpu.memory_space<hbm>>
    %dma_start3A_112 = arith.constant 384 : i32
    %dma_start3A_113 = arith.constant 0 : i32
    %dma_start3A_114 = tpu.memref_slice %arg6[%dma_start3A_112, %dma_start3A_113] : memref<768x128xf32, #tpu.memory_space<vmem>> -> memref<64x128xf32, #tpu.memory_space<vmem>>
    %dma_start3A_115 = arith.constant 0 : i32
    %dma_start3A_116 = tpu.memref_slice %arg3[%dma_start3A_115, %multiple_of3A_106] : memref<64x1000000xf32, #tpu.memory_space<hbm>> -> memref<64x128xf32, #tpu.memory_space<hbm>>
    tpu.enqueue_dma source(%dma_start3A_116 : memref<64x128xf32, #tpu.memory_space<hbm>>) target(%dma_start3A_114 : memref<64x128xf32, #tpu.memory_space<vmem>>) target_semaphore(%arg8 : memref<!tpu.dma_semaphore, #tpu.memory_space<semaphore_mem>>)
    %slice3A_117 = vector.extract_strided_slice %get3A_3 {offsets = [7], sizes = [1], strides = [1]} : vector<16xi32> to vector<1xi32>
    %squeeze3A_118 = vector.extract %slice3A_117[0] : i32 from vector<1xi32>
    %shift_right_logical3A_119 = arith.constant 7 : i32
    %shift_right_logical3A_120 = arith.shrui %squeeze3A_118, %shift_right_logical3A_119 : i32
    %shift_left3A_121 = arith.constant 7 : i32
    %shift_left3A_122 = arith.shli %shift_right_logical3A_120, %shift_left3A_121 : i32
    %multiple_of3A_123 = tpu.assume_multiple %shift_left3A_122, 128 : i32
    %dma_start3A_124 = arith.constant 448 : i32
    %dma_start3A_125 = arith.constant 0 : i32
    %dma_start3A_126 = tpu.memref_slice %arg6[%dma_start3A_124, %dma_start3A_125] : memref<768x128xf32, #tpu.memory_space<vmem>> -> memref<64x128xf32, #tpu.memory_space<vmem>>
    %dma_start3A_127 = arith.constant 0 : i32
    %dma_start3A_128 = tpu.memref_slice %arg3[%dma_start3A_127, %multiple_of3A_123] : memref<64x1000000xf32, #tpu.memory_space<hbm>> -> memref<64x128xf32, #tpu.memory_space<hbm>>
    %dma_start3A_129 = arith.constant 448 : i32
    %dma_start3A_130 = arith.constant 0 : i32
    %dma_start3A_131 = tpu.memref_slice %arg6[%dma_start3A_129, %dma_start3A_130] : memref<768x128xf32, #tpu.memory_space<vmem>> -> memref<64x128xf32, #tpu.memory_space<vmem>>
    %dma_start3A_132 = arith.constant 0 : i32
    %dma_start3A_133 = tpu.memref_slice %arg3[%dma_start3A_132, %multiple_of3A_123] : memref<64x1000000xf32, #tpu.memory_space<hbm>> -> memref<64x128xf32, #tpu.memory_space<hbm>>
    tpu.enqueue_dma source(%dma_start3A_133 : memref<64x128xf32, #tpu.memory_space<hbm>>) target(%dma_start3A_131 : memref<64x128xf32, #tpu.memory_space<vmem>>) target_semaphore(%arg8 : memref<!tpu.dma_semaphore, #tpu.memory_space<semaphore_mem>>)
    %slice3A_134 = vector.extract_strided_slice %get3A_3 {offsets = [8], sizes = [1], strides = [1]} : vector<16xi32> to vector<1xi32>
    %squeeze3A_135 = vector.extract %slice3A_134[0] : i32 from vector<1xi32>
    %shift_right_logical3A_136 = arith.constant 7 : i32
    %shift_right_logical3A_137 = arith.shrui %squeeze3A_135, %shift_right_logical3A_136 : i32
    %shift_left3A_138 = arith.constant 7 : i32
    %shift_left3A_139 = arith.shli %shift_right_logical3A_137, %shift_left3A_138 : i32
    %multiple_of3A_140 = tpu.assume_multiple %shift_left3A_139, 128 : i32
    %dma_start3A_141 = arith.constant 512 : i32
    %dma_start3A_142 = arith.constant 0 : i32
    %dma_start3A_143 = tpu.memref_slice %arg6[%dma_start3A_141, %dma_start3A_142] : memref<768x128xf32, #tpu.memory_space<vmem>> -> memref<64x128xf32, #tpu.memory_space<vmem>>
    %dma_start3A_144 = arith.constant 0 : i32
    %dma_start3A_145 = tpu.memref_slice %arg3[%dma_start3A_144, %multiple_of3A_140] : memref<64x1000000xf32, #tpu.memory_space<hbm>> -> memref<64x128xf32, #tpu.memory_space<hbm>>
    %dma_start3A_146 = arith.constant 512 : i32
    %dma_start3A_147 = arith.constant 0 : i32
    %dma_start3A_148 = tpu.memref_slice %arg6[%dma_start3A_146, %dma_start3A_147] : memref<768x128xf32, #tpu.memory_space<vmem>> -> memref<64x128xf32, #tpu.memory_space<vmem>>
    %dma_start3A_149 = arith.constant 0 : i32
    %dma_start3A_150 = tpu.memref_slice %arg3[%dma_start3A_149, %multiple_of3A_140] : memref<64x1000000xf32, #tpu.memory_space<hbm>> -> memref<64x128xf32, #tpu.memory_space<hbm>>
    tpu.enqueue_dma source(%dma_start3A_150 : memref<64x128xf32, #tpu.memory_space<hbm>>) target(%dma_start3A_148 : memref<64x128xf32, #tpu.memory_space<vmem>>) target_semaphore(%arg8 : memref<!tpu.dma_semaphore, #tpu.memory_space<semaphore_mem>>)
    %slice3A_151 = vector.extract_strided_slice %get3A_3 {offsets = [9], sizes = [1], strides = [1]} : vector<16xi32> to vector<1xi32>
    %squeeze3A_152 = vector.extract %slice3A_151[0] : i32 from vector<1xi32>
    %shift_right_logical3A_153 = arith.constant 7 : i32
    %shift_right_logical3A_154 = arith.shrui %squeeze3A_152, %shift_right_logical3A_153 : i32
    %shift_left3A_155 = arith.constant 7 : i32
    %shift_left3A_156 = arith.shli %shift_right_logical3A_154, %shift_left3A_155 : i32
    %multiple_of3A_157 = tpu.assume_multiple %shift_left3A_156, 128 : i32
    %dma_start3A_158 = arith.constant 576 : i32
    %dma_start3A_159 = arith.constant 0 : i32
    %dma_start3A_160 = tpu.memref_slice %arg6[%dma_start3A_158, %dma_start3A_159] : memref<768x128xf32, #tpu.memory_space<vmem>> -> memref<64x128xf32, #tpu.memory_space<vmem>>
    %dma_start3A_161 = arith.constant 0 : i32
    %dma_start3A_162 = tpu.memref_slice %arg3[%dma_start3A_161, %multiple_of3A_157] : memref<64x1000000xf32, #tpu.memory_space<hbm>> -> memref<64x128xf32, #tpu.memory_space<hbm>>
    %dma_start3A_163 = arith.constant 576 : i32
    %dma_start3A_164 = arith.constant 0 : i32
    %dma_start3A_165 = tpu.memref_slice %arg6[%dma_start3A_163, %dma_start3A_164] : memref<768x128xf32, #tpu.memory_space<vmem>> -> memref<64x128xf32, #tpu.memory_space<vmem>>
    %dma_start3A_166 = arith.constant 0 : i32
    %dma_start3A_167 = tpu.memref_slice %arg3[%dma_start3A_166, %multiple_of3A_157] : memref<64x1000000xf32, #tpu.memory_space<hbm>> -> memref<64x128xf32, #tpu.memory_space<hbm>>
    tpu.enqueue_dma source(%dma_start3A_167 : memref<64x128xf32, #tpu.memory_space<hbm>>) target(%dma_start3A_165 : memref<64x128xf32, #tpu.memory_space<vmem>>) target_semaphore(%arg8 : memref<!tpu.dma_semaphore, #tpu.memory_space<semaphore_mem>>)
    %slice3A_168 = vector.extract_strided_slice %get3A_3 {offsets = [10], sizes = [1], strides = [1]} : vector<16xi32> to vector<1xi32>
    %squeeze3A_169 = vector.extract %slice3A_168[0] : i32 from vector<1xi32>
    %shift_right_logical3A_170 = arith.constant 7 : i32
    %shift_right_logical3A_171 = arith.shrui %squeeze3A_169, %shift_right_logical3A_170 : i32
    %shift_left3A_172 = arith.constant 7 : i32
    %shift_left3A_173 = arith.shli %shift_right_logical3A_171, %shift_left3A_172 : i32
    %multiple_of3A_174 = tpu.assume_multiple %shift_left3A_173, 128 : i32
    %dma_start3A_175 = arith.constant 640 : i32
    %dma_start3A_176 = arith.constant 0 : i32
    %dma_start3A_177 = tpu.memref_slice %arg6[%dma_start3A_175, %dma_start3A_176] : memref<768x128xf32, #tpu.memory_space<vmem>> -> memref<64x128xf32, #tpu.memory_space<vmem>>
    %dma_start3A_178 = arith.constant 0 : i32
    %dma_start3A_179 = tpu.memref_slice %arg3[%dma_start3A_178, %multiple_of3A_174] : memref<64x1000000xf32, #tpu.memory_space<hbm>> -> memref<64x128xf32, #tpu.memory_space<hbm>>
    %dma_start3A_180 = arith.constant 640 : i32
    %dma_start3A_181 = arith.constant 0 : i32
    %dma_start3A_182 = tpu.memref_slice %arg6[%dma_start3A_180, %dma_start3A_181] : memref<768x128xf32, #tpu.memory_space<vmem>> -> memref<64x128xf32, #tpu.memory_space<vmem>>
    %dma_start3A_183 = arith.constant 0 : i32
    %dma_start3A_184 = tpu.memref_slice %arg3[%dma_start3A_183, %multiple_of3A_174] : memref<64x1000000xf32, #tpu.memory_space<hbm>> -> memref<64x128xf32, #tpu.memory_space<hbm>>
    tpu.enqueue_dma source(%dma_start3A_184 : memref<64x128xf32, #tpu.memory_space<hbm>>) target(%dma_start3A_182 : memref<64x128xf32, #tpu.memory_space<vmem>>) target_semaphore(%arg8 : memref<!tpu.dma_semaphore, #tpu.memory_space<semaphore_mem>>)
    %slice3A_185 = vector.extract_strided_slice %get3A_3 {offsets = [11], sizes = [1], strides = [1]} : vector<16xi32> to vector<1xi32>
    %squeeze3A_186 = vector.extract %slice3A_185[0] : i32 from vector<1xi32>
    %shift_right_logical3A_187 = arith.constant 7 : i32
    %shift_right_logical3A_188 = arith.shrui %squeeze3A_186, %shift_right_logical3A_187 : i32
    %shift_left3A_189 = arith.constant 7 : i32
    %shift_left3A_190 = arith.shli %shift_right_logical3A_188, %shift_left3A_189 : i32
    %multiple_of3A_191 = tpu.assume_multiple %shift_left3A_190, 128 : i32
    %dma_start3A_192 = arith.constant 704 : i32
    %dma_start3A_193 = arith.constant 0 : i32
    %dma_start3A_194 = tpu.memref_slice %arg6[%dma_start3A_192, %dma_start3A_193] : memref<768x128xf32, #tpu.memory_space<vmem>> -> memref<64x128xf32, #tpu.memory_space<vmem>>
    %dma_start3A_195 = arith.constant 0 : i32
    %dma_start3A_196 = tpu.memref_slice %arg3[%dma_start3A_195, %multiple_of3A_191] : memref<64x1000000xf32, #tpu.memory_space<hbm>> -> memref<64x128xf32, #tpu.memory_space<hbm>>
    %dma_start3A_197 = arith.constant 704 : i32
    %dma_start3A_198 = arith.constant 0 : i32
    %dma_start3A_199 = tpu.memref_slice %arg6[%dma_start3A_197, %dma_start3A_198] : memref<768x128xf32, #tpu.memory_space<vmem>> -> memref<64x128xf32, #tpu.memory_space<vmem>>
    %dma_start3A_200 = arith.constant 0 : i32
    %dma_start3A_201 = tpu.memref_slice %arg3[%dma_start3A_200, %multiple_of3A_191] : memref<64x1000000xf32, #tpu.memory_space<hbm>> -> memref<64x128xf32, #tpu.memory_space<hbm>>
    tpu.enqueue_dma source(%dma_start3A_201 : memref<64x128xf32, #tpu.memory_space<hbm>>) target(%dma_start3A_199 : memref<64x128xf32, #tpu.memory_space<vmem>>) target_semaphore(%arg8 : memref<!tpu.dma_semaphore, #tpu.memory_space<semaphore_mem>>)
    %scan3A = arith.constant 0 : i32
    %scan3A_202 = arith.constant 0 : i32
    %scan3A_203 = arith.constant 32 : i32
    %scan3A_204 = arith.addi %scan3A_202, %scan3A_203 : i32
    %scan3A_205 = arith.constant 1 : i32
    %scan3A_206 = scf.for %scan3A_227 = %scan3A_202 to %scan3A_204 step %scan3A_205 iter_args(%scan3A_228 = %scan3A) -> (i32)  : i32 {
      %mul3A_229 = arith.constant 16 : i32
      %mul3A_230 = arith.muli %scan3A_227, %mul3A_229 : i32
      %get3A_231 = arith.index_cast %mul3A_230 : i32 to index
      %get3A_232 = tpu.vector_load %arg5[%get3A_231] {strides = array<i32>} : memref<528xi32, #tpu.memory_space<vmem>>, vector<16xi32>,
      %mul3A_233 = arith.constant 16 : i32
      %mul3A_234 = arith.muli %scan3A_227, %mul3A_233 : i32
      %add3A_235 = arith.constant 16 : i32
      %add3A_236 = arith.addi %mul3A_234, %add3A_235 : i32
      %get3A_237 = arith.index_cast %add3A_236 : i32 to index
      %get3A_238 = tpu.vector_load %arg5[%get3A_237] {strides = array<i32>} : memref<528xi32, #tpu.memory_space<vmem>>, vector<16xi32>,
      %add3A_239 = arith.constant 1 : i32
      %add3A_240 = arith.addi %scan3A_228, %add3A_239 : i32
      %rem3A = arith.constant 3 : i32
      %rem3A_241 = arith.remsi %add3A_240, %rem3A : i32
      %add3A_242 = arith.constant 2 : i32
      %add3A_243 = arith.addi %scan3A_228, %add3A_242 : i32
      %rem3A_244 = arith.constant 3 : i32
      %rem3A_245 = arith.remsi %add3A_243, %rem3A_244 : i32
      %add3A_246 = arith.constant 1 : i32
      %add3A_247 = arith.addi %scan3A_227, %add3A_246 : i32
      %lt3A = arith.constant 32 : i32
      %lt3A_248 = arith.cmpi slt, %add3A_247, %lt3A : i32
      %rem3A_249 = arith.constant 8 : i32
      %rem3A_250 = arith.remsi %scan3A_227, %rem3A_249 : i32
      %eq3A = arith.constant 0 : i32
      %eq3A_251 = arith.cmpi eq, %rem3A_250, %eq3A : i32
      %ge3A = arith.constant 16 : i32
      %ge3A_252 = arith.cmpi sge, %scan3A_227, %ge3A : i32
      %and3A = arith.andi %eq3A_251, %ge3A_252 : i1
      %convert_element_type3A = arith.extui %and3A : i1 to i32
      %cond3A = arith.constant 0 : i32
      %cond3A_253 = arith.cmpi ne, %convert_element_type3A, %cond3A : i32
      scf.if %cond3A_253 {
        %dma_wait3A_1934 = arith.constant 0 : i32
        %dma_wait3A_1935 = arith.constant 0 : i32
        %dma_wait3A_1936 = tpu.memref_slice %arg7[%dma_wait3A_1934, %dma_wait3A_1935] : memref<128x128xf32, #tpu.memory_space<vmem>> -> memref<64x128xf32, #tpu.memory_space<vmem>>
        %dma_wait3A_1937 = arith.constant 0 : i32
        %dma_wait3A_1938 = tpu.memref_slice %arg4[%dma_wait3A_1937, %mul3A_2] : memref<64x16384xf32, #tpu.memory_space<hbm>> -> memref<64x128xf32, #tpu.memory_space<hbm>>
        %dma_wait3A_1939 = arith.constant 0 : i32
        %dma_wait3A_1940 = tpu.memref_slice %arg4[%dma_wait3A_1939, %mul3A_2] : memref<64x16384xf32, #tpu.memory_space<hbm>> -> memref<64x128xf32, #tpu.memory_space<hbm>>
        %dma_wait3A_1941 = arith.constant 0 : i32
        %dma_wait3A_1942 = arith.constant 0 : i32
        %dma_wait3A_1943 = tpu.memref_slice %arg7[%dma_wait3A_1941, %dma_wait3A_1942] : memref<128x128xf32, #tpu.memory_space<vmem>> -> memref<64x128xf32, #tpu.memory_space<vmem>>
        tpu.wait_dma2 semaphore(%arg9 : memref<!tpu.dma_semaphore, #tpu.memory_space<semaphore_mem>>) src(%dma_wait3A_1943 : memref<64x128xf32, #tpu.memory_space<vmem>>) dst(%dma_wait3A_1940 : memref<64x128xf32, #tpu.memory_space<hbm>>)
      } else {
      }
      %mul3A_254 = arith.constant 4 : i32
      %mul3A_255 = arith.muli %scan3A_228, %mul3A_254 : i32
      %add3A_256 = arith.constant 0 : i32
      %add3A_257 = arith.addi %mul3A_255, %add3A_256 : i32
      %mul3A_258 = arith.constant 64 : i32
      %mul3A_259 = arith.muli %add3A_257, %mul3A_258 : i32
      %dma_wait3A_260 = arith.constant 0 : i32
      %dma_wait3A_261 = tpu.memref_slice %arg6[%mul3A_259, %dma_wait3A_260] : memref<768x128xf32, #tpu.memory_space<vmem>> -> memref<64x128xf32, #tpu.memory_space<vmem>>
      %dma_wait3A_262 = arith.constant 0 : i32
      %dma_wait3A_263 = arith.constant 0 : i32
      %dma_wait3A_264 = tpu.memref_slice %arg3[%dma_wait3A_262, %dma_wait3A_263] : memref<64x1000000xf32, #tpu.memory_space<hbm>> -> memref<64x128xf32, #tpu.memory_space<hbm>>
      %dma_wait3A_265 = arith.constant 0 : i32
      %dma_wait3A_266 = tpu.memref_slice %arg6[%mul3A_259, %dma_wait3A_265] : memref<768x128xf32, #tpu.memory_space<vmem>> -> memref<64x128xf32, #tpu.memory_space<vmem>>
      %dma_wait3A_267 = arith.constant 0 : i32
      %dma_wait3A_268 = arith.constant 0 : i32
      %dma_wait3A_269 = tpu.memref_slice %arg3[%dma_wait3A_267, %dma_wait3A_268] : memref<64x1000000xf32, #tpu.memory_space<hbm>> -> memref<64x128xf32, #tpu.memory_space<hbm>>
      tpu.wait_dma2 semaphore(%arg8 : memref<!tpu.dma_semaphore, #tpu.memory_space<semaphore_mem>>) src(%dma_wait3A_269 : memref<64x128xf32, #tpu.memory_space<hbm>>) dst(%dma_wait3A_266 : memref<64x128xf32, #tpu.memory_space<vmem>>)
      %mul3A_270 = arith.constant 4 : i32
      %mul3A_271 = arith.muli %scan3A_228, %mul3A_270 : i32
      %add3A_272 = arith.constant 1 : i32
      %add3A_273 = arith.addi %mul3A_271, %add3A_272 : i32
      %mul3A_274 = arith.constant 64 : i32
      %mul3A_275 = arith.muli %add3A_273, %mul3A_274 : i32
      %dma_wait3A_276 = arith.constant 0 : i32
      %dma_wait3A_277 = tpu.memref_slice %arg6[%mul3A_275, %dma_wait3A_276] : memref<768x128xf32, #tpu.memory_space<vmem>> -> memref<64x128xf32, #tpu.memory_space<vmem>>
      %dma_wait3A_278 = arith.constant 0 : i32
      %dma_wait3A_279 = arith.constant 0 : i32
      %dma_wait3A_280 = tpu.memref_slice %arg3[%dma_wait3A_278, %dma_wait3A_279] : memref<64x1000000xf32, #tpu.memory_space<hbm>> -> memref<64x128xf32, #tpu.memory_space<hbm>>
      %dma_wait3A_281 = arith.constant 0 : i32
      %dma_wait3A_282 = tpu.memref_slice %arg6[%mul3A_275, %dma_wait3A_281] : memref<768x128xf32, #tpu.memory_space<vmem>> -> memref<64x128xf32, #tpu.memory_space<vmem>>
      %dma_wait3A_283 = arith.constant 0 : i32
      %dma_wait3A_284 = arith.constant 0 : i32
      %dma_wait3A_285 = tpu.memref_slice %arg3[%dma_wait3A_283, %dma_wait3A_284] : memref<64x1000000xf32, #tpu.memory_space<hbm>> -> memref<64x128xf32, #tpu.memory_space<hbm>>
      tpu.wait_dma2 semaphore(%arg8 : memref<!tpu.dma_semaphore, #tpu.memory_space<semaphore_mem>>) src(%dma_wait3A_285 : memref<64x128xf32, #tpu.memory_space<hbm>>) dst(%dma_wait3A_282 : memref<64x128xf32, #tpu.memory_space<vmem>>)
      %mul3A_286 = arith.constant 4 : i32
      %mul3A_287 = arith.muli %scan3A_228, %mul3A_286 : i32
      %add3A_288 = arith.constant 2 : i32
      %add3A_289 = arith.addi %mul3A_287, %add3A_288 : i32
      %mul3A_290 = arith.constant 64 : i32
      %mul3A_291 = arith.muli %add3A_289, %mul3A_290 : i32
      %dma_wait3A_292 = arith.constant 0 : i32
      %dma_wait3A_293 = tpu.memref_slice %arg6[%mul3A_291, %dma_wait3A_292] : memref<768x128xf32, #tpu.memory_space<vmem>> -> memref<64x128xf32, #tpu.memory_space<vmem>>
      %dma_wait3A_294 = arith.constant 0 : i32
      %dma_wait3A_295 = arith.constant 0 : i32
      %dma_wait3A_296 = tpu.memref_slice %arg3[%dma_wait3A_294, %dma_wait3A_295] : memref<64x1000000xf32, #tpu.memory_space<hbm>> -> memref<64x128xf32, #tpu.memory_space<hbm>>
      %dma_wait3A_297 = arith.constant 0 : i32
      %dma_wait3A_298 = tpu.memref_slice %arg6[%mul3A_291, %dma_wait3A_297] : memref<768x128xf32, #tpu.memory_space<vmem>> -> memref<64x128xf32, #tpu.memory_space<vmem>>
      %dma_wait3A_299 = arith.constant 0 : i32
      %dma_wait3A_300 = arith.constant 0 : i32
      %dma_wait3A_301 = tpu.memref_slice %arg3[%dma_wait3A_299, %dma_wait3A_300] : memref<64x1000000xf32, #tpu.memory_space<hbm>> -> memref<64x128xf32, #tpu.memory_space<hbm>>
      tpu.wait_dma2 semaphore(%arg8 : memref<!tpu.dma_semaphore, #tpu.memory_space<semaphore_mem>>) src(%dma_wait3A_301 : memref<64x128xf32, #tpu.memory_space<hbm>>) dst(%dma_wait3A_298 : memref<64x128xf32, #tpu.memory_space<vmem>>)
      %mul3A_302 = arith.constant 4 : i32
      %mul3A_303 = arith.muli %scan3A_228, %mul3A_302 : i32
      %add3A_304 = arith.constant 3 : i32
      %add3A_305 = arith.addi %mul3A_303, %add3A_304 : i32
      %mul3A_306 = arith.constant 64 : i32
      %mul3A_307 = arith.muli %add3A_305, %mul3A_306 : i32
      %dma_wait3A_308 = arith.constant 0 : i32
      %dma_wait3A_309 = tpu.memref_slice %arg6[%mul3A_307, %dma_wait3A_308] : memref<768x128xf32, #tpu.memory_space<vmem>> -> memref<64x128xf32, #tpu.memory_space<vmem>>
      %dma_wait3A_310 = arith.constant 0 : i32
      %dma_wait3A_311 = arith.constant 0 : i32
      %dma_wait3A_312 = tpu.memref_slice %arg3[%dma_wait3A_310, %dma_wait3A_311] : memref<64x1000000xf32, #tpu.memory_space<hbm>> -> memref<64x128xf32, #tpu.memory_space<hbm>>
      %dma_wait3A_313 = arith.constant 0 : i32
      %dma_wait3A_314 = tpu.memref_slice %arg6[%mul3A_307, %dma_wait3A_313] : memref<768x128xf32, #tpu.memory_space<vmem>> -> memref<64x128xf32, #tpu.memory_space<vmem>>
      %dma_wait3A_315 = arith.constant 0 : i32
      %dma_wait3A_316 = arith.constant 0 : i32
      %dma_wait3A_317 = tpu.memref_slice %arg3[%dma_wait3A_315, %dma_wait3A_316] : memref<64x1000000xf32, #tpu.memory_space<hbm>> -> memref<64x128xf32, #tpu.memory_space<hbm>>
      tpu.wait_dma2 semaphore(%arg8 : memref<!tpu.dma_semaphore, #tpu.memory_space<semaphore_mem>>) src(%dma_wait3A_317 : memref<64x128xf32, #tpu.memory_space<hbm>>) dst(%dma_wait3A_314 : memref<64x128xf32, #tpu.memory_space<vmem>>)
      %rem3A_318 = arith.constant 8 : i32
      %rem3A_319 = arith.remsi %scan3A_227, %rem3A_318 : i32
      %mul3A_320 = arith.constant 16 : i32
      %mul3A_321 = arith.muli %rem3A_319, %mul3A_320 : i32
      %add3A_322 = arith.constant 0 : i32
      %add3A_323 = arith.addi %mul3A_321, %add3A_322 : i32
      %div3A = arith.constant 8 : i32
      %div3A_324 = arith.divsi %scan3A_227, %div3A : i32
      %rem3A_325 = arith.constant 2 : i32
      %rem3A_326 = arith.remsi %div3A_324, %rem3A_325 : i32
      %mul3A_327 = arith.constant 64 : i32
      %mul3A_328 = arith.muli %rem3A_326, %mul3A_327 : i32
      %slice3A_329 = vector.extract_strided_slice %get3A_232 {offsets = [0], sizes = [1], strides = [1]} : vector<16xi32> to vector<1xi32>
      %squeeze3A_330 = vector.extract %slice3A_329[0] : i32 from vector<1xi32>
      %and3A_331 = arith.constant 127 : i32
      %and3A_332 = arith.andi %squeeze3A_330, %and3A_331 : i32
      %broadcast_in_dim3A = vector.broadcast %and3A_332 : i32 to vector<16xi32>
      %add3A_333 = arith.constant 0 : i32
      %add3A_334 = arith.addi %add3A_323, %add3A_333 : i32
      %broadcast_in_dim3A_335 = vector.broadcast %add3A_334 : i32 to vector<16xi32>
      %iota3A = tpu.iota {dimensions = array<i32: 0>} : vector<16xi32>
      %mul3A_336 = arith.constant 4 : i32
      %mul3A_337 = arith.muli %scan3A_228, %mul3A_336 : i32
      %add3A_338 = arith.constant 0 : i32
      %add3A_339 = arith.addi %mul3A_337, %add3A_338 : i32
      %mul3A_340 = arith.constant 64 : i32
      %mul3A_341 = arith.muli %add3A_339, %mul3A_340 : i32
      %add3A_342 = arith.constant 0 : i32
      %add3A_343 = arith.addi %mul3A_341, %add3A_342 : i32
      %add3A_344 = vector.broadcast %add3A_343 : i32 to vector<16xi32>
      %add3A_345 = arith.addi %iota3A, %add3A_344 : vector<16xi32>
      %gather3A = tpu.vector_load_idx %arg6[%add3A_345, %broadcast_in_dim3A] : memref<768x128xf32, #tpu.memory_space<vmem>>[vector<16xi32>, vector<16xi32>], vector<16xf32>,
      %iota3A_346 = tpu.iota {dimensions = array<i32: 0>} : vector<16xi32>
      %add3A_347 = arith.constant 0 : i32
      %add3A_348 = vector.broadcast %add3A_347 : i32 to vector<16xi32>
      %add3A_349 = arith.addi %iota3A_346, %add3A_348 : vector<16xi32>
      %add3A_350 = vector.broadcast %mul3A_328 : i32 to vector<16xi32>
      %add3A_351 = arith.addi %add3A_349, %add3A_350 : vector<16xi32>
      tpu.vector_store_idx %arg7[%add3A_351, %broadcast_in_dim3A_335], %gather3A : memref<128x128xf32, #tpu.memory_space<vmem>>[vector<16xi32>, vector<16xi32>], vector<16xf32>,
      %iota3A_352 = tpu.iota {dimensions = array<i32: 0>} : vector<16xi32>
      %mul3A_353 = arith.constant 4 : i32
      %mul3A_354 = arith.muli %scan3A_228, %mul3A_353 : i32
      %add3A_355 = arith.constant 0 : i32
      %add3A_356 = arith.addi %mul3A_354, %add3A_355 : i32
      %mul3A_357 = arith.constant 64 : i32
      %mul3A_358 = arith.muli %add3A_356, %mul3A_357 : i32
      %add3A_359 = arith.constant 16 : i32
      %add3A_360 = arith.addi %mul3A_358, %add3A_359 : i32
      %add3A_361 = vector.broadcast %add3A_360 : i32 to vector<16xi32>
      %add3A_362 = arith.addi %iota3A_352, %add3A_361 : vector<16xi32>
      %gather3A_363 = tpu.vector_load_idx %arg6[%add3A_362, %broadcast_in_dim3A] : memref<768x128xf32, #tpu.memory_space<vmem>>[vector<16xi32>, vector<16xi32>], vector<16xf32>,
      %iota3A_364 = tpu.iota {dimensions = array<i32: 0>} : vector<16xi32>
      %add3A_365 = arith.constant 16 : i32
      %add3A_366 = vector.broadcast %add3A_365 : i32 to vector<16xi32>
      %add3A_367 = arith.addi %iota3A_364, %add3A_366 : vector<16xi32>
      %add3A_368 = vector.broadcast %mul3A_328 : i32 to vector<16xi32>
      %add3A_369 = arith.addi %add3A_367, %add3A_368 : vector<16xi32>
      tpu.vector_store_idx %arg7[%add3A_369, %broadcast_in_dim3A_335], %gather3A_363 : memref<128x128xf32, #tpu.memory_space<vmem>>[vector<16xi32>, vector<16xi32>], vector<16xf32>,
      %iota3A_370 = tpu.iota {dimensions = array<i32: 0>} : vector<16xi32>
      %mul3A_371 = arith.constant 4 : i32
      %mul3A_372 = arith.muli %scan3A_228, %mul3A_371 : i32
      %add3A_373 = arith.constant 0 : i32
      %add3A_374 = arith.addi %mul3A_372, %add3A_373 : i32
      %mul3A_375 = arith.constant 64 : i32
      %mul3A_376 = arith.muli %add3A_374, %mul3A_375 : i32
      %add3A_377 = arith.constant 32 : i32
      %add3A_378 = arith.addi %mul3A_376, %add3A_377 : i32
      %add3A_379 = vector.broadcast %add3A_378 : i32 to vector<16xi32>
      %add3A_380 = arith.addi %iota3A_370, %add3A_379 : vector<16xi32>
      %gather3A_381 = tpu.vector_load_idx %arg6[%add3A_380, %broadcast_in_dim3A] : memref<768x128xf32, #tpu.memory_space<vmem>>[vector<16xi32>, vector<16xi32>], vector<16xf32>,
      %iota3A_382 = tpu.iota {dimensions = array<i32: 0>} : vector<16xi32>
      %add3A_383 = arith.constant 32 : i32
      %add3A_384 = vector.broadcast %add3A_383 : i32 to vector<16xi32>
      %add3A_385 = arith.addi %iota3A_382, %add3A_384 : vector<16xi32>
      %add3A_386 = vector.broadcast %mul3A_328 : i32 to vector<16xi32>
      %add3A_387 = arith.addi %add3A_385, %add3A_386 : vector<16xi32>
      tpu.vector_store_idx %arg7[%add3A_387, %broadcast_in_dim3A_335], %gather3A_381 : memref<128x128xf32, #tpu.memory_space<vmem>>[vector<16xi32>, vector<16xi32>], vector<16xf32>,
      %iota3A_388 = tpu.iota {dimensions = array<i32: 0>} : vector<16xi32>
      %mul3A_389 = arith.constant 4 : i32
      %mul3A_390 = arith.muli %scan3A_228, %mul3A_389 : i32
      %add3A_391 = arith.constant 0 : i32
      %add3A_392 = arith.addi %mul3A_390, %add3A_391 : i32
      %mul3A_393 = arith.constant 64 : i32
      %mul3A_394 = arith.muli %add3A_392, %mul3A_393 : i32
      %add3A_395 = arith.constant 48 : i32
      %add3A_396 = arith.addi %mul3A_394, %add3A_395 : i32
      %add3A_397 = vector.broadcast %add3A_396 : i32 to vector<16xi32>
      %add3A_398 = arith.addi %iota3A_388, %add3A_397 : vector<16xi32>
      %gather3A_399 = tpu.vector_load_idx %arg6[%add3A_398, %broadcast_in_dim3A] : memref<768x128xf32, #tpu.memory_space<vmem>>[vector<16xi32>, vector<16xi32>], vector<16xf32>,
      %iota3A_400 = tpu.iota {dimensions = array<i32: 0>} : vector<16xi32>
      %add3A_401 = arith.constant 48 : i32
      %add3A_402 = vector.broadcast %add3A_401 : i32 to vector<16xi32>
      %add3A_403 = arith.addi %iota3A_400, %add3A_402 : vector<16xi32>
      %add3A_404 = vector.broadcast %mul3A_328 : i32 to vector<16xi32>
      %add3A_405 = arith.addi %add3A_403, %add3A_404 : vector<16xi32>
      tpu.vector_store_idx %arg7[%add3A_405, %broadcast_in_dim3A_335], %gather3A_399 : memref<128x128xf32, #tpu.memory_space<vmem>>[vector<16xi32>, vector<16xi32>], vector<16xf32>,
      %slice3A_406 = vector.extract_strided_slice %get3A_232 {offsets = [1], sizes = [1], strides = [1]} : vector<16xi32> to vector<1xi32>
      %squeeze3A_407 = vector.extract %slice3A_406[0] : i32 from vector<1xi32>
      %and3A_408 = arith.constant 127 : i32
      %and3A_409 = arith.andi %squeeze3A_407, %and3A_408 : i32
      %broadcast_in_dim3A_410 = vector.broadcast %and3A_409 : i32 to vector<16xi32>
      %add3A_411 = arith.constant 1 : i32
      %add3A_412 = arith.addi %add3A_323, %add3A_411 : i32
      %broadcast_in_dim3A_413 = vector.broadcast %add3A_412 : i32 to vector<16xi32>
      %iota3A_414 = tpu.iota {dimensions = array<i32: 0>} : vector<16xi32>
      %mul3A_415 = arith.constant 4 : i32
      %mul3A_416 = arith.muli %scan3A_228, %mul3A_415 : i32
      %add3A_417 = arith.constant 1 : i32
      %add3A_418 = arith.addi %mul3A_416, %add3A_417 : i32
      %mul3A_419 = arith.constant 64 : i32
      %mul3A_420 = arith.muli %add3A_418, %mul3A_419 : i32
      %add3A_421 = arith.constant 0 : i32
      %add3A_422 = arith.addi %mul3A_420, %add3A_421 : i32
      %add3A_423 = vector.broadcast %add3A_422 : i32 to vector<16xi32>
      %add3A_424 = arith.addi %iota3A_414, %add3A_423 : vector<16xi32>
      %gather3A_425 = tpu.vector_load_idx %arg6[%add3A_424, %broadcast_in_dim3A_410] : memref<768x128xf32, #tpu.memory_space<vmem>>[vector<16xi32>, vector<16xi32>], vector<16xf32>,
      %iota3A_426 = tpu.iota {dimensions = array<i32: 0>} : vector<16xi32>
      %add3A_427 = arith.constant 0 : i32
      %add3A_428 = vector.broadcast %add3A_427 : i32 to vector<16xi32>
      %add3A_429 = arith.addi %iota3A_426, %add3A_428 : vector<16xi32>
      %add3A_430 = vector.broadcast %mul3A_328 : i32 to vector<16xi32>
      %add3A_431 = arith.addi %add3A_429, %add3A_430 : vector<16xi32>
      tpu.vector_store_idx %arg7[%add3A_431, %broadcast_in_dim3A_413], %gather3A_425 : memref<128x128xf32, #tpu.memory_space<vmem>>[vector<16xi32>, vector<16xi32>], vector<16xf32>,
      %iota3A_432 = tpu.iota {dimensions = array<i32: 0>} : vector<16xi32>
      %mul3A_433 = arith.constant 4 : i32
      %mul3A_434 = arith.muli %scan3A_228, %mul3A_433 : i32
      %add3A_435 = arith.constant 1 : i32
      %add3A_436 = arith.addi %mul3A_434, %add3A_435 : i32
      %mul3A_437 = arith.constant 64 : i32
      %mul3A_438 = arith.muli %add3A_436, %mul3A_437 : i32
      %add3A_439 = arith.constant 16 : i32
      %add3A_440 = arith.addi %mul3A_438, %add3A_439 : i32
      %add3A_441 = vector.broadcast %add3A_440 : i32 to vector<16xi32>
      %add3A_442 = arith.addi %iota3A_432, %add3A_441 : vector<16xi32>
      %gather3A_443 = tpu.vector_load_idx %arg6[%add3A_442, %broadcast_in_dim3A_410] : memref<768x128xf32, #tpu.memory_space<vmem>>[vector<16xi32>, vector<16xi32>], vector<16xf32>,
      %iota3A_444 = tpu.iota {dimensions = array<i32: 0>} : vector<16xi32>
      %add3A_445 = arith.constant 16 : i32
      %add3A_446 = vector.broadcast %add3A_445 : i32 to vector<16xi32>
      %add3A_447 = arith.addi %iota3A_444, %add3A_446 : vector<16xi32>
      %add3A_448 = vector.broadcast %mul3A_328 : i32 to vector<16xi32>
      %add3A_449 = arith.addi %add3A_447, %add3A_448 : vector<16xi32>
      tpu.vector_store_idx %arg7[%add3A_449, %broadcast_in_dim3A_413], %gather3A_443 : memref<128x128xf32, #tpu.memory_space<vmem>>[vector<16xi32>, vector<16xi32>], vector<16xf32>,
      %iota3A_450 = tpu.iota {dimensions = array<i32: 0>} : vector<16xi32>
      %mul3A_451 = arith.constant 4 : i32
      %mul3A_452 = arith.muli %scan3A_228, %mul3A_451 : i32
      %add3A_453 = arith.constant 1 : i32
      %add3A_454 = arith.addi %mul3A_452, %add3A_453 : i32
      %mul3A_455 = arith.constant 64 : i32
      %mul3A_456 = arith.muli %add3A_454, %mul3A_455 : i32
      %add3A_457 = arith.constant 32 : i32
      %add3A_458 = arith.addi %mul3A_456, %add3A_457 : i32
      %add3A_459 = vector.broadcast %add3A_458 : i32 to vector<16xi32>
      %add3A_460 = arith.addi %iota3A_450, %add3A_459 : vector<16xi32>
      %gather3A_461 = tpu.vector_load_idx %arg6[%add3A_460, %broadcast_in_dim3A_410] : memref<768x128xf32, #tpu.memory_space<vmem>>[vector<16xi32>, vector<16xi32>], vector<16xf32>,
      %iota3A_462 = tpu.iota {dimensions = array<i32: 0>} : vector<16xi32>
      %add3A_463 = arith.constant 32 : i32
      %add3A_464 = vector.broadcast %add3A_463 : i32 to vector<16xi32>
      %add3A_465 = arith.addi %iota3A_462, %add3A_464 : vector<16xi32>
      %add3A_466 = vector.broadcast %mul3A_328 : i32 to vector<16xi32>
      %add3A_467 = arith.addi %add3A_465, %add3A_466 : vector<16xi32>
      tpu.vector_store_idx %arg7[%add3A_467, %broadcast_in_dim3A_413], %gather3A_461 : memref<128x128xf32, #tpu.memory_space<vmem>>[vector<16xi32>, vector<16xi32>], vector<16xf32>,
      %iota3A_468 = tpu.iota {dimensions = array<i32: 0>} : vector<16xi32>
      %mul3A_469 = arith.constant 4 : i32
      %mul3A_470 = arith.muli %scan3A_228, %mul3A_469 : i32
      %add3A_471 = arith.constant 1 : i32
      %add3A_472 = arith.addi %mul3A_470, %add3A_471 : i32
      %mul3A_473 = arith.constant 64 : i32
      %mul3A_474 = arith.muli %add3A_472, %mul3A_473 : i32
      %add3A_475 = arith.constant 48 : i32
      %add3A_476 = arith.addi %mul3A_474, %add3A_475 : i32
      %add3A_477 = vector.broadcast %add3A_476 : i32 to vector<16xi32>
      %add3A_478 = arith.addi %iota3A_468, %add3A_477 : vector<16xi32>
      %gather3A_479 = tpu.vector_load_idx %arg6[%add3A_478, %broadcast_in_dim3A_410] : memref<768x128xf32, #tpu.memory_space<vmem>>[vector<16xi32>, vector<16xi32>], vector<16xf32>,
      %iota3A_480 = tpu.iota {dimensions = array<i32: 0>} : vector<16xi32>
      %add3A_481 = arith.constant 48 : i32
      %add3A_482 = vector.broadcast %add3A_481 : i32 to vector<16xi32>
      %add3A_483 = arith.addi %iota3A_480, %add3A_482 : vector<16xi32>
      %add3A_484 = vector.broadcast %mul3A_328 : i32 to vector<16xi32>
      %add3A_485 = arith.addi %add3A_483, %add3A_484 : vector<16xi32>
      tpu.vector_store_idx %arg7[%add3A_485, %broadcast_in_dim3A_413], %gather3A_479 : memref<128x128xf32, #tpu.memory_space<vmem>>[vector<16xi32>, vector<16xi32>], vector<16xf32>,
      %slice3A_486 = vector.extract_strided_slice %get3A_232 {offsets = [2], sizes = [1], strides = [1]} : vector<16xi32> to vector<1xi32>
      %squeeze3A_487 = vector.extract %slice3A_486[0] : i32 from vector<1xi32>
      %and3A_488 = arith.constant 127 : i32
      %and3A_489 = arith.andi %squeeze3A_487, %and3A_488 : i32
      %broadcast_in_dim3A_490 = vector.broadcast %and3A_489 : i32 to vector<16xi32>
      %add3A_491 = arith.constant 2 : i32
      %add3A_492 = arith.addi %add3A_323, %add3A_491 : i32
      %broadcast_in_dim3A_493 = vector.broadcast %add3A_492 : i32 to vector<16xi32>
      %iota3A_494 = tpu.iota {dimensions = array<i32: 0>} : vector<16xi32>
      %mul3A_495 = arith.constant 4 : i32
      %mul3A_496 = arith.muli %scan3A_228, %mul3A_495 : i32
      %add3A_497 = arith.constant 2 : i32
      %add3A_498 = arith.addi %mul3A_496, %add3A_497 : i32
      %mul3A_499 = arith.constant 64 : i32
      %mul3A_500 = arith.muli %add3A_498, %mul3A_499 : i32
      %add3A_501 = arith.constant 0 : i32
      %add3A_502 = arith.addi %mul3A_500, %add3A_501 : i32
      %add3A_503 = vector.broadcast %add3A_502 : i32 to vector<16xi32>
      %add3A_504 = arith.addi %iota3A_494, %add3A_503 : vector<16xi32>
      %gather3A_505 = tpu.vector_load_idx %arg6[%add3A_504, %broadcast_in_dim3A_490] : memref<768x128xf32, #tpu.memory_space<vmem>>[vector<16xi32>, vector<16xi32>], vector<16xf32>,
      %iota3A_506 = tpu.iota {dimensions = array<i32: 0>} : vector<16xi32>
      %add3A_507 = arith.constant 0 : i32
      %add3A_508 = vector.broadcast %add3A_507 : i32 to vector<16xi32>
      %add3A_509 = arith.addi %iota3A_506, %add3A_508 : vector<16xi32>
      %add3A_510 = vector.broadcast %mul3A_328 : i32 to vector<16xi32>
      %add3A_511 = arith.addi %add3A_509, %add3A_510 : vector<16xi32>
      tpu.vector_store_idx %arg7[%add3A_511, %broadcast_in_dim3A_493], %gather3A_505 : memref<128x128xf32, #tpu.memory_space<vmem>>[vector<16xi32>, vector<16xi32>], vector<16xf32>,
      %iota3A_512 = tpu.iota {dimensions = array<i32: 0>} : vector<16xi32>
      %mul3A_513 = arith.constant 4 : i32
      %mul3A_514 = arith.muli %scan3A_228, %mul3A_513 : i32
      %add3A_515 = arith.constant 2 : i32
      %add3A_516 = arith.addi %mul3A_514, %add3A_515 : i32
      %mul3A_517 = arith.constant 64 : i32
      %mul3A_518 = arith.muli %add3A_516, %mul3A_517 : i32
      %add3A_519 = arith.constant 16 : i32
      %add3A_520 = arith.addi %mul3A_518, %add3A_519 : i32
      %add3A_521 = vector.broadcast %add3A_520 : i32 to vector<16xi32>
      %add3A_522 = arith.addi %iota3A_512, %add3A_521 : vector<16xi32>
      %gather3A_523 = tpu.vector_load_idx %arg6[%add3A_522, %broadcast_in_dim3A_490] : memref<768x128xf32, #tpu.memory_space<vmem>>[vector<16xi32>, vector<16xi32>], vector<16xf32>,
      %iota3A_524 = tpu.iota {dimensions = array<i32: 0>} : vector<16xi32>
      %add3A_525 = arith.constant 16 : i32
      %add3A_526 = vector.broadcast %add3A_525 : i32 to vector<16xi32>
      %add3A_527 = arith.addi %iota3A_524, %add3A_526 : vector<16xi32>
      %add3A_528 = vector.broadcast %mul3A_328 : i32 to vector<16xi32>
      %add3A_529 = arith.addi %add3A_527, %add3A_528 : vector<16xi32>
      tpu.vector_store_idx %arg7[%add3A_529, %broadcast_in_dim3A_493], %gather3A_523 : memref<128x128xf32, #tpu.memory_space<vmem>>[vector<16xi32>, vector<16xi32>], vector<16xf32>,
      %iota3A_530 = tpu.iota {dimensions = array<i32: 0>} : vector<16xi32>
      %mul3A_531 = arith.constant 4 : i32
      %mul3A_532 = arith.muli %scan3A_228, %mul3A_531 : i32
      %add3A_533 = arith.constant 2 : i32
      %add3A_534 = arith.addi %mul3A_532, %add3A_533 : i32
      %mul3A_535 = arith.constant 64 : i32
      %mul3A_536 = arith.muli %add3A_534, %mul3A_535 : i32
      %add3A_537 = arith.constant 32 : i32
      %add3A_538 = arith.addi %mul3A_536, %add3A_537 : i32
      %add3A_539 = vector.broadcast %add3A_538 : i32 to vector<16xi32>
      %add3A_540 = arith.addi %iota3A_530, %add3A_539 : vector<16xi32>
      %gather3A_541 = tpu.vector_load_idx %arg6[%add3A_540, %broadcast_in_dim3A_490] : memref<768x128xf32, #tpu.memory_space<vmem>>[vector<16xi32>, vector<16xi32>], vector<16xf32>,
      %iota3A_542 = tpu.iota {dimensions = array<i32: 0>} : vector<16xi32>
      %add3A_543 = arith.constant 32 : i32
      %add3A_544 = vector.broadcast %add3A_543 : i32 to vector<16xi32>
      %add3A_545 = arith.addi %iota3A_542, %add3A_544 : vector<16xi32>
      %add3A_546 = vector.broadcast %mul3A_328 : i32 to vector<16xi32>
      %add3A_547 = arith.addi %add3A_545, %add3A_546 : vector<16xi32>
      tpu.vector_store_idx %arg7[%add3A_547, %broadcast_in_dim3A_493], %gather3A_541 : memref<128x128xf32, #tpu.memory_space<vmem>>[vector<16xi32>, vector<16xi32>], vector<16xf32>,
      %iota3A_548 = tpu.iota {dimensions = array<i32: 0>} : vector<16xi32>
      %mul3A_549 = arith.constant 4 : i32
      %mul3A_550 = arith.muli %scan3A_228, %mul3A_549 : i32
      %add3A_551 = arith.constant 2 : i32
      %add3A_552 = arith.addi %mul3A_550, %add3A_551 : i32
      %mul3A_553 = arith.constant 64 : i32
      %mul3A_554 = arith.muli %add3A_552, %mul3A_553 : i32
      %add3A_555 = arith.constant 48 : i32
      %add3A_556 = arith.addi %mul3A_554, %add3A_555 : i32
      %add3A_557 = vector.broadcast %add3A_556 : i32 to vector<16xi32>
      %add3A_558 = arith.addi %iota3A_548, %add3A_557 : vector<16xi32>
      %gather3A_559 = tpu.vector_load_idx %arg6[%add3A_558, %broadcast_in_dim3A_490] : memref<768x128xf32, #tpu.memory_space<vmem>>[vector<16xi32>, vector<16xi32>], vector<16xf32>,
      %iota3A_560 = tpu.iota {dimensions = array<i32: 0>} : vector<16xi32>
      %add3A_561 = arith.constant 48 : i32
      %add3A_562 = vector.broadcast %add3A_561 : i32 to vector<16xi32>
      %add3A_563 = arith.addi %iota3A_560, %add3A_562 : vector<16xi32>
      %add3A_564 = vector.broadcast %mul3A_328 : i32 to vector<16xi32>
      %add3A_565 = arith.addi %add3A_563, %add3A_564 : vector<16xi32>
      tpu.vector_store_idx %arg7[%add3A_565, %broadcast_in_dim3A_493], %gather3A_559 : memref<128x128xf32, #tpu.memory_space<vmem>>[vector<16xi32>, vector<16xi32>], vector<16xf32>,
      %slice3A_566 = vector.extract_strided_slice %get3A_232 {offsets = [3], sizes = [1], strides = [1]} : vector<16xi32> to vector<1xi32>
      %squeeze3A_567 = vector.extract %slice3A_566[0] : i32 from vector<1xi32>
      %and3A_568 = arith.constant 127 : i32
      %and3A_569 = arith.andi %squeeze3A_567, %and3A_568 : i32
      %broadcast_in_dim3A_570 = vector.broadcast %and3A_569 : i32 to vector<16xi32>
      %add3A_571 = arith.constant 3 : i32
      %add3A_572 = arith.addi %add3A_323, %add3A_571 : i32
      %broadcast_in_dim3A_573 = vector.broadcast %add3A_572 : i32 to vector<16xi32>
      %iota3A_574 = tpu.iota {dimensions = array<i32: 0>} : vector<16xi32>
      %mul3A_575 = arith.constant 4 : i32
      %mul3A_576 = arith.muli %scan3A_228, %mul3A_575 : i32
      %add3A_577 = arith.constant 3 : i32
      %add3A_578 = arith.addi %mul3A_576, %add3A_577 : i32
      %mul3A_579 = arith.constant 64 : i32
      %mul3A_580 = arith.muli %add3A_578, %mul3A_579 : i32
      %add3A_581 = arith.constant 0 : i32
      %add3A_582 = arith.addi %mul3A_580, %add3A_581 : i32
      %add3A_583 = vector.broadcast %add3A_582 : i32 to vector<16xi32>
      %add3A_584 = arith.addi %iota3A_574, %add3A_583 : vector<16xi32>
      %gather3A_585 = tpu.vector_load_idx %arg6[%add3A_584, %broadcast_in_dim3A_570] : memref<768x128xf32, #tpu.memory_space<vmem>>[vector<16xi32>, vector<16xi32>], vector<16xf32>,
      %iota3A_586 = tpu.iota {dimensions = array<i32: 0>} : vector<16xi32>
      %add3A_587 = arith.constant 0 : i32
      %add3A_588 = vector.broadcast %add3A_587 : i32 to vector<16xi32>
      %add3A_589 = arith.addi %iota3A_586, %add3A_588 : vector<16xi32>
      %add3A_590 = vector.broadcast %mul3A_328 : i32 to vector<16xi32>
      %add3A_591 = arith.addi %add3A_589, %add3A_590 : vector<16xi32>
      tpu.vector_store_idx %arg7[%add3A_591, %broadcast_in_dim3A_573], %gather3A_585 : memref<128x128xf32, #tpu.memory_space<vmem>>[vector<16xi32>, vector<16xi32>], vector<16xf32>,
      %iota3A_592 = tpu.iota {dimensions = array<i32: 0>} : vector<16xi32>
      %mul3A_593 = arith.constant 4 : i32
      %mul3A_594 = arith.muli %scan3A_228, %mul3A_593 : i32
      %add3A_595 = arith.constant 3 : i32
      %add3A_596 = arith.addi %mul3A_594, %add3A_595 : i32
      %mul3A_597 = arith.constant 64 : i32
      %mul3A_598 = arith.muli %add3A_596, %mul3A_597 : i32
      %add3A_599 = arith.constant 16 : i32
      %add3A_600 = arith.addi %mul3A_598, %add3A_599 : i32
      %add3A_601 = vector.broadcast %add3A_600 : i32 to vector<16xi32>
      %add3A_602 = arith.addi %iota3A_592, %add3A_601 : vector<16xi32>
      %gather3A_603 = tpu.vector_load_idx %arg6[%add3A_602, %broadcast_in_dim3A_570] : memref<768x128xf32, #tpu.memory_space<vmem>>[vector<16xi32>, vector<16xi32>], vector<16xf32>,
      %iota3A_604 = tpu.iota {dimensions = array<i32: 0>} : vector<16xi32>
      %add3A_605 = arith.constant 16 : i32
      %add3A_606 = vector.broadcast %add3A_605 : i32 to vector<16xi32>
      %add3A_607 = arith.addi %iota3A_604, %add3A_606 : vector<16xi32>
      %add3A_608 = vector.broadcast %mul3A_328 : i32 to vector<16xi32>
      %add3A_609 = arith.addi %add3A_607, %add3A_608 : vector<16xi32>
      tpu.vector_store_idx %arg7[%add3A_609, %broadcast_in_dim3A_573], %gather3A_603 : memref<128x128xf32, #tpu.memory_space<vmem>>[vector<16xi32>, vector<16xi32>], vector<16xf32>,
      %iota3A_610 = tpu.iota {dimensions = array<i32: 0>} : vector<16xi32>
      %mul3A_611 = arith.constant 4 : i32
      %mul3A_612 = arith.muli %scan3A_228, %mul3A_611 : i32
      %add3A_613 = arith.constant 3 : i32
      %add3A_614 = arith.addi %mul3A_612, %add3A_613 : i32
      %mul3A_615 = arith.constant 64 : i32
      %mul3A_616 = arith.muli %add3A_614, %mul3A_615 : i32
      %add3A_617 = arith.constant 32 : i32
      %add3A_618 = arith.addi %mul3A_616, %add3A_617 : i32
      %add3A_619 = vector.broadcast %add3A_618 : i32 to vector<16xi32>
      %add3A_620 = arith.addi %iota3A_610, %add3A_619 : vector<16xi32>
      %gather3A_621 = tpu.vector_load_idx %arg6[%add3A_620, %broadcast_in_dim3A_570] : memref<768x128xf32, #tpu.memory_space<vmem>>[vector<16xi32>, vector<16xi32>], vector<16xf32>,
      %iota3A_622 = tpu.iota {dimensions = array<i32: 0>} : vector<16xi32>
      %add3A_623 = arith.constant 32 : i32
      %add3A_624 = vector.broadcast %add3A_623 : i32 to vector<16xi32>
      %add3A_625 = arith.addi %iota3A_622, %add3A_624 : vector<16xi32>
      %add3A_626 = vector.broadcast %mul3A_328 : i32 to vector<16xi32>
      %add3A_627 = arith.addi %add3A_625, %add3A_626 : vector<16xi32>
      tpu.vector_store_idx %arg7[%add3A_627, %broadcast_in_dim3A_573], %gather3A_621 : memref<128x128xf32, #tpu.memory_space<vmem>>[vector<16xi32>, vector<16xi32>], vector<16xf32>,
      %iota3A_628 = tpu.iota {dimensions = array<i32: 0>} : vector<16xi32>
      %mul3A_629 = arith.constant 4 : i32
      %mul3A_630 = arith.muli %scan3A_228, %mul3A_629 : i32
      %add3A_631 = arith.constant 3 : i32
      %add3A_632 = arith.addi %mul3A_630, %add3A_631 : i32
      %mul3A_633 = arith.constant 64 : i32
      %mul3A_634 = arith.muli %add3A_632, %mul3A_633 : i32
      %add3A_635 = arith.constant 48 : i32
      %add3A_636 = arith.addi %mul3A_634, %add3A_635 : i32
      %add3A_637 = vector.broadcast %add3A_636 : i32 to vector<16xi32>
      %add3A_638 = arith.addi %iota3A_628, %add3A_637 : vector<16xi32>
      %gather3A_639 = tpu.vector_load_idx %arg6[%add3A_638, %broadcast_in_dim3A_570] : memref<768x128xf32, #tpu.memory_space<vmem>>[vector<16xi32>, vector<16xi32>], vector<16xf32>,
      %iota3A_640 = tpu.iota {dimensions = array<i32: 0>} : vector<16xi32>
      %add3A_641 = arith.constant 48 : i32
      %add3A_642 = vector.broadcast %add3A_641 : i32 to vector<16xi32>
      %add3A_643 = arith.addi %iota3A_640, %add3A_642 : vector<16xi32>
      %add3A_644 = vector.broadcast %mul3A_328 : i32 to vector<16xi32>
      %add3A_645 = arith.addi %add3A_643, %add3A_644 : vector<16xi32>
      tpu.vector_store_idx %arg7[%add3A_645, %broadcast_in_dim3A_573], %gather3A_639 : memref<128x128xf32, #tpu.memory_space<vmem>>[vector<16xi32>, vector<16xi32>], vector<16xf32>,
      %slice3A_646 = vector.extract_strided_slice %get3A_232 {offsets = [12], sizes = [1], strides = [1]} : vector<16xi32> to vector<1xi32>
      %squeeze3A_647 = vector.extract %slice3A_646[0] : i32 from vector<1xi32>
      %shift_right_logical3A_648 = arith.constant 7 : i32
      %shift_right_logical3A_649 = arith.shrui %squeeze3A_647, %shift_right_logical3A_648 : i32
      %shift_left3A_650 = arith.constant 7 : i32
      %shift_left3A_651 = arith.shli %shift_right_logical3A_649, %shift_left3A_650 : i32
      %multiple_of3A_652 = tpu.assume_multiple %shift_left3A_651, 128 : i32
      %mul3A_653 = arith.constant 4 : i32
      %mul3A_654 = arith.muli %scan3A_228, %mul3A_653 : i32
      %add3A_655 = arith.constant 0 : i32
      %add3A_656 = arith.addi %mul3A_654, %add3A_655 : i32
      %mul3A_657 = arith.constant 64 : i32
      %mul3A_658 = arith.muli %add3A_656, %mul3A_657 : i32
      %dma_start3A_659 = arith.constant 0 : i32
      %dma_start3A_660 = tpu.memref_slice %arg6[%mul3A_658, %dma_start3A_659] : memref<768x128xf32, #tpu.memory_space<vmem>> -> memref<64x128xf32, #tpu.memory_space<vmem>>
      %dma_start3A_661 = arith.constant 0 : i32
      %dma_start3A_662 = tpu.memref_slice %arg3[%dma_start3A_661, %multiple_of3A_652] : memref<64x1000000xf32, #tpu.memory_space<hbm>> -> memref<64x128xf32, #tpu.memory_space<hbm>>
      %dma_start3A_663 = arith.constant 0 : i32
      %dma_start3A_664 = tpu.memref_slice %arg6[%mul3A_658, %dma_start3A_663] : memref<768x128xf32, #tpu.memory_space<vmem>> -> memref<64x128xf32, #tpu.memory_space<vmem>>
      %dma_start3A_665 = arith.constant 0 : i32
      %dma_start3A_666 = tpu.memref_slice %arg3[%dma_start3A_665, %multiple_of3A_652] : memref<64x1000000xf32, #tpu.memory_space<hbm>> -> memref<64x128xf32, #tpu.memory_space<hbm>>
      tpu.enqueue_dma source(%dma_start3A_666 : memref<64x128xf32, #tpu.memory_space<hbm>>) target(%dma_start3A_664 : memref<64x128xf32, #tpu.memory_space<vmem>>) target_semaphore(%arg8 : memref<!tpu.dma_semaphore, #tpu.memory_space<semaphore_mem>>)
      %slice3A_667 = vector.extract_strided_slice %get3A_232 {offsets = [13], sizes = [1], strides = [1]} : vector<16xi32> to vector<1xi32>
      %squeeze3A_668 = vector.extract %slice3A_667[0] : i32 from vector<1xi32>
      %shift_right_logical3A_669 = arith.constant 7 : i32
      %shift_right_logical3A_670 = arith.shrui %squeeze3A_668, %shift_right_logical3A_669 : i32
      %shift_left3A_671 = arith.constant 7 : i32
      %shift_left3A_672 = arith.shli %shift_right_logical3A_670, %shift_left3A_671 : i32
      %multiple_of3A_673 = tpu.assume_multiple %shift_left3A_672, 128 : i32
      %mul3A_674 = arith.constant 4 : i32
      %mul3A_675 = arith.muli %scan3A_228, %mul3A_674 : i32
      %add3A_676 = arith.constant 1 : i32
      %add3A_677 = arith.addi %mul3A_675, %add3A_676 : i32
      %mul3A_678 = arith.constant 64 : i32
      %mul3A_679 = arith.muli %add3A_677, %mul3A_678 : i32
      %dma_start3A_680 = arith.constant 0 : i32
      %dma_start3A_681 = tpu.memref_slice %arg6[%mul3A_679, %dma_start3A_680] : memref<768x128xf32, #tpu.memory_space<vmem>> -> memref<64x128xf32, #tpu.memory_space<vmem>>
      %dma_start3A_682 = arith.constant 0 : i32
      %dma_start3A_683 = tpu.memref_slice %arg3[%dma_start3A_682, %multiple_of3A_673] : memref<64x1000000xf32, #tpu.memory_space<hbm>> -> memref<64x128xf32, #tpu.memory_space<hbm>>
      %dma_start3A_684 = arith.constant 0 : i32
      %dma_start3A_685 = tpu.memref_slice %arg6[%mul3A_679, %dma_start3A_684] : memref<768x128xf32, #tpu.memory_space<vmem>> -> memref<64x128xf32, #tpu.memory_space<vmem>>
      %dma_start3A_686 = arith.constant 0 : i32
      %dma_start3A_687 = tpu.memref_slice %arg3[%dma_start3A_686, %multiple_of3A_673] : memref<64x1000000xf32, #tpu.memory_space<hbm>> -> memref<64x128xf32, #tpu.memory_space<hbm>>
      tpu.enqueue_dma source(%dma_start3A_687 : memref<64x128xf32, #tpu.memory_space<hbm>>) target(%dma_start3A_685 : memref<64x128xf32, #tpu.memory_space<vmem>>) target_semaphore(%arg8 : memref<!tpu.dma_semaphore, #tpu.memory_space<semaphore_mem>>)
      %slice3A_688 = vector.extract_strided_slice %get3A_232 {offsets = [14], sizes = [1], strides = [1]} : vector<16xi32> to vector<1xi32>
      %squeeze3A_689 = vector.extract %slice3A_688[0] : i32 from vector<1xi32>
      %shift_right_logical3A_690 = arith.constant 7 : i32
      %shift_right_logical3A_691 = arith.shrui %squeeze3A_689, %shift_right_logical3A_690 : i32
      %shift_left3A_692 = arith.constant 7 : i32
      %shift_left3A_693 = arith.shli %shift_right_logical3A_691, %shift_left3A_692 : i32
      %multiple_of3A_694 = tpu.assume_multiple %shift_left3A_693, 128 : i32
      %mul3A_695 = arith.constant 4 : i32
      %mul3A_696 = arith.muli %scan3A_228, %mul3A_695 : i32
      %add3A_697 = arith.constant 2 : i32
      %add3A_698 = arith.addi %mul3A_696, %add3A_697 : i32
      %mul3A_699 = arith.constant 64 : i32
      %mul3A_700 = arith.muli %add3A_698, %mul3A_699 : i32
      %dma_start3A_701 = arith.constant 0 : i32
      %dma_start3A_702 = tpu.memref_slice %arg6[%mul3A_700, %dma_start3A_701] : memref<768x128xf32, #tpu.memory_space<vmem>> -> memref<64x128xf32, #tpu.memory_space<vmem>>
      %dma_start3A_703 = arith.constant 0 : i32
      %dma_start3A_704 = tpu.memref_slice %arg3[%dma_start3A_703, %multiple_of3A_694] : memref<64x1000000xf32, #tpu.memory_space<hbm>> -> memref<64x128xf32, #tpu.memory_space<hbm>>
      %dma_start3A_705 = arith.constant 0 : i32
      %dma_start3A_706 = tpu.memref_slice %arg6[%mul3A_700, %dma_start3A_705] : memref<768x128xf32, #tpu.memory_space<vmem>> -> memref<64x128xf32, #tpu.memory_space<vmem>>
      %dma_start3A_707 = arith.constant 0 : i32
      %dma_start3A_708 = tpu.memref_slice %arg3[%dma_start3A_707, %multiple_of3A_694] : memref<64x1000000xf32, #tpu.memory_space<hbm>> -> memref<64x128xf32, #tpu.memory_space<hbm>>
      tpu.enqueue_dma source(%dma_start3A_708 : memref<64x128xf32, #tpu.memory_space<hbm>>) target(%dma_start3A_706 : memref<64x128xf32, #tpu.memory_space<vmem>>) target_semaphore(%arg8 : memref<!tpu.dma_semaphore, #tpu.memory_space<semaphore_mem>>)
      %slice3A_709 = vector.extract_strided_slice %get3A_232 {offsets = [15], sizes = [1], strides = [1]} : vector<16xi32> to vector<1xi32>
      %squeeze3A_710 = vector.extract %slice3A_709[0] : i32 from vector<1xi32>
      %shift_right_logical3A_711 = arith.constant 7 : i32
      %shift_right_logical3A_712 = arith.shrui %squeeze3A_710, %shift_right_logical3A_711 : i32
      %shift_left3A_713 = arith.constant 7 : i32
      %shift_left3A_714 = arith.shli %shift_right_logical3A_712, %shift_left3A_713 : i32
      %multiple_of3A_715 = tpu.assume_multiple %shift_left3A_714, 128 : i32
      %mul3A_716 = arith.constant 4 : i32
      %mul3A_717 = arith.muli %scan3A_228, %mul3A_716 : i32
      %add3A_718 = arith.constant 3 : i32
      %add3A_719 = arith.addi %mul3A_717, %add3A_718 : i32
      %mul3A_720 = arith.constant 64 : i32
      %mul3A_721 = arith.muli %add3A_719, %mul3A_720 : i32
      %dma_start3A_722 = arith.constant 0 : i32
      %dma_start3A_723 = tpu.memref_slice %arg6[%mul3A_721, %dma_start3A_722] : memref<768x128xf32, #tpu.memory_space<vmem>> -> memref<64x128xf32, #tpu.memory_space<vmem>>
      %dma_start3A_724 = arith.constant 0 : i32
      %dma_start3A_725 = tpu.memref_slice %arg3[%dma_start3A_724, %multiple_of3A_715] : memref<64x1000000xf32, #tpu.memory_space<hbm>> -> memref<64x128xf32, #tpu.memory_space<hbm>>
      %dma_start3A_726 = arith.constant 0 : i32
      %dma_start3A_727 = tpu.memref_slice %arg6[%mul3A_721, %dma_start3A_726] : memref<768x128xf32, #tpu.memory_space<vmem>> -> memref<64x128xf32, #tpu.memory_space<vmem>>
      %dma_start3A_728 = arith.constant 0 : i32
      %dma_start3A_729 = tpu.memref_slice %arg3[%dma_start3A_728, %multiple_of3A_715] : memref<64x1000000xf32, #tpu.memory_space<hbm>> -> memref<64x128xf32, #tpu.memory_space<hbm>>
      tpu.enqueue_dma source(%dma_start3A_729 : memref<64x128xf32, #tpu.memory_space<hbm>>) target(%dma_start3A_727 : memref<64x128xf32, #tpu.memory_space<vmem>>) target_semaphore(%arg8 : memref<!tpu.dma_semaphore, #tpu.memory_space<semaphore_mem>>)
      %mul3A_730 = arith.constant 4 : i32
      %mul3A_731 = arith.muli %rem3A_241, %mul3A_730 : i32
      %add3A_732 = arith.constant 0 : i32
      %add3A_733 = arith.addi %mul3A_731, %add3A_732 : i32
      %mul3A_734 = arith.constant 64 : i32
      %mul3A_735 = arith.muli %add3A_733, %mul3A_734 : i32
      %dma_wait3A_736 = arith.constant 0 : i32
      %dma_wait3A_737 = tpu.memref_slice %arg6[%mul3A_735, %dma_wait3A_736] : memref<768x128xf32, #tpu.memory_space<vmem>> -> memref<64x128xf32, #tpu.memory_space<vmem>>
      %dma_wait3A_738 = arith.constant 0 : i32
      %dma_wait3A_739 = arith.constant 0 : i32
      %dma_wait3A_740 = tpu.memref_slice %arg3[%dma_wait3A_738, %dma_wait3A_739] : memref<64x1000000xf32, #tpu.memory_space<hbm>> -> memref<64x128xf32, #tpu.memory_space<hbm>>
      %dma_wait3A_741 = arith.constant 0 : i32
      %dma_wait3A_742 = tpu.memref_slice %arg6[%mul3A_735, %dma_wait3A_741] : memref<768x128xf32, #tpu.memory_space<vmem>> -> memref<64x128xf32, #tpu.memory_space<vmem>>
      %dma_wait3A_743 = arith.constant 0 : i32
      %dma_wait3A_744 = arith.constant 0 : i32
      %dma_wait3A_745 = tpu.memref_slice %arg3[%dma_wait3A_743, %dma_wait3A_744] : memref<64x1000000xf32, #tpu.memory_space<hbm>> -> memref<64x128xf32, #tpu.memory_space<hbm>>
      tpu.wait_dma2 semaphore(%arg8 : memref<!tpu.dma_semaphore, #tpu.memory_space<semaphore_mem>>) src(%dma_wait3A_745 : memref<64x128xf32, #tpu.memory_space<hbm>>) dst(%dma_wait3A_742 : memref<64x128xf32, #tpu.memory_space<vmem>>)
      %mul3A_746 = arith.constant 4 : i32
      %mul3A_747 = arith.muli %rem3A_241, %mul3A_746 : i32
      %add3A_748 = arith.constant 1 : i32
      %add3A_749 = arith.addi %mul3A_747, %add3A_748 : i32
      %mul3A_750 = arith.constant 64 : i32
      %mul3A_751 = arith.muli %add3A_749, %mul3A_750 : i32
      %dma_wait3A_752 = arith.constant 0 : i32
      %dma_wait3A_753 = tpu.memref_slice %arg6[%mul3A_751, %dma_wait3A_752] : memref<768x128xf32, #tpu.memory_space<vmem>> -> memref<64x128xf32, #tpu.memory_space<vmem>>
      %dma_wait3A_754 = arith.constant 0 : i32
      %dma_wait3A_755 = arith.constant 0 : i32
      %dma_wait3A_756 = tpu.memref_slice %arg3[%dma_wait3A_754, %dma_wait3A_755] : memref<64x1000000xf32, #tpu.memory_space<hbm>> -> memref<64x128xf32, #tpu.memory_space<hbm>>
      %dma_wait3A_757 = arith.constant 0 : i32
      %dma_wait3A_758 = tpu.memref_slice %arg6[%mul3A_751, %dma_wait3A_757] : memref<768x128xf32, #tpu.memory_space<vmem>> -> memref<64x128xf32, #tpu.memory_space<vmem>>
      %dma_wait3A_759 = arith.constant 0 : i32
      %dma_wait3A_760 = arith.constant 0 : i32
      %dma_wait3A_761 = tpu.memref_slice %arg3[%dma_wait3A_759, %dma_wait3A_760] : memref<64x1000000xf32, #tpu.memory_space<hbm>> -> memref<64x128xf32, #tpu.memory_space<hbm>>
      tpu.wait_dma2 semaphore(%arg8 : memref<!tpu.dma_semaphore, #tpu.memory_space<semaphore_mem>>) src(%dma_wait3A_761 : memref<64x128xf32, #tpu.memory_space<hbm>>) dst(%dma_wait3A_758 : memref<64x128xf32, #tpu.memory_space<vmem>>)
      %mul3A_762 = arith.constant 4 : i32
      %mul3A_763 = arith.muli %rem3A_241, %mul3A_762 : i32
      %add3A_764 = arith.constant 2 : i32
      %add3A_765 = arith.addi %mul3A_763, %add3A_764 : i32
      %mul3A_766 = arith.constant 64 : i32
      %mul3A_767 = arith.muli %add3A_765, %mul3A_766 : i32
      %dma_wait3A_768 = arith.constant 0 : i32
      %dma_wait3A_769 = tpu.memref_slice %arg6[%mul3A_767, %dma_wait3A_768] : memref<768x128xf32, #tpu.memory_space<vmem>> -> memref<64x128xf32, #tpu.memory_space<vmem>>
      %dma_wait3A_770 = arith.constant 0 : i32
      %dma_wait3A_771 = arith.constant 0 : i32
      %dma_wait3A_772 = tpu.memref_slice %arg3[%dma_wait3A_770, %dma_wait3A_771] : memref<64x1000000xf32, #tpu.memory_space<hbm>> -> memref<64x128xf32, #tpu.memory_space<hbm>>
      %dma_wait3A_773 = arith.constant 0 : i32
      %dma_wait3A_774 = tpu.memref_slice %arg6[%mul3A_767, %dma_wait3A_773] : memref<768x128xf32, #tpu.memory_space<vmem>> -> memref<64x128xf32, #tpu.memory_space<vmem>>
      %dma_wait3A_775 = arith.constant 0 : i32
      %dma_wait3A_776 = arith.constant 0 : i32
      %dma_wait3A_777 = tpu.memref_slice %arg3[%dma_wait3A_775, %dma_wait3A_776] : memref<64x1000000xf32, #tpu.memory_space<hbm>> -> memref<64x128xf32, #tpu.memory_space<hbm>>
      tpu.wait_dma2 semaphore(%arg8 : memref<!tpu.dma_semaphore, #tpu.memory_space<semaphore_mem>>) src(%dma_wait3A_777 : memref<64x128xf32, #tpu.memory_space<hbm>>) dst(%dma_wait3A_774 : memref<64x128xf32, #tpu.memory_space<vmem>>)
      %mul3A_778 = arith.constant 4 : i32
      %mul3A_779 = arith.muli %rem3A_241, %mul3A_778 : i32
      %add3A_780 = arith.constant 3 : i32
      %add3A_781 = arith.addi %mul3A_779, %add3A_780 : i32
      %mul3A_782 = arith.constant 64 : i32
      %mul3A_783 = arith.muli %add3A_781, %mul3A_782 : i32
      %dma_wait3A_784 = arith.constant 0 : i32
      %dma_wait3A_785 = tpu.memref_slice %arg6[%mul3A_783, %dma_wait3A_784] : memref<768x128xf32, #tpu.memory_space<vmem>> -> memref<64x128xf32, #tpu.memory_space<vmem>>
      %dma_wait3A_786 = arith.constant 0 : i32
      %dma_wait3A_787 = arith.constant 0 : i32
      %dma_wait3A_788 = tpu.memref_slice %arg3[%dma_wait3A_786, %dma_wait3A_787] : memref<64x1000000xf32, #tpu.memory_space<hbm>> -> memref<64x128xf32, #tpu.memory_space<hbm>>
      %dma_wait3A_789 = arith.constant 0 : i32
      %dma_wait3A_790 = tpu.memref_slice %arg6[%mul3A_783, %dma_wait3A_789] : memref<768x128xf32, #tpu.memory_space<vmem>> -> memref<64x128xf32, #tpu.memory_space<vmem>>
      %dma_wait3A_791 = arith.constant 0 : i32
      %dma_wait3A_792 = arith.constant 0 : i32
      %dma_wait3A_793 = tpu.memref_slice %arg3[%dma_wait3A_791, %dma_wait3A_792] : memref<64x1000000xf32, #tpu.memory_space<hbm>> -> memref<64x128xf32, #tpu.memory_space<hbm>>
      tpu.wait_dma2 semaphore(%arg8 : memref<!tpu.dma_semaphore, #tpu.memory_space<semaphore_mem>>) src(%dma_wait3A_793 : memref<64x128xf32, #tpu.memory_space<hbm>>) dst(%dma_wait3A_790 : memref<64x128xf32, #tpu.memory_space<vmem>>)
      %rem3A_794 = arith.constant 8 : i32
      %rem3A_795 = arith.remsi %scan3A_227, %rem3A_794 : i32
      %mul3A_796 = arith.constant 16 : i32
      %mul3A_797 = arith.muli %rem3A_795, %mul3A_796 : i32
      %add3A_798 = arith.constant 4 : i32
      %add3A_799 = arith.addi %mul3A_797, %add3A_798 : i32
      %div3A_800 = arith.constant 8 : i32
      %div3A_801 = arith.divsi %scan3A_227, %div3A_800 : i32
      %rem3A_802 = arith.constant 2 : i32
      %rem3A_803 = arith.remsi %div3A_801, %rem3A_802 : i32
      %mul3A_804 = arith.constant 64 : i32
      %mul3A_805 = arith.muli %rem3A_803, %mul3A_804 : i32
      %slice3A_806 = vector.extract_strided_slice %get3A_232 {offsets = [4], sizes = [1], strides = [1]} : vector<16xi32> to vector<1xi32>
      %squeeze3A_807 = vector.extract %slice3A_806[0] : i32 from vector<1xi32>
      %and3A_808 = arith.constant 127 : i32
      %and3A_809 = arith.andi %squeeze3A_807, %and3A_808 : i32
      %broadcast_in_dim3A_810 = vector.broadcast %and3A_809 : i32 to vector<16xi32>
      %add3A_811 = arith.constant 0 : i32
      %add3A_812 = arith.addi %add3A_799, %add3A_811 : i32
      %broadcast_in_dim3A_813 = vector.broadcast %add3A_812 : i32 to vector<16xi32>
      %iota3A_814 = tpu.iota {dimensions = array<i32: 0>} : vector<16xi32>
      %mul3A_815 = arith.constant 4 : i32
      %mul3A_816 = arith.muli %rem3A_241, %mul3A_815 : i32
      %add3A_817 = arith.constant 0 : i32
      %add3A_818 = arith.addi %mul3A_816, %add3A_817 : i32
      %mul3A_819 = arith.constant 64 : i32
      %mul3A_820 = arith.muli %add3A_818, %mul3A_819 : i32
      %add3A_821 = arith.constant 0 : i32
      %add3A_822 = arith.addi %mul3A_820, %add3A_821 : i32
      %add3A_823 = vector.broadcast %add3A_822 : i32 to vector<16xi32>
      %add3A_824 = arith.addi %iota3A_814, %add3A_823 : vector<16xi32>
      %gather3A_825 = tpu.vector_load_idx %arg6[%add3A_824, %broadcast_in_dim3A_810] : memref<768x128xf32, #tpu.memory_space<vmem>>[vector<16xi32>, vector<16xi32>], vector<16xf32>,
      %iota3A_826 = tpu.iota {dimensions = array<i32: 0>} : vector<16xi32>
      %add3A_827 = arith.constant 0 : i32
      %add3A_828 = vector.broadcast %add3A_827 : i32 to vector<16xi32>
      %add3A_829 = arith.addi %iota3A_826, %add3A_828 : vector<16xi32>
      %add3A_830 = vector.broadcast %mul3A_805 : i32 to vector<16xi32>
      %add3A_831 = arith.addi %add3A_829, %add3A_830 : vector<16xi32>
      tpu.vector_store_idx %arg7[%add3A_831, %broadcast_in_dim3A_813], %gather3A_825 : memref<128x128xf32, #tpu.memory_space<vmem>>[vector<16xi32>, vector<16xi32>], vector<16xf32>,
      %iota3A_832 = tpu.iota {dimensions = array<i32: 0>} : vector<16xi32>
      %mul3A_833 = arith.constant 4 : i32
      %mul3A_834 = arith.muli %rem3A_241, %mul3A_833 : i32
      %add3A_835 = arith.constant 0 : i32
      %add3A_836 = arith.addi %mul3A_834, %add3A_835 : i32
      %mul3A_837 = arith.constant 64 : i32
      %mul3A_838 = arith.muli %add3A_836, %mul3A_837 : i32
      %add3A_839 = arith.constant 16 : i32
      %add3A_840 = arith.addi %mul3A_838, %add3A_839 : i32
      %add3A_841 = vector.broadcast %add3A_840 : i32 to vector<16xi32>
      %add3A_842 = arith.addi %iota3A_832, %add3A_841 : vector<16xi32>
      %gather3A_843 = tpu.vector_load_idx %arg6[%add3A_842, %broadcast_in_dim3A_810] : memref<768x128xf32, #tpu.memory_space<vmem>>[vector<16xi32>, vector<16xi32>], vector<16xf32>,
      %iota3A_844 = tpu.iota {dimensions = array<i32: 0>} : vector<16xi32>
      %add3A_845 = arith.constant 16 : i32
      %add3A_846 = vector.broadcast %add3A_845 : i32 to vector<16xi32>
      %add3A_847 = arith.addi %iota3A_844, %add3A_846 : vector<16xi32>
      %add3A_848 = vector.broadcast %mul3A_805 : i32 to vector<16xi32>
      %add3A_849 = arith.addi %add3A_847, %add3A_848 : vector<16xi32>
      tpu.vector_store_idx %arg7[%add3A_849, %broadcast_in_dim3A_813], %gather3A_843 : memref<128x128xf32, #tpu.memory_space<vmem>>[vector<16xi32>, vector<16xi32>], vector<16xf32>,
      %iota3A_850 = tpu.iota {dimensions = array<i32: 0>} : vector<16xi32>
      %mul3A_851 = arith.constant 4 : i32
      %mul3A_852 = arith.muli %rem3A_241, %mul3A_851 : i32
      %add3A_853 = arith.constant 0 : i32
      %add3A_854 = arith.addi %mul3A_852, %add3A_853 : i32
      %mul3A_855 = arith.constant 64 : i32
      %mul3A_856 = arith.muli %add3A_854, %mul3A_855 : i32
      %add3A_857 = arith.constant 32 : i32
      %add3A_858 = arith.addi %mul3A_856, %add3A_857 : i32
      %add3A_859 = vector.broadcast %add3A_858 : i32 to vector<16xi32>
      %add3A_860 = arith.addi %iota3A_850, %add3A_859 : vector<16xi32>
      %gather3A_861 = tpu.vector_load_idx %arg6[%add3A_860, %broadcast_in_dim3A_810] : memref<768x128xf32, #tpu.memory_space<vmem>>[vector<16xi32>, vector<16xi32>], vector<16xf32>,
      %iota3A_862 = tpu.iota {dimensions = array<i32: 0>} : vector<16xi32>
      %add3A_863 = arith.constant 32 : i32
      %add3A_864 = vector.broadcast %add3A_863 : i32 to vector<16xi32>
      %add3A_865 = arith.addi %iota3A_862, %add3A_864 : vector<16xi32>
      %add3A_866 = vector.broadcast %mul3A_805 : i32 to vector<16xi32>
      %add3A_867 = arith.addi %add3A_865, %add3A_866 : vector<16xi32>
      tpu.vector_store_idx %arg7[%add3A_867, %broadcast_in_dim3A_813], %gather3A_861 : memref<128x128xf32, #tpu.memory_space<vmem>>[vector<16xi32>, vector<16xi32>], vector<16xf32>,
      %iota3A_868 = tpu.iota {dimensions = array<i32: 0>} : vector<16xi32>
      %mul3A_869 = arith.constant 4 : i32
      %mul3A_870 = arith.muli %rem3A_241, %mul3A_869 : i32
      %add3A_871 = arith.constant 0 : i32
      %add3A_872 = arith.addi %mul3A_870, %add3A_871 : i32
      %mul3A_873 = arith.constant 64 : i32
      %mul3A_874 = arith.muli %add3A_872, %mul3A_873 : i32
      %add3A_875 = arith.constant 48 : i32
      %add3A_876 = arith.addi %mul3A_874, %add3A_875 : i32
      %add3A_877 = vector.broadcast %add3A_876 : i32 to vector<16xi32>
      %add3A_878 = arith.addi %iota3A_868, %add3A_877 : vector<16xi32>
      %gather3A_879 = tpu.vector_load_idx %arg6[%add3A_878, %broadcast_in_dim3A_810] : memref<768x128xf32, #tpu.memory_space<vmem>>[vector<16xi32>, vector<16xi32>], vector<16xf32>,
      %iota3A_880 = tpu.iota {dimensions = array<i32: 0>} : vector<16xi32>
      %add3A_881 = arith.constant 48 : i32
      %add3A_882 = vector.broadcast %add3A_881 : i32 to vector<16xi32>
      %add3A_883 = arith.addi %iota3A_880, %add3A_882 : vector<16xi32>
      %add3A_884 = vector.broadcast %mul3A_805 : i32 to vector<16xi32>
      %add3A_885 = arith.addi %add3A_883, %add3A_884 : vector<16xi32>
      tpu.vector_store_idx %arg7[%add3A_885, %broadcast_in_dim3A_813], %gather3A_879 : memref<128x128xf32, #tpu.memory_space<vmem>>[vector<16xi32>, vector<16xi32>], vector<16xf32>,
      %slice3A_886 = vector.extract_strided_slice %get3A_232 {offsets = [5], sizes = [1], strides = [1]} : vector<16xi32> to vector<1xi32>
      %squeeze3A_887 = vector.extract %slice3A_886[0] : i32 from vector<1xi32>
      %and3A_888 = arith.constant 127 : i32
      %and3A_889 = arith.andi %squeeze3A_887, %and3A_888 : i32
      %broadcast_in_dim3A_890 = vector.broadcast %and3A_889 : i32 to vector<16xi32>
      %add3A_891 = arith.constant 1 : i32
      %add3A_892 = arith.addi %add3A_799, %add3A_891 : i32
      %broadcast_in_dim3A_893 = vector.broadcast %add3A_892 : i32 to vector<16xi32>
      %iota3A_894 = tpu.iota {dimensions = array<i32: 0>} : vector<16xi32>
      %mul3A_895 = arith.constant 4 : i32
      %mul3A_896 = arith.muli %rem3A_241, %mul3A_895 : i32
      %add3A_897 = arith.constant 1 : i32
      %add3A_898 = arith.addi %mul3A_896, %add3A_897 : i32
      %mul3A_899 = arith.constant 64 : i32
      %mul3A_900 = arith.muli %add3A_898, %mul3A_899 : i32
      %add3A_901 = arith.constant 0 : i32
      %add3A_902 = arith.addi %mul3A_900, %add3A_901 : i32
      %add3A_903 = vector.broadcast %add3A_902 : i32 to vector<16xi32>
      %add3A_904 = arith.addi %iota3A_894, %add3A_903 : vector<16xi32>
      %gather3A_905 = tpu.vector_load_idx %arg6[%add3A_904, %broadcast_in_dim3A_890] : memref<768x128xf32, #tpu.memory_space<vmem>>[vector<16xi32>, vector<16xi32>], vector<16xf32>,
      %iota3A_906 = tpu.iota {dimensions = array<i32: 0>} : vector<16xi32>
      %add3A_907 = arith.constant 0 : i32
      %add3A_908 = vector.broadcast %add3A_907 : i32 to vector<16xi32>
      %add3A_909 = arith.addi %iota3A_906, %add3A_908 : vector<16xi32>
      %add3A_910 = vector.broadcast %mul3A_805 : i32 to vector<16xi32>
      %add3A_911 = arith.addi %add3A_909, %add3A_910 : vector<16xi32>
      tpu.vector_store_idx %arg7[%add3A_911, %broadcast_in_dim3A_893], %gather3A_905 : memref<128x128xf32, #tpu.memory_space<vmem>>[vector<16xi32>, vector<16xi32>], vector<16xf32>,
      %iota3A_912 = tpu.iota {dimensions = array<i32: 0>} : vector<16xi32>
      %mul3A_913 = arith.constant 4 : i32
      %mul3A_914 = arith.muli %rem3A_241, %mul3A_913 : i32
      %add3A_915 = arith.constant 1 : i32
      %add3A_916 = arith.addi %mul3A_914, %add3A_915 : i32
      %mul3A_917 = arith.constant 64 : i32
      %mul3A_918 = arith.muli %add3A_916, %mul3A_917 : i32
      %add3A_919 = arith.constant 16 : i32
      %add3A_920 = arith.addi %mul3A_918, %add3A_919 : i32
      %add3A_921 = vector.broadcast %add3A_920 : i32 to vector<16xi32>
      %add3A_922 = arith.addi %iota3A_912, %add3A_921 : vector<16xi32>
      %gather3A_923 = tpu.vector_load_idx %arg6[%add3A_922, %broadcast_in_dim3A_890] : memref<768x128xf32, #tpu.memory_space<vmem>>[vector<16xi32>, vector<16xi32>], vector<16xf32>,
      %iota3A_924 = tpu.iota {dimensions = array<i32: 0>} : vector<16xi32>
      %add3A_925 = arith.constant 16 : i32
      %add3A_926 = vector.broadcast %add3A_925 : i32 to vector<16xi32>
      %add3A_927 = arith.addi %iota3A_924, %add3A_926 : vector<16xi32>
      %add3A_928 = vector.broadcast %mul3A_805 : i32 to vector<16xi32>
      %add3A_929 = arith.addi %add3A_927, %add3A_928 : vector<16xi32>
      tpu.vector_store_idx %arg7[%add3A_929, %broadcast_in_dim3A_893], %gather3A_923 : memref<128x128xf32, #tpu.memory_space<vmem>>[vector<16xi32>, vector<16xi32>], vector<16xf32>,
      %iota3A_930 = tpu.iota {dimensions = array<i32: 0>} : vector<16xi32>
      %mul3A_931 = arith.constant 4 : i32
      %mul3A_932 = arith.muli %rem3A_241, %mul3A_931 : i32
      %add3A_933 = arith.constant 1 : i32
      %add3A_934 = arith.addi %mul3A_932, %add3A_933 : i32
      %mul3A_935 = arith.constant 64 : i32
      %mul3A_936 = arith.muli %add3A_934, %mul3A_935 : i32
      %add3A_937 = arith.constant 32 : i32
      %add3A_938 = arith.addi %mul3A_936, %add3A_937 : i32
      %add3A_939 = vector.broadcast %add3A_938 : i32 to vector<16xi32>
      %add3A_940 = arith.addi %iota3A_930, %add3A_939 : vector<16xi32>
      %gather3A_941 = tpu.vector_load_idx %arg6[%add3A_940, %broadcast_in_dim3A_890] : memref<768x128xf32, #tpu.memory_space<vmem>>[vector<16xi32>, vector<16xi32>], vector<16xf32>,
      %iota3A_942 = tpu.iota {dimensions = array<i32: 0>} : vector<16xi32>
      %add3A_943 = arith.constant 32 : i32
      %add3A_944 = vector.broadcast %add3A_943 : i32 to vector<16xi32>
      %add3A_945 = arith.addi %iota3A_942, %add3A_944 : vector<16xi32>
      %add3A_946 = vector.broadcast %mul3A_805 : i32 to vector<16xi32>
      %add3A_947 = arith.addi %add3A_945, %add3A_946 : vector<16xi32>
      tpu.vector_store_idx %arg7[%add3A_947, %broadcast_in_dim3A_893], %gather3A_941 : memref<128x128xf32, #tpu.memory_space<vmem>>[vector<16xi32>, vector<16xi32>], vector<16xf32>,
      %iota3A_948 = tpu.iota {dimensions = array<i32: 0>} : vector<16xi32>
      %mul3A_949 = arith.constant 4 : i32
      %mul3A_950 = arith.muli %rem3A_241, %mul3A_949 : i32
      %add3A_951 = arith.constant 1 : i32
      %add3A_952 = arith.addi %mul3A_950, %add3A_951 : i32
      %mul3A_953 = arith.constant 64 : i32
      %mul3A_954 = arith.muli %add3A_952, %mul3A_953 : i32
      %add3A_955 = arith.constant 48 : i32
      %add3A_956 = arith.addi %mul3A_954, %add3A_955 : i32
      %add3A_957 = vector.broadcast %add3A_956 : i32 to vector<16xi32>
      %add3A_958 = arith.addi %iota3A_948, %add3A_957 : vector<16xi32>
      %gather3A_959 = tpu.vector_load_idx %arg6[%add3A_958, %broadcast_in_dim3A_890] : memref<768x128xf32, #tpu.memory_space<vmem>>[vector<16xi32>, vector<16xi32>], vector<16xf32>,
      %iota3A_960 = tpu.iota {dimensions = array<i32: 0>} : vector<16xi32>
      %add3A_961 = arith.constant 48 : i32
      %add3A_962 = vector.broadcast %add3A_961 : i32 to vector<16xi32>
      %add3A_963 = arith.addi %iota3A_960, %add3A_962 : vector<16xi32>
      %add3A_964 = vector.broadcast %mul3A_805 : i32 to vector<16xi32>
      %add3A_965 = arith.addi %add3A_963, %add3A_964 : vector<16xi32>
      tpu.vector_store_idx %arg7[%add3A_965, %broadcast_in_dim3A_893], %gather3A_959 : memref<128x128xf32, #tpu.memory_space<vmem>>[vector<16xi32>, vector<16xi32>], vector<16xf32>,
      %slice3A_966 = vector.extract_strided_slice %get3A_232 {offsets = [6], sizes = [1], strides = [1]} : vector<16xi32> to vector<1xi32>
      %squeeze3A_967 = vector.extract %slice3A_966[0] : i32 from vector<1xi32>
      %and3A_968 = arith.constant 127 : i32
      %and3A_969 = arith.andi %squeeze3A_967, %and3A_968 : i32
      %broadcast_in_dim3A_970 = vector.broadcast %and3A_969 : i32 to vector<16xi32>
      %add3A_971 = arith.constant 2 : i32
      %add3A_972 = arith.addi %add3A_799, %add3A_971 : i32
      %broadcast_in_dim3A_973 = vector.broadcast %add3A_972 : i32 to vector<16xi32>
      %iota3A_974 = tpu.iota {dimensions = array<i32: 0>} : vector<16xi32>
      %mul3A_975 = arith.constant 4 : i32
      %mul3A_976 = arith.muli %rem3A_241, %mul3A_975 : i32
      %add3A_977 = arith.constant 2 : i32
      %add3A_978 = arith.addi %mul3A_976, %add3A_977 : i32
      %mul3A_979 = arith.constant 64 : i32
      %mul3A_980 = arith.muli %add3A_978, %mul3A_979 : i32
      %add3A_981 = arith.constant 0 : i32
      %add3A_982 = arith.addi %mul3A_980, %add3A_981 : i32
      %add3A_983 = vector.broadcast %add3A_982 : i32 to vector<16xi32>
      %add3A_984 = arith.addi %iota3A_974, %add3A_983 : vector<16xi32>
      %gather3A_985 = tpu.vector_load_idx %arg6[%add3A_984, %broadcast_in_dim3A_970] : memref<768x128xf32, #tpu.memory_space<vmem>>[vector<16xi32>, vector<16xi32>], vector<16xf32>,
      %iota3A_986 = tpu.iota {dimensions = array<i32: 0>} : vector<16xi32>
      %add3A_987 = arith.constant 0 : i32
      %add3A_988 = vector.broadcast %add3A_987 : i32 to vector<16xi32>
      %add3A_989 = arith.addi %iota3A_986, %add3A_988 : vector<16xi32>
      %add3A_990 = vector.broadcast %mul3A_805 : i32 to vector<16xi32>
      %add3A_991 = arith.addi %add3A_989, %add3A_990 : vector<16xi32>
      tpu.vector_store_idx %arg7[%add3A_991, %broadcast_in_dim3A_973], %gather3A_985 : memref<128x128xf32, #tpu.memory_space<vmem>>[vector<16xi32>, vector<16xi32>], vector<16xf32>,
      %iota3A_992 = tpu.iota {dimensions = array<i32: 0>} : vector<16xi32>
      %mul3A_993 = arith.constant 4 : i32
      %mul3A_994 = arith.muli %rem3A_241, %mul3A_993 : i32
      %add3A_995 = arith.constant 2 : i32
      %add3A_996 = arith.addi %mul3A_994, %add3A_995 : i32
      %mul3A_997 = arith.constant 64 : i32
      %mul3A_998 = arith.muli %add3A_996, %mul3A_997 : i32
      %add3A_999 = arith.constant 16 : i32
      %add3A_1000 = arith.addi %mul3A_998, %add3A_999 : i32
      %add3A_1001 = vector.broadcast %add3A_1000 : i32 to vector<16xi32>
      %add3A_1002 = arith.addi %iota3A_992, %add3A_1001 : vector<16xi32>
      %gather3A_1003 = tpu.vector_load_idx %arg6[%add3A_1002, %broadcast_in_dim3A_970] : memref<768x128xf32, #tpu.memory_space<vmem>>[vector<16xi32>, vector<16xi32>], vector<16xf32>,
      %iota3A_1004 = tpu.iota {dimensions = array<i32: 0>} : vector<16xi32>
      %add3A_1005 = arith.constant 16 : i32
      %add3A_1006 = vector.broadcast %add3A_1005 : i32 to vector<16xi32>
      %add3A_1007 = arith.addi %iota3A_1004, %add3A_1006 : vector<16xi32>
      %add3A_1008 = vector.broadcast %mul3A_805 : i32 to vector<16xi32>
      %add3A_1009 = arith.addi %add3A_1007, %add3A_1008 : vector<16xi32>
      tpu.vector_store_idx %arg7[%add3A_1009, %broadcast_in_dim3A_973], %gather3A_1003 : memref<128x128xf32, #tpu.memory_space<vmem>>[vector<16xi32>, vector<16xi32>], vector<16xf32>,
      %iota3A_1010 = tpu.iota {dimensions = array<i32: 0>} : vector<16xi32>
      %mul3A_1011 = arith.constant 4 : i32
      %mul3A_1012 = arith.muli %rem3A_241, %mul3A_1011 : i32
      %add3A_1013 = arith.constant 2 : i32
      %add3A_1014 = arith.addi %mul3A_1012, %add3A_1013 : i32
      %mul3A_1015 = arith.constant 64 : i32
      %mul3A_1016 = arith.muli %add3A_1014, %mul3A_1015 : i32
      %add3A_1017 = arith.constant 32 : i32
      %add3A_1018 = arith.addi %mul3A_1016, %add3A_1017 : i32
      %add3A_1019 = vector.broadcast %add3A_1018 : i32 to vector<16xi32>
      %add3A_1020 = arith.addi %iota3A_1010, %add3A_1019 : vector<16xi32>
      %gather3A_1021 = tpu.vector_load_idx %arg6[%add3A_1020, %broadcast_in_dim3A_970] : memref<768x128xf32, #tpu.memory_space<vmem>>[vector<16xi32>, vector<16xi32>], vector<16xf32>,
      %iota3A_1022 = tpu.iota {dimensions = array<i32: 0>} : vector<16xi32>
      %add3A_1023 = arith.constant 32 : i32
      %add3A_1024 = vector.broadcast %add3A_1023 : i32 to vector<16xi32>
      %add3A_1025 = arith.addi %iota3A_1022, %add3A_1024 : vector<16xi32>
      %add3A_1026 = vector.broadcast %mul3A_805 : i32 to vector<16xi32>
      %add3A_1027 = arith.addi %add3A_1025, %add3A_1026 : vector<16xi32>
      tpu.vector_store_idx %arg7[%add3A_1027, %broadcast_in_dim3A_973], %gather3A_1021 : memref<128x128xf32, #tpu.memory_space<vmem>>[vector<16xi32>, vector<16xi32>], vector<16xf32>,
      %iota3A_1028 = tpu.iota {dimensions = array<i32: 0>} : vector<16xi32>
      %mul3A_1029 = arith.constant 4 : i32
      %mul3A_1030 = arith.muli %rem3A_241, %mul3A_1029 : i32
      %add3A_1031 = arith.constant 2 : i32
      %add3A_1032 = arith.addi %mul3A_1030, %add3A_1031 : i32
      %mul3A_1033 = arith.constant 64 : i32
      %mul3A_1034 = arith.muli %add3A_1032, %mul3A_1033 : i32
      %add3A_1035 = arith.constant 48 : i32
      %add3A_1036 = arith.addi %mul3A_1034, %add3A_1035 : i32
      %add3A_1037 = vector.broadcast %add3A_1036 : i32 to vector<16xi32>
      %add3A_1038 = arith.addi %iota3A_1028, %add3A_1037 : vector<16xi32>
      %gather3A_1039 = tpu.vector_load_idx %arg6[%add3A_1038, %broadcast_in_dim3A_970] : memref<768x128xf32, #tpu.memory_space<vmem>>[vector<16xi32>, vector<16xi32>], vector<16xf32>,
      %iota3A_1040 = tpu.iota {dimensions = array<i32: 0>} : vector<16xi32>
      %add3A_1041 = arith.constant 48 : i32
      %add3A_1042 = vector.broadcast %add3A_1041 : i32 to vector<16xi32>
      %add3A_1043 = arith.addi %iota3A_1040, %add3A_1042 : vector<16xi32>
      %add3A_1044 = vector.broadcast %mul3A_805 : i32 to vector<16xi32>
      %add3A_1045 = arith.addi %add3A_1043, %add3A_1044 : vector<16xi32>
      tpu.vector_store_idx %arg7[%add3A_1045, %broadcast_in_dim3A_973], %gather3A_1039 : memref<128x128xf32, #tpu.memory_space<vmem>>[vector<16xi32>, vector<16xi32>], vector<16xf32>,
      %slice3A_1046 = vector.extract_strided_slice %get3A_232 {offsets = [7], sizes = [1], strides = [1]} : vector<16xi32> to vector<1xi32>
      %squeeze3A_1047 = vector.extract %slice3A_1046[0] : i32 from vector<1xi32>
      %and3A_1048 = arith.constant 127 : i32
      %and3A_1049 = arith.andi %squeeze3A_1047, %and3A_1048 : i32
      %broadcast_in_dim3A_1050 = vector.broadcast %and3A_1049 : i32 to vector<16xi32>
      %add3A_1051 = arith.constant 3 : i32
      %add3A_1052 = arith.addi %add3A_799, %add3A_1051 : i32
      %broadcast_in_dim3A_1053 = vector.broadcast %add3A_1052 : i32 to vector<16xi32>
      %iota3A_1054 = tpu.iota {dimensions = array<i32: 0>} : vector<16xi32>
      %mul3A_1055 = arith.constant 4 : i32
      %mul3A_1056 = arith.muli %rem3A_241, %mul3A_1055 : i32
      %add3A_1057 = arith.constant 3 : i32
      %add3A_1058 = arith.addi %mul3A_1056, %add3A_1057 : i32
      %mul3A_1059 = arith.constant 64 : i32
      %mul3A_1060 = arith.muli %add3A_1058, %mul3A_1059 : i32
      %add3A_1061 = arith.constant 0 : i32
      %add3A_1062 = arith.addi %mul3A_1060, %add3A_1061 : i32
      %add3A_1063 = vector.broadcast %add3A_1062 : i32 to vector<16xi32>
      %add3A_1064 = arith.addi %iota3A_1054, %add3A_1063 : vector<16xi32>
      %gather3A_1065 = tpu.vector_load_idx %arg6[%add3A_1064, %broadcast_in_dim3A_1050] : memref<768x128xf32, #tpu.memory_space<vmem>>[vector<16xi32>, vector<16xi32>], vector<16xf32>,
      %iota3A_1066 = tpu.iota {dimensions = array<i32: 0>} : vector<16xi32>
      %add3A_1067 = arith.constant 0 : i32
      %add3A_1068 = vector.broadcast %add3A_1067 : i32 to vector<16xi32>
      %add3A_1069 = arith.addi %iota3A_1066, %add3A_1068 : vector<16xi32>
      %add3A_1070 = vector.broadcast %mul3A_805 : i32 to vector<16xi32>
      %add3A_1071 = arith.addi %add3A_1069, %add3A_1070 : vector<16xi32>
      tpu.vector_store_idx %arg7[%add3A_1071, %broadcast_in_dim3A_1053], %gather3A_1065 : memref<128x128xf32, #tpu.memory_space<vmem>>[vector<16xi32>, vector<16xi32>], vector<16xf32>,
      %iota3A_1072 = tpu.iota {dimensions = array<i32: 0>} : vector<16xi32>
      %mul3A_1073 = arith.constant 4 : i32
      %mul3A_1074 = arith.muli %rem3A_241, %mul3A_1073 : i32
      %add3A_1075 = arith.constant 3 : i32
      %add3A_1076 = arith.addi %mul3A_1074, %add3A_1075 : i32
      %mul3A_1077 = arith.constant 64 : i32
      %mul3A_1078 = arith.muli %add3A_1076, %mul3A_1077 : i32
      %add3A_1079 = arith.constant 16 : i32
      %add3A_1080 = arith.addi %mul3A_1078, %add3A_1079 : i32
      %add3A_1081 = vector.broadcast %add3A_1080 : i32 to vector<16xi32>
      %add3A_1082 = arith.addi %iota3A_1072, %add3A_1081 : vector<16xi32>
      %gather3A_1083 = tpu.vector_load_idx %arg6[%add3A_1082, %broadcast_in_dim3A_1050] : memref<768x128xf32, #tpu.memory_space<vmem>>[vector<16xi32>, vector<16xi32>], vector<16xf32>,
      %iota3A_1084 = tpu.iota {dimensions = array<i32: 0>} : vector<16xi32>
      %add3A_1085 = arith.constant 16 : i32
      %add3A_1086 = vector.broadcast %add3A_1085 : i32 to vector<16xi32>
      %add3A_1087 = arith.addi %iota3A_1084, %add3A_1086 : vector<16xi32>
      %add3A_1088 = vector.broadcast %mul3A_805 : i32 to vector<16xi32>
      %add3A_1089 = arith.addi %add3A_1087, %add3A_1088 : vector<16xi32>
      tpu.vector_store_idx %arg7[%add3A_1089, %broadcast_in_dim3A_1053], %gather3A_1083 : memref<128x128xf32, #tpu.memory_space<vmem>>[vector<16xi32>, vector<16xi32>], vector<16xf32>,
      %iota3A_1090 = tpu.iota {dimensions = array<i32: 0>} : vector<16xi32>
      %mul3A_1091 = arith.constant 4 : i32
      %mul3A_1092 = arith.muli %rem3A_241, %mul3A_1091 : i32
      %add3A_1093 = arith.constant 3 : i32
      %add3A_1094 = arith.addi %mul3A_1092, %add3A_1093 : i32
      %mul3A_1095 = arith.constant 64 : i32
      %mul3A_1096 = arith.muli %add3A_1094, %mul3A_1095 : i32
      %add3A_1097 = arith.constant 32 : i32
      %add3A_1098 = arith.addi %mul3A_1096, %add3A_1097 : i32
      %add3A_1099 = vector.broadcast %add3A_1098 : i32 to vector<16xi32>
      %add3A_1100 = arith.addi %iota3A_1090, %add3A_1099 : vector<16xi32>
      %gather3A_1101 = tpu.vector_load_idx %arg6[%add3A_1100, %broadcast_in_dim3A_1050] : memref<768x128xf32, #tpu.memory_space<vmem>>[vector<16xi32>, vector<16xi32>], vector<16xf32>,
      %iota3A_1102 = tpu.iota {dimensions = array<i32: 0>} : vector<16xi32>
      %add3A_1103 = arith.constant 32 : i32
      %add3A_1104 = vector.broadcast %add3A_1103 : i32 to vector<16xi32>
      %add3A_1105 = arith.addi %iota3A_1102, %add3A_1104 : vector<16xi32>
      %add3A_1106 = vector.broadcast %mul3A_805 : i32 to vector<16xi32>
      %add3A_1107 = arith.addi %add3A_1105, %add3A_1106 : vector<16xi32>
      tpu.vector_store_idx %arg7[%add3A_1107, %broadcast_in_dim3A_1053], %gather3A_1101 : memref<128x128xf32, #tpu.memory_space<vmem>>[vector<16xi32>, vector<16xi32>], vector<16xf32>,
      %iota3A_1108 = tpu.iota {dimensions = array<i32: 0>} : vector<16xi32>
      %mul3A_1109 = arith.constant 4 : i32
      %mul3A_1110 = arith.muli %rem3A_241, %mul3A_1109 : i32
      %add3A_1111 = arith.constant 3 : i32
      %add3A_1112 = arith.addi %mul3A_1110, %add3A_1111 : i32
      %mul3A_1113 = arith.constant 64 : i32
      %mul3A_1114 = arith.muli %add3A_1112, %mul3A_1113 : i32
      %add3A_1115 = arith.constant 48 : i32
      %add3A_1116 = arith.addi %mul3A_1114, %add3A_1115 : i32
      %add3A_1117 = vector.broadcast %add3A_1116 : i32 to vector<16xi32>
      %add3A_1118 = arith.addi %iota3A_1108, %add3A_1117 : vector<16xi32>
      %gather3A_1119 = tpu.vector_load_idx %arg6[%add3A_1118, %broadcast_in_dim3A_1050] : memref<768x128xf32, #tpu.memory_space<vmem>>[vector<16xi32>, vector<16xi32>], vector<16xf32>,
      %iota3A_1120 = tpu.iota {dimensions = array<i32: 0>} : vector<16xi32>
      %add3A_1121 = arith.constant 48 : i32
      %add3A_1122 = vector.broadcast %add3A_1121 : i32 to vector<16xi32>
      %add3A_1123 = arith.addi %iota3A_1120, %add3A_1122 : vector<16xi32>
      %add3A_1124 = vector.broadcast %mul3A_805 : i32 to vector<16xi32>
      %add3A_1125 = arith.addi %add3A_1123, %add3A_1124 : vector<16xi32>
      tpu.vector_store_idx %arg7[%add3A_1125, %broadcast_in_dim3A_1053], %gather3A_1119 : memref<128x128xf32, #tpu.memory_space<vmem>>[vector<16xi32>, vector<16xi32>], vector<16xf32>,
      %convert_element_type3A_1126 = arith.extui %lt3A_248 : i1 to i32
      %cond3A_1127 = arith.constant 0 : i32
      %cond3A_1128 = arith.cmpi ne, %convert_element_type3A_1126, %cond3A_1127 : i32
      scf.if %cond3A_1128 {
        %slice3A_1934 = vector.extract_strided_slice %get3A_238 {offsets = [0], sizes = [1], strides = [1]} : vector<16xi32> to vector<1xi32>
        %squeeze3A_1935 = vector.extract %slice3A_1934[0] : i32 from vector<1xi32>
        %shift_right_logical3A_1936 = arith.constant 7 : i32
        %shift_right_logical3A_1937 = arith.shrui %squeeze3A_1935, %shift_right_logical3A_1936 : i32
        %shift_left3A_1938 = arith.constant 7 : i32
        %shift_left3A_1939 = arith.shli %shift_right_logical3A_1937, %shift_left3A_1938 : i32
        %multiple_of3A_1940 = tpu.assume_multiple %shift_left3A_1939, 128 : i32
        %mul3A_1941 = arith.constant 4 : i32
        %mul3A_1942 = arith.muli %rem3A_241, %mul3A_1941 : i32
        %add3A_1943 = arith.constant 0 : i32
        %add3A_1944 = arith.addi %mul3A_1942, %add3A_1943 : i32
        %mul3A_1945 = arith.constant 64 : i32
        %mul3A_1946 = arith.muli %add3A_1944, %mul3A_1945 : i32
        %dma_start3A_1947 = arith.constant 0 : i32
        %dma_start3A_1948 = tpu.memref_slice %arg6[%mul3A_1946, %dma_start3A_1947] : memref<768x128xf32, #tpu.memory_space<vmem>> -> memref<64x128xf32, #tpu.memory_space<vmem>>
        %dma_start3A_1949 = arith.constant 0 : i32
        %dma_start3A_1950 = tpu.memref_slice %arg3[%dma_start3A_1949, %multiple_of3A_1940] : memref<64x1000000xf32, #tpu.memory_space<hbm>> -> memref<64x128xf32, #tpu.memory_space<hbm>>
        %dma_start3A_1951 = arith.constant 0 : i32
        %dma_start3A_1952 = tpu.memref_slice %arg6[%mul3A_1946, %dma_start3A_1951] : memref<768x128xf32, #tpu.memory_space<vmem>> -> memref<64x128xf32, #tpu.memory_space<vmem>>
        %dma_start3A_1953 = arith.constant 0 : i32
        %dma_start3A_1954 = tpu.memref_slice %arg3[%dma_start3A_1953, %multiple_of3A_1940] : memref<64x1000000xf32, #tpu.memory_space<hbm>> -> memref<64x128xf32, #tpu.memory_space<hbm>>
        tpu.enqueue_dma source(%dma_start3A_1954 : memref<64x128xf32, #tpu.memory_space<hbm>>) target(%dma_start3A_1952 : memref<64x128xf32, #tpu.memory_space<vmem>>) target_semaphore(%arg8 : memref<!tpu.dma_semaphore, #tpu.memory_space<semaphore_mem>>)
        %slice3A_1955 = vector.extract_strided_slice %get3A_238 {offsets = [1], sizes = [1], strides = [1]} : vector<16xi32> to vector<1xi32>
        %squeeze3A_1956 = vector.extract %slice3A_1955[0] : i32 from vector<1xi32>
        %shift_right_logical3A_1957 = arith.constant 7 : i32
        %shift_right_logical3A_1958 = arith.shrui %squeeze3A_1956, %shift_right_logical3A_1957 : i32
        %shift_left3A_1959 = arith.constant 7 : i32
        %shift_left3A_1960 = arith.shli %shift_right_logical3A_1958, %shift_left3A_1959 : i32
        %multiple_of3A_1961 = tpu.assume_multiple %shift_left3A_1960, 128 : i32
        %mul3A_1962 = arith.constant 4 : i32
        %mul3A_1963 = arith.muli %rem3A_241, %mul3A_1962 : i32
        %add3A_1964 = arith.constant 1 : i32
        %add3A_1965 = arith.addi %mul3A_1963, %add3A_1964 : i32
        %mul3A_1966 = arith.constant 64 : i32
        %mul3A_1967 = arith.muli %add3A_1965, %mul3A_1966 : i32
        %dma_start3A_1968 = arith.constant 0 : i32
        %dma_start3A_1969 = tpu.memref_slice %arg6[%mul3A_1967, %dma_start3A_1968] : memref<768x128xf32, #tpu.memory_space<vmem>> -> memref<64x128xf32, #tpu.memory_space<vmem>>
        %dma_start3A_1970 = arith.constant 0 : i32
        %dma_start3A_1971 = tpu.memref_slice %arg3[%dma_start3A_1970, %multiple_of3A_1961] : memref<64x1000000xf32, #tpu.memory_space<hbm>> -> memref<64x128xf32, #tpu.memory_space<hbm>>
        %dma_start3A_1972 = arith.constant 0 : i32
        %dma_start3A_1973 = tpu.memref_slice %arg6[%mul3A_1967, %dma_start3A_1972] : memref<768x128xf32, #tpu.memory_space<vmem>> -> memref<64x128xf32, #tpu.memory_space<vmem>>
        %dma_start3A_1974 = arith.constant 0 : i32
        %dma_start3A_1975 = tpu.memref_slice %arg3[%dma_start3A_1974, %multiple_of3A_1961] : memref<64x1000000xf32, #tpu.memory_space<hbm>> -> memref<64x128xf32, #tpu.memory_space<hbm>>
        tpu.enqueue_dma source(%dma_start3A_1975 : memref<64x128xf32, #tpu.memory_space<hbm>>) target(%dma_start3A_1973 : memref<64x128xf32, #tpu.memory_space<vmem>>) target_semaphore(%arg8 : memref<!tpu.dma_semaphore, #tpu.memory_space<semaphore_mem>>)
        %slice3A_1976 = vector.extract_strided_slice %get3A_238 {offsets = [2], sizes = [1], strides = [1]} : vector<16xi32> to vector<1xi32>
        %squeeze3A_1977 = vector.extract %slice3A_1976[0] : i32 from vector<1xi32>
        %shift_right_logical3A_1978 = arith.constant 7 : i32
        %shift_right_logical3A_1979 = arith.shrui %squeeze3A_1977, %shift_right_logical3A_1978 : i32
        %shift_left3A_1980 = arith.constant 7 : i32
        %shift_left3A_1981 = arith.shli %shift_right_logical3A_1979, %shift_left3A_1980 : i32
        %multiple_of3A_1982 = tpu.assume_multiple %shift_left3A_1981, 128 : i32
        %mul3A_1983 = arith.constant 4 : i32
        %mul3A_1984 = arith.muli %rem3A_241, %mul3A_1983 : i32
        %add3A_1985 = arith.constant 2 : i32
        %add3A_1986 = arith.addi %mul3A_1984, %add3A_1985 : i32
        %mul3A_1987 = arith.constant 64 : i32
        %mul3A_1988 = arith.muli %add3A_1986, %mul3A_1987 : i32
        %dma_start3A_1989 = arith.constant 0 : i32
        %dma_start3A_1990 = tpu.memref_slice %arg6[%mul3A_1988, %dma_start3A_1989] : memref<768x128xf32, #tpu.memory_space<vmem>> -> memref<64x128xf32, #tpu.memory_space<vmem>>
        %dma_start3A_1991 = arith.constant 0 : i32
        %dma_start3A_1992 = tpu.memref_slice %arg3[%dma_start3A_1991, %multiple_of3A_1982] : memref<64x1000000xf32, #tpu.memory_space<hbm>> -> memref<64x128xf32, #tpu.memory_space<hbm>>
        %dma_start3A_1993 = arith.constant 0 : i32
        %dma_start3A_1994 = tpu.memref_slice %arg6[%mul3A_1988, %dma_start3A_1993] : memref<768x128xf32, #tpu.memory_space<vmem>> -> memref<64x128xf32, #tpu.memory_space<vmem>>
        %dma_start3A_1995 = arith.constant 0 : i32
        %dma_start3A_1996 = tpu.memref_slice %arg3[%dma_start3A_1995, %multiple_of3A_1982] : memref<64x1000000xf32, #tpu.memory_space<hbm>> -> memref<64x128xf32, #tpu.memory_space<hbm>>
        tpu.enqueue_dma source(%dma_start3A_1996 : memref<64x128xf32, #tpu.memory_space<hbm>>) target(%dma_start3A_1994 : memref<64x128xf32, #tpu.memory_space<vmem>>) target_semaphore(%arg8 : memref<!tpu.dma_semaphore, #tpu.memory_space<semaphore_mem>>)
        %slice3A_1997 = vector.extract_strided_slice %get3A_238 {offsets = [3], sizes = [1], strides = [1]} : vector<16xi32> to vector<1xi32>
        %squeeze3A_1998 = vector.extract %slice3A_1997[0] : i32 from vector<1xi32>
        %shift_right_logical3A_1999 = arith.constant 7 : i32
        %shift_right_logical3A_2000 = arith.shrui %squeeze3A_1998, %shift_right_logical3A_1999 : i32
        %shift_left3A_2001 = arith.constant 7 : i32
        %shift_left3A_2002 = arith.shli %shift_right_logical3A_2000, %shift_left3A_2001 : i32
        %multiple_of3A_2003 = tpu.assume_multiple %shift_left3A_2002, 128 : i32
        %mul3A_2004 = arith.constant 4 : i32
        %mul3A_2005 = arith.muli %rem3A_241, %mul3A_2004 : i32
        %add3A_2006 = arith.constant 3 : i32
        %add3A_2007 = arith.addi %mul3A_2005, %add3A_2006 : i32
        %mul3A_2008 = arith.constant 64 : i32
        %mul3A_2009 = arith.muli %add3A_2007, %mul3A_2008 : i32
        %dma_start3A_2010 = arith.constant 0 : i32
        %dma_start3A_2011 = tpu.memref_slice %arg6[%mul3A_2009, %dma_start3A_2010] : memref<768x128xf32, #tpu.memory_space<vmem>> -> memref<64x128xf32, #tpu.memory_space<vmem>>
        %dma_start3A_2012 = arith.constant 0 : i32
        %dma_start3A_2013 = tpu.memref_slice %arg3[%dma_start3A_2012, %multiple_of3A_2003] : memref<64x1000000xf32, #tpu.memory_space<hbm>> -> memref<64x128xf32, #tpu.memory_space<hbm>>
        %dma_start3A_2014 = arith.constant 0 : i32
        %dma_start3A_2015 = tpu.memref_slice %arg6[%mul3A_2009, %dma_start3A_2014] : memref<768x128xf32, #tpu.memory_space<vmem>> -> memref<64x128xf32, #tpu.memory_space<vmem>>
        %dma_start3A_2016 = arith.constant 0 : i32
        %dma_start3A_2017 = tpu.memref_slice %arg3[%dma_start3A_2016, %multiple_of3A_2003] : memref<64x1000000xf32, #tpu.memory_space<hbm>> -> memref<64x128xf32, #tpu.memory_space<hbm>>
        tpu.enqueue_dma source(%dma_start3A_2017 : memref<64x128xf32, #tpu.memory_space<hbm>>) target(%dma_start3A_2015 : memref<64x128xf32, #tpu.memory_space<vmem>>) target_semaphore(%arg8 : memref<!tpu.dma_semaphore, #tpu.memory_space<semaphore_mem>>)
      } else {
      }
      %mul3A_1129 = arith.constant 4 : i32
      %mul3A_1130 = arith.muli %rem3A_245, %mul3A_1129 : i32
      %add3A_1131 = arith.constant 0 : i32
      %add3A_1132 = arith.addi %mul3A_1130, %add3A_1131 : i32
      %mul3A_1133 = arith.constant 64 : i32
      %mul3A_1134 = arith.muli %add3A_1132, %mul3A_1133 : i32
      %dma_wait3A_1135 = arith.constant 0 : i32
      %dma_wait3A_1136 = tpu.memref_slice %arg6[%mul3A_1134, %dma_wait3A_1135] : memref<768x128xf32, #tpu.memory_space<vmem>> -> memref<64x128xf32, #tpu.memory_space<vmem>>
      %dma_wait3A_1137 = arith.constant 0 : i32
      %dma_wait3A_1138 = arith.constant 0 : i32
      %dma_wait3A_1139 = tpu.memref_slice %arg3[%dma_wait3A_1137, %dma_wait3A_1138] : memref<64x1000000xf32, #tpu.memory_space<hbm>> -> memref<64x128xf32, #tpu.memory_space<hbm>>
      %dma_wait3A_1140 = arith.constant 0 : i32
      %dma_wait3A_1141 = tpu.memref_slice %arg6[%mul3A_1134, %dma_wait3A_1140] : memref<768x128xf32, #tpu.memory_space<vmem>> -> memref<64x128xf32, #tpu.memory_space<vmem>>
      %dma_wait3A_1142 = arith.constant 0 : i32
      %dma_wait3A_1143 = arith.constant 0 : i32
      %dma_wait3A_1144 = tpu.memref_slice %arg3[%dma_wait3A_1142, %dma_wait3A_1143] : memref<64x1000000xf32, #tpu.memory_space<hbm>> -> memref<64x128xf32, #tpu.memory_space<hbm>>
      tpu.wait_dma2 semaphore(%arg8 : memref<!tpu.dma_semaphore, #tpu.memory_space<semaphore_mem>>) src(%dma_wait3A_1144 : memref<64x128xf32, #tpu.memory_space<hbm>>) dst(%dma_wait3A_1141 : memref<64x128xf32, #tpu.memory_space<vmem>>)
      %mul3A_1145 = arith.constant 4 : i32
      %mul3A_1146 = arith.muli %rem3A_245, %mul3A_1145 : i32
      %add3A_1147 = arith.constant 1 : i32
      %add3A_1148 = arith.addi %mul3A_1146, %add3A_1147 : i32
      %mul3A_1149 = arith.constant 64 : i32
      %mul3A_1150 = arith.muli %add3A_1148, %mul3A_1149 : i32
      %dma_wait3A_1151 = arith.constant 0 : i32
      %dma_wait3A_1152 = tpu.memref_slice %arg6[%mul3A_1150, %dma_wait3A_1151] : memref<768x128xf32, #tpu.memory_space<vmem>> -> memref<64x128xf32, #tpu.memory_space<vmem>>
      %dma_wait3A_1153 = arith.constant 0 : i32
      %dma_wait3A_1154 = arith.constant 0 : i32
      %dma_wait3A_1155 = tpu.memref_slice %arg3[%dma_wait3A_1153, %dma_wait3A_1154] : memref<64x1000000xf32, #tpu.memory_space<hbm>> -> memref<64x128xf32, #tpu.memory_space<hbm>>
      %dma_wait3A_1156 = arith.constant 0 : i32
      %dma_wait3A_1157 = tpu.memref_slice %arg6[%mul3A_1150, %dma_wait3A_1156] : memref<768x128xf32, #tpu.memory_space<vmem>> -> memref<64x128xf32, #tpu.memory_space<vmem>>
      %dma_wait3A_1158 = arith.constant 0 : i32
      %dma_wait3A_1159 = arith.constant 0 : i32
      %dma_wait3A_1160 = tpu.memref_slice %arg3[%dma_wait3A_1158, %dma_wait3A_1159] : memref<64x1000000xf32, #tpu.memory_space<hbm>> -> memref<64x128xf32, #tpu.memory_space<hbm>>
      tpu.wait_dma2 semaphore(%arg8 : memref<!tpu.dma_semaphore, #tpu.memory_space<semaphore_mem>>) src(%dma_wait3A_1160 : memref<64x128xf32, #tpu.memory_space<hbm>>) dst(%dma_wait3A_1157 : memref<64x128xf32, #tpu.memory_space<vmem>>)
      %mul3A_1161 = arith.constant 4 : i32
      %mul3A_1162 = arith.muli %rem3A_245, %mul3A_1161 : i32
      %add3A_1163 = arith.constant 2 : i32
      %add3A_1164 = arith.addi %mul3A_1162, %add3A_1163 : i32
      %mul3A_1165 = arith.constant 64 : i32
      %mul3A_1166 = arith.muli %add3A_1164, %mul3A_1165 : i32
      %dma_wait3A_1167 = arith.constant 0 : i32
      %dma_wait3A_1168 = tpu.memref_slice %arg6[%mul3A_1166, %dma_wait3A_1167] : memref<768x128xf32, #tpu.memory_space<vmem>> -> memref<64x128xf32, #tpu.memory_space<vmem>>
      %dma_wait3A_1169 = arith.constant 0 : i32
      %dma_wait3A_1170 = arith.constant 0 : i32
      %dma_wait3A_1171 = tpu.memref_slice %arg3[%dma_wait3A_1169, %dma_wait3A_1170] : memref<64x1000000xf32, #tpu.memory_space<hbm>> -> memref<64x128xf32, #tpu.memory_space<hbm>>
      %dma_wait3A_1172 = arith.constant 0 : i32
      %dma_wait3A_1173 = tpu.memref_slice %arg6[%mul3A_1166, %dma_wait3A_1172] : memref<768x128xf32, #tpu.memory_space<vmem>> -> memref<64x128xf32, #tpu.memory_space<vmem>>
      %dma_wait3A_1174 = arith.constant 0 : i32
      %dma_wait3A_1175 = arith.constant 0 : i32
      %dma_wait3A_1176 = tpu.memref_slice %arg3[%dma_wait3A_1174, %dma_wait3A_1175] : memref<64x1000000xf32, #tpu.memory_space<hbm>> -> memref<64x128xf32, #tpu.memory_space<hbm>>
      tpu.wait_dma2 semaphore(%arg8 : memref<!tpu.dma_semaphore, #tpu.memory_space<semaphore_mem>>) src(%dma_wait3A_1176 : memref<64x128xf32, #tpu.memory_space<hbm>>) dst(%dma_wait3A_1173 : memref<64x128xf32, #tpu.memory_space<vmem>>)
      %mul3A_1177 = arith.constant 4 : i32
      %mul3A_1178 = arith.muli %rem3A_245, %mul3A_1177 : i32
      %add3A_1179 = arith.constant 3 : i32
      %add3A_1180 = arith.addi %mul3A_1178, %add3A_1179 : i32
      %mul3A_1181 = arith.constant 64 : i32
      %mul3A_1182 = arith.muli %add3A_1180, %mul3A_1181 : i32
      %dma_wait3A_1183 = arith.constant 0 : i32
      %dma_wait3A_1184 = tpu.memref_slice %arg6[%mul3A_1182, %dma_wait3A_1183] : memref<768x128xf32, #tpu.memory_space<vmem>> -> memref<64x128xf32, #tpu.memory_space<vmem>>
      %dma_wait3A_1185 = arith.constant 0 : i32
      %dma_wait3A_1186 = arith.constant 0 : i32
      %dma_wait3A_1187 = tpu.memref_slice %arg3[%dma_wait3A_1185, %dma_wait3A_1186] : memref<64x1000000xf32, #tpu.memory_space<hbm>> -> memref<64x128xf32, #tpu.memory_space<hbm>>
      %dma_wait3A_1188 = arith.constant 0 : i32
      %dma_wait3A_1189 = tpu.memref_slice %arg6[%mul3A_1182, %dma_wait3A_1188] : memref<768x128xf32, #tpu.memory_space<vmem>> -> memref<64x128xf32, #tpu.memory_space<vmem>>
      %dma_wait3A_1190 = arith.constant 0 : i32
      %dma_wait3A_1191 = arith.constant 0 : i32
      %dma_wait3A_1192 = tpu.memref_slice %arg3[%dma_wait3A_1190, %dma_wait3A_1191] : memref<64x1000000xf32, #tpu.memory_space<hbm>> -> memref<64x128xf32, #tpu.memory_space<hbm>>
      tpu.wait_dma2 semaphore(%arg8 : memref<!tpu.dma_semaphore, #tpu.memory_space<semaphore_mem>>) src(%dma_wait3A_1192 : memref<64x128xf32, #tpu.memory_space<hbm>>) dst(%dma_wait3A_1189 : memref<64x128xf32, #tpu.memory_space<vmem>>)
      %rem3A_1193 = arith.constant 8 : i32
      %rem3A_1194 = arith.remsi %scan3A_227, %rem3A_1193 : i32
      %mul3A_1195 = arith.constant 16 : i32
      %mul3A_1196 = arith.muli %rem3A_1194, %mul3A_1195 : i32
      %add3A_1197 = arith.constant 8 : i32
      %add3A_1198 = arith.addi %mul3A_1196, %add3A_1197 : i32
      %div3A_1199 = arith.constant 8 : i32
      %div3A_1200 = arith.divsi %scan3A_227, %div3A_1199 : i32
      %rem3A_1201 = arith.constant 2 : i32
      %rem3A_1202 = arith.remsi %div3A_1200, %rem3A_1201 : i32
      %mul3A_1203 = arith.constant 64 : i32
      %mul3A_1204 = arith.muli %rem3A_1202, %mul3A_1203 : i32
      %slice3A_1205 = vector.extract_strided_slice %get3A_232 {offsets = [8], sizes = [1], strides = [1]} : vector<16xi32> to vector<1xi32>
      %squeeze3A_1206 = vector.extract %slice3A_1205[0] : i32 from vector<1xi32>
      %and3A_1207 = arith.constant 127 : i32
      %and3A_1208 = arith.andi %squeeze3A_1206, %and3A_1207 : i32
      %broadcast_in_dim3A_1209 = vector.broadcast %and3A_1208 : i32 to vector<16xi32>
      %add3A_1210 = arith.constant 0 : i32
      %add3A_1211 = arith.addi %add3A_1198, %add3A_1210 : i32
      %broadcast_in_dim3A_1212 = vector.broadcast %add3A_1211 : i32 to vector<16xi32>
      %iota3A_1213 = tpu.iota {dimensions = array<i32: 0>} : vector<16xi32>
      %mul3A_1214 = arith.constant 4 : i32
      %mul3A_1215 = arith.muli %rem3A_245, %mul3A_1214 : i32
      %add3A_1216 = arith.constant 0 : i32
      %add3A_1217 = arith.addi %mul3A_1215, %add3A_1216 : i32
      %mul3A_1218 = arith.constant 64 : i32
      %mul3A_1219 = arith.muli %add3A_1217, %mul3A_1218 : i32
      %add3A_1220 = arith.constant 0 : i32
      %add3A_1221 = arith.addi %mul3A_1219, %add3A_1220 : i32
      %add3A_1222 = vector.broadcast %add3A_1221 : i32 to vector<16xi32>
      %add3A_1223 = arith.addi %iota3A_1213, %add3A_1222 : vector<16xi32>
      %gather3A_1224 = tpu.vector_load_idx %arg6[%add3A_1223, %broadcast_in_dim3A_1209] : memref<768x128xf32, #tpu.memory_space<vmem>>[vector<16xi32>, vector<16xi32>], vector<16xf32>,
      %iota3A_1225 = tpu.iota {dimensions = array<i32: 0>} : vector<16xi32>
      %add3A_1226 = arith.constant 0 : i32
      %add3A_1227 = vector.broadcast %add3A_1226 : i32 to vector<16xi32>
      %add3A_1228 = arith.addi %iota3A_1225, %add3A_1227 : vector<16xi32>
      %add3A_1229 = vector.broadcast %mul3A_1204 : i32 to vector<16xi32>
      %add3A_1230 = arith.addi %add3A_1228, %add3A_1229 : vector<16xi32>
      tpu.vector_store_idx %arg7[%add3A_1230, %broadcast_in_dim3A_1212], %gather3A_1224 : memref<128x128xf32, #tpu.memory_space<vmem>>[vector<16xi32>, vector<16xi32>], vector<16xf32>,
      %iota3A_1231 = tpu.iota {dimensions = array<i32: 0>} : vector<16xi32>
      %mul3A_1232 = arith.constant 4 : i32
      %mul3A_1233 = arith.muli %rem3A_245, %mul3A_1232 : i32
      %add3A_1234 = arith.constant 0 : i32
      %add3A_1235 = arith.addi %mul3A_1233, %add3A_1234 : i32
      %mul3A_1236 = arith.constant 64 : i32
      %mul3A_1237 = arith.muli %add3A_1235, %mul3A_1236 : i32
      %add3A_1238 = arith.constant 16 : i32
      %add3A_1239 = arith.addi %mul3A_1237, %add3A_1238 : i32
      %add3A_1240 = vector.broadcast %add3A_1239 : i32 to vector<16xi32>
      %add3A_1241 = arith.addi %iota3A_1231, %add3A_1240 : vector<16xi32>
      %gather3A_1242 = tpu.vector_load_idx %arg6[%add3A_1241, %broadcast_in_dim3A_1209] : memref<768x128xf32, #tpu.memory_space<vmem>>[vector<16xi32>, vector<16xi32>], vector<16xf32>,
      %iota3A_1243 = tpu.iota {dimensions = array<i32: 0>} : vector<16xi32>
      %add3A_1244 = arith.constant 16 : i32
      %add3A_1245 = vector.broadcast %add3A_1244 : i32 to vector<16xi32>
      %add3A_1246 = arith.addi %iota3A_1243, %add3A_1245 : vector<16xi32>
      %add3A_1247 = vector.broadcast %mul3A_1204 : i32 to vector<16xi32>
      %add3A_1248 = arith.addi %add3A_1246, %add3A_1247 : vector<16xi32>
      tpu.vector_store_idx %arg7[%add3A_1248, %broadcast_in_dim3A_1212], %gather3A_1242 : memref<128x128xf32, #tpu.memory_space<vmem>>[vector<16xi32>, vector<16xi32>], vector<16xf32>,
      %iota3A_1249 = tpu.iota {dimensions = array<i32: 0>} : vector<16xi32>
      %mul3A_1250 = arith.constant 4 : i32
      %mul3A_1251 = arith.muli %rem3A_245, %mul3A_1250 : i32
      %add3A_1252 = arith.constant 0 : i32
      %add3A_1253 = arith.addi %mul3A_1251, %add3A_1252 : i32
      %mul3A_1254 = arith.constant 64 : i32
      %mul3A_1255 = arith.muli %add3A_1253, %mul3A_1254 : i32
      %add3A_1256 = arith.constant 32 : i32
      %add3A_1257 = arith.addi %mul3A_1255, %add3A_1256 : i32
      %add3A_1258 = vector.broadcast %add3A_1257 : i32 to vector<16xi32>
      %add3A_1259 = arith.addi %iota3A_1249, %add3A_1258 : vector<16xi32>
      %gather3A_1260 = tpu.vector_load_idx %arg6[%add3A_1259, %broadcast_in_dim3A_1209] : memref<768x128xf32, #tpu.memory_space<vmem>>[vector<16xi32>, vector<16xi32>], vector<16xf32>,
      %iota3A_1261 = tpu.iota {dimensions = array<i32: 0>} : vector<16xi32>
      %add3A_1262 = arith.constant 32 : i32
      %add3A_1263 = vector.broadcast %add3A_1262 : i32 to vector<16xi32>
      %add3A_1264 = arith.addi %iota3A_1261, %add3A_1263 : vector<16xi32>
      %add3A_1265 = vector.broadcast %mul3A_1204 : i32 to vector<16xi32>
      %add3A_1266 = arith.addi %add3A_1264, %add3A_1265 : vector<16xi32>
      tpu.vector_store_idx %arg7[%add3A_1266, %broadcast_in_dim3A_1212], %gather3A_1260 : memref<128x128xf32, #tpu.memory_space<vmem>>[vector<16xi32>, vector<16xi32>], vector<16xf32>,
      %iota3A_1267 = tpu.iota {dimensions = array<i32: 0>} : vector<16xi32>
      %mul3A_1268 = arith.constant 4 : i32
      %mul3A_1269 = arith.muli %rem3A_245, %mul3A_1268 : i32
      %add3A_1270 = arith.constant 0 : i32
      %add3A_1271 = arith.addi %mul3A_1269, %add3A_1270 : i32
      %mul3A_1272 = arith.constant 64 : i32
      %mul3A_1273 = arith.muli %add3A_1271, %mul3A_1272 : i32
      %add3A_1274 = arith.constant 48 : i32
      %add3A_1275 = arith.addi %mul3A_1273, %add3A_1274 : i32
      %add3A_1276 = vector.broadcast %add3A_1275 : i32 to vector<16xi32>
      %add3A_1277 = arith.addi %iota3A_1267, %add3A_1276 : vector<16xi32>
      %gather3A_1278 = tpu.vector_load_idx %arg6[%add3A_1277, %broadcast_in_dim3A_1209] : memref<768x128xf32, #tpu.memory_space<vmem>>[vector<16xi32>, vector<16xi32>], vector<16xf32>,
      %iota3A_1279 = tpu.iota {dimensions = array<i32: 0>} : vector<16xi32>
      %add3A_1280 = arith.constant 48 : i32
      %add3A_1281 = vector.broadcast %add3A_1280 : i32 to vector<16xi32>
      %add3A_1282 = arith.addi %iota3A_1279, %add3A_1281 : vector<16xi32>
      %add3A_1283 = vector.broadcast %mul3A_1204 : i32 to vector<16xi32>
      %add3A_1284 = arith.addi %add3A_1282, %add3A_1283 : vector<16xi32>
      tpu.vector_store_idx %arg7[%add3A_1284, %broadcast_in_dim3A_1212], %gather3A_1278 : memref<128x128xf32, #tpu.memory_space<vmem>>[vector<16xi32>, vector<16xi32>], vector<16xf32>,
      %slice3A_1285 = vector.extract_strided_slice %get3A_232 {offsets = [9], sizes = [1], strides = [1]} : vector<16xi32> to vector<1xi32>
      %squeeze3A_1286 = vector.extract %slice3A_1285[0] : i32 from vector<1xi32>
      %and3A_1287 = arith.constant 127 : i32
      %and3A_1288 = arith.andi %squeeze3A_1286, %and3A_1287 : i32
      %broadcast_in_dim3A_1289 = vector.broadcast %and3A_1288 : i32 to vector<16xi32>
      %add3A_1290 = arith.constant 1 : i32
      %add3A_1291 = arith.addi %add3A_1198, %add3A_1290 : i32
      %broadcast_in_dim3A_1292 = vector.broadcast %add3A_1291 : i32 to vector<16xi32>
      %iota3A_1293 = tpu.iota {dimensions = array<i32: 0>} : vector<16xi32>
      %mul3A_1294 = arith.constant 4 : i32
      %mul3A_1295 = arith.muli %rem3A_245, %mul3A_1294 : i32
      %add3A_1296 = arith.constant 1 : i32
      %add3A_1297 = arith.addi %mul3A_1295, %add3A_1296 : i32
      %mul3A_1298 = arith.constant 64 : i32
      %mul3A_1299 = arith.muli %add3A_1297, %mul3A_1298 : i32
      %add3A_1300 = arith.constant 0 : i32
      %add3A_1301 = arith.addi %mul3A_1299, %add3A_1300 : i32
      %add3A_1302 = vector.broadcast %add3A_1301 : i32 to vector<16xi32>
      %add3A_1303 = arith.addi %iota3A_1293, %add3A_1302 : vector<16xi32>
      %gather3A_1304 = tpu.vector_load_idx %arg6[%add3A_1303, %broadcast_in_dim3A_1289] : memref<768x128xf32, #tpu.memory_space<vmem>>[vector<16xi32>, vector<16xi32>], vector<16xf32>,
      %iota3A_1305 = tpu.iota {dimensions = array<i32: 0>} : vector<16xi32>
      %add3A_1306 = arith.constant 0 : i32
      %add3A_1307 = vector.broadcast %add3A_1306 : i32 to vector<16xi32>
      %add3A_1308 = arith.addi %iota3A_1305, %add3A_1307 : vector<16xi32>
      %add3A_1309 = vector.broadcast %mul3A_1204 : i32 to vector<16xi32>
      %add3A_1310 = arith.addi %add3A_1308, %add3A_1309 : vector<16xi32>
      tpu.vector_store_idx %arg7[%add3A_1310, %broadcast_in_dim3A_1292], %gather3A_1304 : memref<128x128xf32, #tpu.memory_space<vmem>>[vector<16xi32>, vector<16xi32>], vector<16xf32>,
      %iota3A_1311 = tpu.iota {dimensions = array<i32: 0>} : vector<16xi32>
      %mul3A_1312 = arith.constant 4 : i32
      %mul3A_1313 = arith.muli %rem3A_245, %mul3A_1312 : i32
      %add3A_1314 = arith.constant 1 : i32
      %add3A_1315 = arith.addi %mul3A_1313, %add3A_1314 : i32
      %mul3A_1316 = arith.constant 64 : i32
      %mul3A_1317 = arith.muli %add3A_1315, %mul3A_1316 : i32
      %add3A_1318 = arith.constant 16 : i32
      %add3A_1319 = arith.addi %mul3A_1317, %add3A_1318 : i32
      %add3A_1320 = vector.broadcast %add3A_1319 : i32 to vector<16xi32>
      %add3A_1321 = arith.addi %iota3A_1311, %add3A_1320 : vector<16xi32>
      %gather3A_1322 = tpu.vector_load_idx %arg6[%add3A_1321, %broadcast_in_dim3A_1289] : memref<768x128xf32, #tpu.memory_space<vmem>>[vector<16xi32>, vector<16xi32>], vector<16xf32>,
      %iota3A_1323 = tpu.iota {dimensions = array<i32: 0>} : vector<16xi32>
      %add3A_1324 = arith.constant 16 : i32
      %add3A_1325 = vector.broadcast %add3A_1324 : i32 to vector<16xi32>
      %add3A_1326 = arith.addi %iota3A_1323, %add3A_1325 : vector<16xi32>
      %add3A_1327 = vector.broadcast %mul3A_1204 : i32 to vector<16xi32>
      %add3A_1328 = arith.addi %add3A_1326, %add3A_1327 : vector<16xi32>
      tpu.vector_store_idx %arg7[%add3A_1328, %broadcast_in_dim3A_1292], %gather3A_1322 : memref<128x128xf32, #tpu.memory_space<vmem>>[vector<16xi32>, vector<16xi32>], vector<16xf32>,
      %iota3A_1329 = tpu.iota {dimensions = array<i32: 0>} : vector<16xi32>
      %mul3A_1330 = arith.constant 4 : i32
      %mul3A_1331 = arith.muli %rem3A_245, %mul3A_1330 : i32
      %add3A_1332 = arith.constant 1 : i32
      %add3A_1333 = arith.addi %mul3A_1331, %add3A_1332 : i32
      %mul3A_1334 = arith.constant 64 : i32
      %mul3A_1335 = arith.muli %add3A_1333, %mul3A_1334 : i32
      %add3A_1336 = arith.constant 32 : i32
      %add3A_1337 = arith.addi %mul3A_1335, %add3A_1336 : i32
      %add3A_1338 = vector.broadcast %add3A_1337 : i32 to vector<16xi32>
      %add3A_1339 = arith.addi %iota3A_1329, %add3A_1338 : vector<16xi32>
      %gather3A_1340 = tpu.vector_load_idx %arg6[%add3A_1339, %broadcast_in_dim3A_1289] : memref<768x128xf32, #tpu.memory_space<vmem>>[vector<16xi32>, vector<16xi32>], vector<16xf32>,
      %iota3A_1341 = tpu.iota {dimensions = array<i32: 0>} : vector<16xi32>
      %add3A_1342 = arith.constant 32 : i32
      %add3A_1343 = vector.broadcast %add3A_1342 : i32 to vector<16xi32>
      %add3A_1344 = arith.addi %iota3A_1341, %add3A_1343 : vector<16xi32>
      %add3A_1345 = vector.broadcast %mul3A_1204 : i32 to vector<16xi32>
      %add3A_1346 = arith.addi %add3A_1344, %add3A_1345 : vector<16xi32>
      tpu.vector_store_idx %arg7[%add3A_1346, %broadcast_in_dim3A_1292], %gather3A_1340 : memref<128x128xf32, #tpu.memory_space<vmem>>[vector<16xi32>, vector<16xi32>], vector<16xf32>,
      %iota3A_1347 = tpu.iota {dimensions = array<i32: 0>} : vector<16xi32>
      %mul3A_1348 = arith.constant 4 : i32
      %mul3A_1349 = arith.muli %rem3A_245, %mul3A_1348 : i32
      %add3A_1350 = arith.constant 1 : i32
      %add3A_1351 = arith.addi %mul3A_1349, %add3A_1350 : i32
      %mul3A_1352 = arith.constant 64 : i32
      %mul3A_1353 = arith.muli %add3A_1351, %mul3A_1352 : i32
      %add3A_1354 = arith.constant 48 : i32
      %add3A_1355 = arith.addi %mul3A_1353, %add3A_1354 : i32
      %add3A_1356 = vector.broadcast %add3A_1355 : i32 to vector<16xi32>
      %add3A_1357 = arith.addi %iota3A_1347, %add3A_1356 : vector<16xi32>
      %gather3A_1358 = tpu.vector_load_idx %arg6[%add3A_1357, %broadcast_in_dim3A_1289] : memref<768x128xf32, #tpu.memory_space<vmem>>[vector<16xi32>, vector<16xi32>], vector<16xf32>,
      %iota3A_1359 = tpu.iota {dimensions = array<i32: 0>} : vector<16xi32>
      %add3A_1360 = arith.constant 48 : i32
      %add3A_1361 = vector.broadcast %add3A_1360 : i32 to vector<16xi32>
      %add3A_1362 = arith.addi %iota3A_1359, %add3A_1361 : vector<16xi32>
      %add3A_1363 = vector.broadcast %mul3A_1204 : i32 to vector<16xi32>
      %add3A_1364 = arith.addi %add3A_1362, %add3A_1363 : vector<16xi32>
      tpu.vector_store_idx %arg7[%add3A_1364, %broadcast_in_dim3A_1292], %gather3A_1358 : memref<128x128xf32, #tpu.memory_space<vmem>>[vector<16xi32>, vector<16xi32>], vector<16xf32>,
      %slice3A_1365 = vector.extract_strided_slice %get3A_232 {offsets = [10], sizes = [1], strides = [1]} : vector<16xi32> to vector<1xi32>
      %squeeze3A_1366 = vector.extract %slice3A_1365[0] : i32 from vector<1xi32>
      %and3A_1367 = arith.constant 127 : i32
      %and3A_1368 = arith.andi %squeeze3A_1366, %and3A_1367 : i32
      %broadcast_in_dim3A_1369 = vector.broadcast %and3A_1368 : i32 to vector<16xi32>
      %add3A_1370 = arith.constant 2 : i32
      %add3A_1371 = arith.addi %add3A_1198, %add3A_1370 : i32
      %broadcast_in_dim3A_1372 = vector.broadcast %add3A_1371 : i32 to vector<16xi32>
      %iota3A_1373 = tpu.iota {dimensions = array<i32: 0>} : vector<16xi32>
      %mul3A_1374 = arith.constant 4 : i32
      %mul3A_1375 = arith.muli %rem3A_245, %mul3A_1374 : i32
      %add3A_1376 = arith.constant 2 : i32
      %add3A_1377 = arith.addi %mul3A_1375, %add3A_1376 : i32
      %mul3A_1378 = arith.constant 64 : i32
      %mul3A_1379 = arith.muli %add3A_1377, %mul3A_1378 : i32
      %add3A_1380 = arith.constant 0 : i32
      %add3A_1381 = arith.addi %mul3A_1379, %add3A_1380 : i32
      %add3A_1382 = vector.broadcast %add3A_1381 : i32 to vector<16xi32>
      %add3A_1383 = arith.addi %iota3A_1373, %add3A_1382 : vector<16xi32>
      %gather3A_1384 = tpu.vector_load_idx %arg6[%add3A_1383, %broadcast_in_dim3A_1369] : memref<768x128xf32, #tpu.memory_space<vmem>>[vector<16xi32>, vector<16xi32>], vector<16xf32>,
      %iota3A_1385 = tpu.iota {dimensions = array<i32: 0>} : vector<16xi32>
      %add3A_1386 = arith.constant 0 : i32
      %add3A_1387 = vector.broadcast %add3A_1386 : i32 to vector<16xi32>
      %add3A_1388 = arith.addi %iota3A_1385, %add3A_1387 : vector<16xi32>
      %add3A_1389 = vector.broadcast %mul3A_1204 : i32 to vector<16xi32>
      %add3A_1390 = arith.addi %add3A_1388, %add3A_1389 : vector<16xi32>
      tpu.vector_store_idx %arg7[%add3A_1390, %broadcast_in_dim3A_1372], %gather3A_1384 : memref<128x128xf32, #tpu.memory_space<vmem>>[vector<16xi32>, vector<16xi32>], vector<16xf32>,
      %iota3A_1391 = tpu.iota {dimensions = array<i32: 0>} : vector<16xi32>
      %mul3A_1392 = arith.constant 4 : i32
      %mul3A_1393 = arith.muli %rem3A_245, %mul3A_1392 : i32
      %add3A_1394 = arith.constant 2 : i32
      %add3A_1395 = arith.addi %mul3A_1393, %add3A_1394 : i32
      %mul3A_1396 = arith.constant 64 : i32
      %mul3A_1397 = arith.muli %add3A_1395, %mul3A_1396 : i32
      %add3A_1398 = arith.constant 16 : i32
      %add3A_1399 = arith.addi %mul3A_1397, %add3A_1398 : i32
      %add3A_1400 = vector.broadcast %add3A_1399 : i32 to vector<16xi32>
      %add3A_1401 = arith.addi %iota3A_1391, %add3A_1400 : vector<16xi32>
      %gather3A_1402 = tpu.vector_load_idx %arg6[%add3A_1401, %broadcast_in_dim3A_1369] : memref<768x128xf32, #tpu.memory_space<vmem>>[vector<16xi32>, vector<16xi32>], vector<16xf32>,
      %iota3A_1403 = tpu.iota {dimensions = array<i32: 0>} : vector<16xi32>
      %add3A_1404 = arith.constant 16 : i32
      %add3A_1405 = vector.broadcast %add3A_1404 : i32 to vector<16xi32>
      %add3A_1406 = arith.addi %iota3A_1403, %add3A_1405 : vector<16xi32>
      %add3A_1407 = vector.broadcast %mul3A_1204 : i32 to vector<16xi32>
      %add3A_1408 = arith.addi %add3A_1406, %add3A_1407 : vector<16xi32>
      tpu.vector_store_idx %arg7[%add3A_1408, %broadcast_in_dim3A_1372], %gather3A_1402 : memref<128x128xf32, #tpu.memory_space<vmem>>[vector<16xi32>, vector<16xi32>], vector<16xf32>,
      %iota3A_1409 = tpu.iota {dimensions = array<i32: 0>} : vector<16xi32>
      %mul3A_1410 = arith.constant 4 : i32
      %mul3A_1411 = arith.muli %rem3A_245, %mul3A_1410 : i32
      %add3A_1412 = arith.constant 2 : i32
      %add3A_1413 = arith.addi %mul3A_1411, %add3A_1412 : i32
      %mul3A_1414 = arith.constant 64 : i32
      %mul3A_1415 = arith.muli %add3A_1413, %mul3A_1414 : i32
      %add3A_1416 = arith.constant 32 : i32
      %add3A_1417 = arith.addi %mul3A_1415, %add3A_1416 : i32
      %add3A_1418 = vector.broadcast %add3A_1417 : i32 to vector<16xi32>
      %add3A_1419 = arith.addi %iota3A_1409, %add3A_1418 : vector<16xi32>
      %gather3A_1420 = tpu.vector_load_idx %arg6[%add3A_1419, %broadcast_in_dim3A_1369] : memref<768x128xf32, #tpu.memory_space<vmem>>[vector<16xi32>, vector<16xi32>], vector<16xf32>,
      %iota3A_1421 = tpu.iota {dimensions = array<i32: 0>} : vector<16xi32>
      %add3A_1422 = arith.constant 32 : i32
      %add3A_1423 = vector.broadcast %add3A_1422 : i32 to vector<16xi32>
      %add3A_1424 = arith.addi %iota3A_1421, %add3A_1423 : vector<16xi32>
      %add3A_1425 = vector.broadcast %mul3A_1204 : i32 to vector<16xi32>
      %add3A_1426 = arith.addi %add3A_1424, %add3A_1425 : vector<16xi32>
      tpu.vector_store_idx %arg7[%add3A_1426, %broadcast_in_dim3A_1372], %gather3A_1420 : memref<128x128xf32, #tpu.memory_space<vmem>>[vector<16xi32>, vector<16xi32>], vector<16xf32>,
      %iota3A_1427 = tpu.iota {dimensions = array<i32: 0>} : vector<16xi32>
      %mul3A_1428 = arith.constant 4 : i32
      %mul3A_1429 = arith.muli %rem3A_245, %mul3A_1428 : i32
      %add3A_1430 = arith.constant 2 : i32
      %add3A_1431 = arith.addi %mul3A_1429, %add3A_1430 : i32
      %mul3A_1432 = arith.constant 64 : i32
      %mul3A_1433 = arith.muli %add3A_1431, %mul3A_1432 : i32
      %add3A_1434 = arith.constant 48 : i32
      %add3A_1435 = arith.addi %mul3A_1433, %add3A_1434 : i32
      %add3A_1436 = vector.broadcast %add3A_1435 : i32 to vector<16xi32>
      %add3A_1437 = arith.addi %iota3A_1427, %add3A_1436 : vector<16xi32>
      %gather3A_1438 = tpu.vector_load_idx %arg6[%add3A_1437, %broadcast_in_dim3A_1369] : memref<768x128xf32, #tpu.memory_space<vmem>>[vector<16xi32>, vector<16xi32>], vector<16xf32>,
      %iota3A_1439 = tpu.iota {dimensions = array<i32: 0>} : vector<16xi32>
      %add3A_1440 = arith.constant 48 : i32
      %add3A_1441 = vector.broadcast %add3A_1440 : i32 to vector<16xi32>
      %add3A_1442 = arith.addi %iota3A_1439, %add3A_1441 : vector<16xi32>
      %add3A_1443 = vector.broadcast %mul3A_1204 : i32 to vector<16xi32>
      %add3A_1444 = arith.addi %add3A_1442, %add3A_1443 : vector<16xi32>
      tpu.vector_store_idx %arg7[%add3A_1444, %broadcast_in_dim3A_1372], %gather3A_1438 : memref<128x128xf32, #tpu.memory_space<vmem>>[vector<16xi32>, vector<16xi32>], vector<16xf32>,
      %slice3A_1445 = vector.extract_strided_slice %get3A_232 {offsets = [11], sizes = [1], strides = [1]} : vector<16xi32> to vector<1xi32>
      %squeeze3A_1446 = vector.extract %slice3A_1445[0] : i32 from vector<1xi32>
      %and3A_1447 = arith.constant 127 : i32
      %and3A_1448 = arith.andi %squeeze3A_1446, %and3A_1447 : i32
      %broadcast_in_dim3A_1449 = vector.broadcast %and3A_1448 : i32 to vector<16xi32>
      %add3A_1450 = arith.constant 3 : i32
      %add3A_1451 = arith.addi %add3A_1198, %add3A_1450 : i32
      %broadcast_in_dim3A_1452 = vector.broadcast %add3A_1451 : i32 to vector<16xi32>
      %iota3A_1453 = tpu.iota {dimensions = array<i32: 0>} : vector<16xi32>
      %mul3A_1454 = arith.constant 4 : i32
      %mul3A_1455 = arith.muli %rem3A_245, %mul3A_1454 : i32
      %add3A_1456 = arith.constant 3 : i32
      %add3A_1457 = arith.addi %mul3A_1455, %add3A_1456 : i32
      %mul3A_1458 = arith.constant 64 : i32
      %mul3A_1459 = arith.muli %add3A_1457, %mul3A_1458 : i32
      %add3A_1460 = arith.constant 0 : i32
      %add3A_1461 = arith.addi %mul3A_1459, %add3A_1460 : i32
      %add3A_1462 = vector.broadcast %add3A_1461 : i32 to vector<16xi32>
      %add3A_1463 = arith.addi %iota3A_1453, %add3A_1462 : vector<16xi32>
      %gather3A_1464 = tpu.vector_load_idx %arg6[%add3A_1463, %broadcast_in_dim3A_1449] : memref<768x128xf32, #tpu.memory_space<vmem>>[vector<16xi32>, vector<16xi32>], vector<16xf32>,
      %iota3A_1465 = tpu.iota {dimensions = array<i32: 0>} : vector<16xi32>
      %add3A_1466 = arith.constant 0 : i32
      %add3A_1467 = vector.broadcast %add3A_1466 : i32 to vector<16xi32>
      %add3A_1468 = arith.addi %iota3A_1465, %add3A_1467 : vector<16xi32>
      %add3A_1469 = vector.broadcast %mul3A_1204 : i32 to vector<16xi32>
      %add3A_1470 = arith.addi %add3A_1468, %add3A_1469 : vector<16xi32>
      tpu.vector_store_idx %arg7[%add3A_1470, %broadcast_in_dim3A_1452], %gather3A_1464 : memref<128x128xf32, #tpu.memory_space<vmem>>[vector<16xi32>, vector<16xi32>], vector<16xf32>,
      %iota3A_1471 = tpu.iota {dimensions = array<i32: 0>} : vector<16xi32>
      %mul3A_1472 = arith.constant 4 : i32
      %mul3A_1473 = arith.muli %rem3A_245, %mul3A_1472 : i32
      %add3A_1474 = arith.constant 3 : i32
      %add3A_1475 = arith.addi %mul3A_1473, %add3A_1474 : i32
      %mul3A_1476 = arith.constant 64 : i32
      %mul3A_1477 = arith.muli %add3A_1475, %mul3A_1476 : i32
      %add3A_1478 = arith.constant 16 : i32
      %add3A_1479 = arith.addi %mul3A_1477, %add3A_1478 : i32
      %add3A_1480 = vector.broadcast %add3A_1479 : i32 to vector<16xi32>
      %add3A_1481 = arith.addi %iota3A_1471, %add3A_1480 : vector<16xi32>
      %gather3A_1482 = tpu.vector_load_idx %arg6[%add3A_1481, %broadcast_in_dim3A_1449] : memref<768x128xf32, #tpu.memory_space<vmem>>[vector<16xi32>, vector<16xi32>], vector<16xf32>,
      %iota3A_1483 = tpu.iota {dimensions = array<i32: 0>} : vector<16xi32>
      %add3A_1484 = arith.constant 16 : i32
      %add3A_1485 = vector.broadcast %add3A_1484 : i32 to vector<16xi32>
      %add3A_1486 = arith.addi %iota3A_1483, %add3A_1485 : vector<16xi32>
      %add3A_1487 = vector.broadcast %mul3A_1204 : i32 to vector<16xi32>
      %add3A_1488 = arith.addi %add3A_1486, %add3A_1487 : vector<16xi32>
      tpu.vector_store_idx %arg7[%add3A_1488, %broadcast_in_dim3A_1452], %gather3A_1482 : memref<128x128xf32, #tpu.memory_space<vmem>>[vector<16xi32>, vector<16xi32>], vector<16xf32>,
      %iota3A_1489 = tpu.iota {dimensions = array<i32: 0>} : vector<16xi32>
      %mul3A_1490 = arith.constant 4 : i32
      %mul3A_1491 = arith.muli %rem3A_245, %mul3A_1490 : i32
      %add3A_1492 = arith.constant 3 : i32
      %add3A_1493 = arith.addi %mul3A_1491, %add3A_1492 : i32
      %mul3A_1494 = arith.constant 64 : i32
      %mul3A_1495 = arith.muli %add3A_1493, %mul3A_1494 : i32
      %add3A_1496 = arith.constant 32 : i32
      %add3A_1497 = arith.addi %mul3A_1495, %add3A_1496 : i32
      %add3A_1498 = vector.broadcast %add3A_1497 : i32 to vector<16xi32>
      %add3A_1499 = arith.addi %iota3A_1489, %add3A_1498 : vector<16xi32>
      %gather3A_1500 = tpu.vector_load_idx %arg6[%add3A_1499, %broadcast_in_dim3A_1449] : memref<768x128xf32, #tpu.memory_space<vmem>>[vector<16xi32>, vector<16xi32>], vector<16xf32>,
      %iota3A_1501 = tpu.iota {dimensions = array<i32: 0>} : vector<16xi32>
      %add3A_1502 = arith.constant 32 : i32
      %add3A_1503 = vector.broadcast %add3A_1502 : i32 to vector<16xi32>
      %add3A_1504 = arith.addi %iota3A_1501, %add3A_1503 : vector<16xi32>
      %add3A_1505 = vector.broadcast %mul3A_1204 : i32 to vector<16xi32>
      %add3A_1506 = arith.addi %add3A_1504, %add3A_1505 : vector<16xi32>
      tpu.vector_store_idx %arg7[%add3A_1506, %broadcast_in_dim3A_1452], %gather3A_1500 : memref<128x128xf32, #tpu.memory_space<vmem>>[vector<16xi32>, vector<16xi32>], vector<16xf32>,
      %iota3A_1507 = tpu.iota {dimensions = array<i32: 0>} : vector<16xi32>
      %mul3A_1508 = arith.constant 4 : i32
      %mul3A_1509 = arith.muli %rem3A_245, %mul3A_1508 : i32
      %add3A_1510 = arith.constant 3 : i32
      %add3A_1511 = arith.addi %mul3A_1509, %add3A_1510 : i32
      %mul3A_1512 = arith.constant 64 : i32
      %mul3A_1513 = arith.muli %add3A_1511, %mul3A_1512 : i32
      %add3A_1514 = arith.constant 48 : i32
      %add3A_1515 = arith.addi %mul3A_1513, %add3A_1514 : i32
      %add3A_1516 = vector.broadcast %add3A_1515 : i32 to vector<16xi32>
      %add3A_1517 = arith.addi %iota3A_1507, %add3A_1516 : vector<16xi32>
      %gather3A_1518 = tpu.vector_load_idx %arg6[%add3A_1517, %broadcast_in_dim3A_1449] : memref<768x128xf32, #tpu.memory_space<vmem>>[vector<16xi32>, vector<16xi32>], vector<16xf32>,
      %iota3A_1519 = tpu.iota {dimensions = array<i32: 0>} : vector<16xi32>
      %add3A_1520 = arith.constant 48 : i32
      %add3A_1521 = vector.broadcast %add3A_1520 : i32 to vector<16xi32>
      %add3A_1522 = arith.addi %iota3A_1519, %add3A_1521 : vector<16xi32>
      %add3A_1523 = vector.broadcast %mul3A_1204 : i32 to vector<16xi32>
      %add3A_1524 = arith.addi %add3A_1522, %add3A_1523 : vector<16xi32>
      tpu.vector_store_idx %arg7[%add3A_1524, %broadcast_in_dim3A_1452], %gather3A_1518 : memref<128x128xf32, #tpu.memory_space<vmem>>[vector<16xi32>, vector<16xi32>], vector<16xf32>,
      %convert_element_type3A_1525 = arith.extui %lt3A_248 : i1 to i32
      %cond3A_1526 = arith.constant 0 : i32
      %cond3A_1527 = arith.cmpi ne, %convert_element_type3A_1525, %cond3A_1526 : i32
      scf.if %cond3A_1527 {
        %slice3A_1934 = vector.extract_strided_slice %get3A_238 {offsets = [4], sizes = [1], strides = [1]} : vector<16xi32> to vector<1xi32>
        %squeeze3A_1935 = vector.extract %slice3A_1934[0] : i32 from vector<1xi32>
        %shift_right_logical3A_1936 = arith.constant 7 : i32
        %shift_right_logical3A_1937 = arith.shrui %squeeze3A_1935, %shift_right_logical3A_1936 : i32
        %shift_left3A_1938 = arith.constant 7 : i32
        %shift_left3A_1939 = arith.shli %shift_right_logical3A_1937, %shift_left3A_1938 : i32
        %multiple_of3A_1940 = tpu.assume_multiple %shift_left3A_1939, 128 : i32
        %mul3A_1941 = arith.constant 4 : i32
        %mul3A_1942 = arith.muli %rem3A_245, %mul3A_1941 : i32
        %add3A_1943 = arith.constant 0 : i32
        %add3A_1944 = arith.addi %mul3A_1942, %add3A_1943 : i32
        %mul3A_1945 = arith.constant 64 : i32
        %mul3A_1946 = arith.muli %add3A_1944, %mul3A_1945 : i32
        %dma_start3A_1947 = arith.constant 0 : i32
        %dma_start3A_1948 = tpu.memref_slice %arg6[%mul3A_1946, %dma_start3A_1947] : memref<768x128xf32, #tpu.memory_space<vmem>> -> memref<64x128xf32, #tpu.memory_space<vmem>>
        %dma_start3A_1949 = arith.constant 0 : i32
        %dma_start3A_1950 = tpu.memref_slice %arg3[%dma_start3A_1949, %multiple_of3A_1940] : memref<64x1000000xf32, #tpu.memory_space<hbm>> -> memref<64x128xf32, #tpu.memory_space<hbm>>
        %dma_start3A_1951 = arith.constant 0 : i32
        %dma_start3A_1952 = tpu.memref_slice %arg6[%mul3A_1946, %dma_start3A_1951] : memref<768x128xf32, #tpu.memory_space<vmem>> -> memref<64x128xf32, #tpu.memory_space<vmem>>
        %dma_start3A_1953 = arith.constant 0 : i32
        %dma_start3A_1954 = tpu.memref_slice %arg3[%dma_start3A_1953, %multiple_of3A_1940] : memref<64x1000000xf32, #tpu.memory_space<hbm>> -> memref<64x128xf32, #tpu.memory_space<hbm>>
        tpu.enqueue_dma source(%dma_start3A_1954 : memref<64x128xf32, #tpu.memory_space<hbm>>) target(%dma_start3A_1952 : memref<64x128xf32, #tpu.memory_space<vmem>>) target_semaphore(%arg8 : memref<!tpu.dma_semaphore, #tpu.memory_space<semaphore_mem>>)
        %slice3A_1955 = vector.extract_strided_slice %get3A_238 {offsets = [5], sizes = [1], strides = [1]} : vector<16xi32> to vector<1xi32>
        %squeeze3A_1956 = vector.extract %slice3A_1955[0] : i32 from vector<1xi32>
        %shift_right_logical3A_1957 = arith.constant 7 : i32
        %shift_right_logical3A_1958 = arith.shrui %squeeze3A_1956, %shift_right_logical3A_1957 : i32
        %shift_left3A_1959 = arith.constant 7 : i32
        %shift_left3A_1960 = arith.shli %shift_right_logical3A_1958, %shift_left3A_1959 : i32
        %multiple_of3A_1961 = tpu.assume_multiple %shift_left3A_1960, 128 : i32
        %mul3A_1962 = arith.constant 4 : i32
        %mul3A_1963 = arith.muli %rem3A_245, %mul3A_1962 : i32
        %add3A_1964 = arith.constant 1 : i32
        %add3A_1965 = arith.addi %mul3A_1963, %add3A_1964 : i32
        %mul3A_1966 = arith.constant 64 : i32
        %mul3A_1967 = arith.muli %add3A_1965, %mul3A_1966 : i32
        %dma_start3A_1968 = arith.constant 0 : i32
        %dma_start3A_1969 = tpu.memref_slice %arg6[%mul3A_1967, %dma_start3A_1968] : memref<768x128xf32, #tpu.memory_space<vmem>> -> memref<64x128xf32, #tpu.memory_space<vmem>>
        %dma_start3A_1970 = arith.constant 0 : i32
        %dma_start3A_1971 = tpu.memref_slice %arg3[%dma_start3A_1970, %multiple_of3A_1961] : memref<64x1000000xf32, #tpu.memory_space<hbm>> -> memref<64x128xf32, #tpu.memory_space<hbm>>
        %dma_start3A_1972 = arith.constant 0 : i32
        %dma_start3A_1973 = tpu.memref_slice %arg6[%mul3A_1967, %dma_start3A_1972] : memref<768x128xf32, #tpu.memory_space<vmem>> -> memref<64x128xf32, #tpu.memory_space<vmem>>
        %dma_start3A_1974 = arith.constant 0 : i32
        %dma_start3A_1975 = tpu.memref_slice %arg3[%dma_start3A_1974, %multiple_of3A_1961] : memref<64x1000000xf32, #tpu.memory_space<hbm>> -> memref<64x128xf32, #tpu.memory_space<hbm>>
        tpu.enqueue_dma source(%dma_start3A_1975 : memref<64x128xf32, #tpu.memory_space<hbm>>) target(%dma_start3A_1973 : memref<64x128xf32, #tpu.memory_space<vmem>>) target_semaphore(%arg8 : memref<!tpu.dma_semaphore, #tpu.memory_space<semaphore_mem>>)
        %slice3A_1976 = vector.extract_strided_slice %get3A_238 {offsets = [6], sizes = [1], strides = [1]} : vector<16xi32> to vector<1xi32>
        %squeeze3A_1977 = vector.extract %slice3A_1976[0] : i32 from vector<1xi32>
        %shift_right_logical3A_1978 = arith.constant 7 : i32
        %shift_right_logical3A_1979 = arith.shrui %squeeze3A_1977, %shift_right_logical3A_1978 : i32
        %shift_left3A_1980 = arith.constant 7 : i32
        %shift_left3A_1981 = arith.shli %shift_right_logical3A_1979, %shift_left3A_1980 : i32
        %multiple_of3A_1982 = tpu.assume_multiple %shift_left3A_1981, 128 : i32
        %mul3A_1983 = arith.constant 4 : i32
        %mul3A_1984 = arith.muli %rem3A_245, %mul3A_1983 : i32
        %add3A_1985 = arith.constant 2 : i32
        %add3A_1986 = arith.addi %mul3A_1984, %add3A_1985 : i32
        %mul3A_1987 = arith.constant 64 : i32
        %mul3A_1988 = arith.muli %add3A_1986, %mul3A_1987 : i32
        %dma_start3A_1989 = arith.constant 0 : i32
        %dma_start3A_1990 = tpu.memref_slice %arg6[%mul3A_1988, %dma_start3A_1989] : memref<768x128xf32, #tpu.memory_space<vmem>> -> memref<64x128xf32, #tpu.memory_space<vmem>>
        %dma_start3A_1991 = arith.constant 0 : i32
        %dma_start3A_1992 = tpu.memref_slice %arg3[%dma_start3A_1991, %multiple_of3A_1982] : memref<64x1000000xf32, #tpu.memory_space<hbm>> -> memref<64x128xf32, #tpu.memory_space<hbm>>
        %dma_start3A_1993 = arith.constant 0 : i32
        %dma_start3A_1994 = tpu.memref_slice %arg6[%mul3A_1988, %dma_start3A_1993] : memref<768x128xf32, #tpu.memory_space<vmem>> -> memref<64x128xf32, #tpu.memory_space<vmem>>
        %dma_start3A_1995 = arith.constant 0 : i32
        %dma_start3A_1996 = tpu.memref_slice %arg3[%dma_start3A_1995, %multiple_of3A_1982] : memref<64x1000000xf32, #tpu.memory_space<hbm>> -> memref<64x128xf32, #tpu.memory_space<hbm>>
        tpu.enqueue_dma source(%dma_start3A_1996 : memref<64x128xf32, #tpu.memory_space<hbm>>) target(%dma_start3A_1994 : memref<64x128xf32, #tpu.memory_space<vmem>>) target_semaphore(%arg8 : memref<!tpu.dma_semaphore, #tpu.memory_space<semaphore_mem>>)
        %slice3A_1997 = vector.extract_strided_slice %get3A_238 {offsets = [7], sizes = [1], strides = [1]} : vector<16xi32> to vector<1xi32>
        %squeeze3A_1998 = vector.extract %slice3A_1997[0] : i32 from vector<1xi32>
        %shift_right_logical3A_1999 = arith.constant 7 : i32
        %shift_right_logical3A_2000 = arith.shrui %squeeze3A_1998, %shift_right_logical3A_1999 : i32
        %shift_left3A_2001 = arith.constant 7 : i32
        %shift_left3A_2002 = arith.shli %shift_right_logical3A_2000, %shift_left3A_2001 : i32
        %multiple_of3A_2003 = tpu.assume_multiple %shift_left3A_2002, 128 : i32
        %mul3A_2004 = arith.constant 4 : i32
        %mul3A_2005 = arith.muli %rem3A_245, %mul3A_2004 : i32
        %add3A_2006 = arith.constant 3 : i32
        %add3A_2007 = arith.addi %mul3A_2005, %add3A_2006 : i32
        %mul3A_2008 = arith.constant 64 : i32
        %mul3A_2009 = arith.muli %add3A_2007, %mul3A_2008 : i32
        %dma_start3A_2010 = arith.constant 0 : i32
        %dma_start3A_2011 = tpu.memref_slice %arg6[%mul3A_2009, %dma_start3A_2010] : memref<768x128xf32, #tpu.memory_space<vmem>> -> memref<64x128xf32, #tpu.memory_space<vmem>>
        %dma_start3A_2012 = arith.constant 0 : i32
        %dma_start3A_2013 = tpu.memref_slice %arg3[%dma_start3A_2012, %multiple_of3A_2003] : memref<64x1000000xf32, #tpu.memory_space<hbm>> -> memref<64x128xf32, #tpu.memory_space<hbm>>
        %dma_start3A_2014 = arith.constant 0 : i32
        %dma_start3A_2015 = tpu.memref_slice %arg6[%mul3A_2009, %dma_start3A_2014] : memref<768x128xf32, #tpu.memory_space<vmem>> -> memref<64x128xf32, #tpu.memory_space<vmem>>
        %dma_start3A_2016 = arith.constant 0 : i32
        %dma_start3A_2017 = tpu.memref_slice %arg3[%dma_start3A_2016, %multiple_of3A_2003] : memref<64x1000000xf32, #tpu.memory_space<hbm>> -> memref<64x128xf32, #tpu.memory_space<hbm>>
        tpu.enqueue_dma source(%dma_start3A_2017 : memref<64x128xf32, #tpu.memory_space<hbm>>) target(%dma_start3A_2015 : memref<64x128xf32, #tpu.memory_space<vmem>>) target_semaphore(%arg8 : memref<!tpu.dma_semaphore, #tpu.memory_space<semaphore_mem>>)
      } else {
      }
      %mul3A_1528 = arith.constant 4 : i32
      %mul3A_1529 = arith.muli %scan3A_228, %mul3A_1528 : i32
      %add3A_1530 = arith.constant 0 : i32
      %add3A_1531 = arith.addi %mul3A_1529, %add3A_1530 : i32
      %mul3A_1532 = arith.constant 64 : i32
      %mul3A_1533 = arith.muli %add3A_1531, %mul3A_1532 : i32
      %dma_wait3A_1534 = arith.constant 0 : i32
      %dma_wait3A_1535 = tpu.memref_slice %arg6[%mul3A_1533, %dma_wait3A_1534] : memref<768x128xf32, #tpu.memory_space<vmem>> -> memref<64x128xf32, #tpu.memory_space<vmem>>
      %dma_wait3A_1536 = arith.constant 0 : i32
      %dma_wait3A_1537 = arith.constant 0 : i32
      %dma_wait3A_1538 = tpu.memref_slice %arg3[%dma_wait3A_1536, %dma_wait3A_1537] : memref<64x1000000xf32, #tpu.memory_space<hbm>> -> memref<64x128xf32, #tpu.memory_space<hbm>>
      %dma_wait3A_1539 = arith.constant 0 : i32
      %dma_wait3A_1540 = tpu.memref_slice %arg6[%mul3A_1533, %dma_wait3A_1539] : memref<768x128xf32, #tpu.memory_space<vmem>> -> memref<64x128xf32, #tpu.memory_space<vmem>>
      %dma_wait3A_1541 = arith.constant 0 : i32
      %dma_wait3A_1542 = arith.constant 0 : i32
      %dma_wait3A_1543 = tpu.memref_slice %arg3[%dma_wait3A_1541, %dma_wait3A_1542] : memref<64x1000000xf32, #tpu.memory_space<hbm>> -> memref<64x128xf32, #tpu.memory_space<hbm>>
      tpu.wait_dma2 semaphore(%arg8 : memref<!tpu.dma_semaphore, #tpu.memory_space<semaphore_mem>>) src(%dma_wait3A_1543 : memref<64x128xf32, #tpu.memory_space<hbm>>) dst(%dma_wait3A_1540 : memref<64x128xf32, #tpu.memory_space<vmem>>)
      %mul3A_1544 = arith.constant 4 : i32
      %mul3A_1545 = arith.muli %scan3A_228, %mul3A_1544 : i32
      %add3A_1546 = arith.constant 1 : i32
      %add3A_1547 = arith.addi %mul3A_1545, %add3A_1546 : i32
      %mul3A_1548 = arith.constant 64 : i32
      %mul3A_1549 = arith.muli %add3A_1547, %mul3A_1548 : i32
      %dma_wait3A_1550 = arith.constant 0 : i32
      %dma_wait3A_1551 = tpu.memref_slice %arg6[%mul3A_1549, %dma_wait3A_1550] : memref<768x128xf32, #tpu.memory_space<vmem>> -> memref<64x128xf32, #tpu.memory_space<vmem>>
      %dma_wait3A_1552 = arith.constant 0 : i32
      %dma_wait3A_1553 = arith.constant 0 : i32
      %dma_wait3A_1554 = tpu.memref_slice %arg3[%dma_wait3A_1552, %dma_wait3A_1553] : memref<64x1000000xf32, #tpu.memory_space<hbm>> -> memref<64x128xf32, #tpu.memory_space<hbm>>
      %dma_wait3A_1555 = arith.constant 0 : i32
      %dma_wait3A_1556 = tpu.memref_slice %arg6[%mul3A_1549, %dma_wait3A_1555] : memref<768x128xf32, #tpu.memory_space<vmem>> -> memref<64x128xf32, #tpu.memory_space<vmem>>
      %dma_wait3A_1557 = arith.constant 0 : i32
      %dma_wait3A_1558 = arith.constant 0 : i32
      %dma_wait3A_1559 = tpu.memref_slice %arg3[%dma_wait3A_1557, %dma_wait3A_1558] : memref<64x1000000xf32, #tpu.memory_space<hbm>> -> memref<64x128xf32, #tpu.memory_space<hbm>>
      tpu.wait_dma2 semaphore(%arg8 : memref<!tpu.dma_semaphore, #tpu.memory_space<semaphore_mem>>) src(%dma_wait3A_1559 : memref<64x128xf32, #tpu.memory_space<hbm>>) dst(%dma_wait3A_1556 : memref<64x128xf32, #tpu.memory_space<vmem>>)
      %mul3A_1560 = arith.constant 4 : i32
      %mul3A_1561 = arith.muli %scan3A_228, %mul3A_1560 : i32
      %add3A_1562 = arith.constant 2 : i32
      %add3A_1563 = arith.addi %mul3A_1561, %add3A_1562 : i32
      %mul3A_1564 = arith.constant 64 : i32
      %mul3A_1565 = arith.muli %add3A_1563, %mul3A_1564 : i32
      %dma_wait3A_1566 = arith.constant 0 : i32
      %dma_wait3A_1567 = tpu.memref_slice %arg6[%mul3A_1565, %dma_wait3A_1566] : memref<768x128xf32, #tpu.memory_space<vmem>> -> memref<64x128xf32, #tpu.memory_space<vmem>>
      %dma_wait3A_1568 = arith.constant 0 : i32
      %dma_wait3A_1569 = arith.constant 0 : i32
      %dma_wait3A_1570 = tpu.memref_slice %arg3[%dma_wait3A_1568, %dma_wait3A_1569] : memref<64x1000000xf32, #tpu.memory_space<hbm>> -> memref<64x128xf32, #tpu.memory_space<hbm>>
      %dma_wait3A_1571 = arith.constant 0 : i32
      %dma_wait3A_1572 = tpu.memref_slice %arg6[%mul3A_1565, %dma_wait3A_1571] : memref<768x128xf32, #tpu.memory_space<vmem>> -> memref<64x128xf32, #tpu.memory_space<vmem>>
      %dma_wait3A_1573 = arith.constant 0 : i32
      %dma_wait3A_1574 = arith.constant 0 : i32
      %dma_wait3A_1575 = tpu.memref_slice %arg3[%dma_wait3A_1573, %dma_wait3A_1574] : memref<64x1000000xf32, #tpu.memory_space<hbm>> -> memref<64x128xf32, #tpu.memory_space<hbm>>
      tpu.wait_dma2 semaphore(%arg8 : memref<!tpu.dma_semaphore, #tpu.memory_space<semaphore_mem>>) src(%dma_wait3A_1575 : memref<64x128xf32, #tpu.memory_space<hbm>>) dst(%dma_wait3A_1572 : memref<64x128xf32, #tpu.memory_space<vmem>>)
      %mul3A_1576 = arith.constant 4 : i32
      %mul3A_1577 = arith.muli %scan3A_228, %mul3A_1576 : i32
      %add3A_1578 = arith.constant 3 : i32
      %add3A_1579 = arith.addi %mul3A_1577, %add3A_1578 : i32
      %mul3A_1580 = arith.constant 64 : i32
      %mul3A_1581 = arith.muli %add3A_1579, %mul3A_1580 : i32
      %dma_wait3A_1582 = arith.constant 0 : i32
      %dma_wait3A_1583 = tpu.memref_slice %arg6[%mul3A_1581, %dma_wait3A_1582] : memref<768x128xf32, #tpu.memory_space<vmem>> -> memref<64x128xf32, #tpu.memory_space<vmem>>
      %dma_wait3A_1584 = arith.constant 0 : i32
      %dma_wait3A_1585 = arith.constant 0 : i32
      %dma_wait3A_1586 = tpu.memref_slice %arg3[%dma_wait3A_1584, %dma_wait3A_1585] : memref<64x1000000xf32, #tpu.memory_space<hbm>> -> memref<64x128xf32, #tpu.memory_space<hbm>>
      %dma_wait3A_1587 = arith.constant 0 : i32
      %dma_wait3A_1588 = tpu.memref_slice %arg6[%mul3A_1581, %dma_wait3A_1587] : memref<768x128xf32, #tpu.memory_space<vmem>> -> memref<64x128xf32, #tpu.memory_space<vmem>>
      %dma_wait3A_1589 = arith.constant 0 : i32
      %dma_wait3A_1590 = arith.constant 0 : i32
      %dma_wait3A_1591 = tpu.memref_slice %arg3[%dma_wait3A_1589, %dma_wait3A_1590] : memref<64x1000000xf32, #tpu.memory_space<hbm>> -> memref<64x128xf32, #tpu.memory_space<hbm>>
      tpu.wait_dma2 semaphore(%arg8 : memref<!tpu.dma_semaphore, #tpu.memory_space<semaphore_mem>>) src(%dma_wait3A_1591 : memref<64x128xf32, #tpu.memory_space<hbm>>) dst(%dma_wait3A_1588 : memref<64x128xf32, #tpu.memory_space<vmem>>)
      %rem3A_1592 = arith.constant 8 : i32
      %rem3A_1593 = arith.remsi %scan3A_227, %rem3A_1592 : i32
      %mul3A_1594 = arith.constant 16 : i32
      %mul3A_1595 = arith.muli %rem3A_1593, %mul3A_1594 : i32
      %add3A_1596 = arith.constant 12 : i32
      %add3A_1597 = arith.addi %mul3A_1595, %add3A_1596 : i32
      %div3A_1598 = arith.constant 8 : i32
      %div3A_1599 = arith.divsi %scan3A_227, %div3A_1598 : i32
      %rem3A_1600 = arith.constant 2 : i32
      %rem3A_1601 = arith.remsi %div3A_1599, %rem3A_1600 : i32
      %mul3A_1602 = arith.constant 64 : i32
      %mul3A_1603 = arith.muli %rem3A_1601, %mul3A_1602 : i32
      %slice3A_1604 = vector.extract_strided_slice %get3A_232 {offsets = [12], sizes = [1], strides = [1]} : vector<16xi32> to vector<1xi32>
      %squeeze3A_1605 = vector.extract %slice3A_1604[0] : i32 from vector<1xi32>
      %and3A_1606 = arith.constant 127 : i32
      %and3A_1607 = arith.andi %squeeze3A_1605, %and3A_1606 : i32
      %broadcast_in_dim3A_1608 = vector.broadcast %and3A_1607 : i32 to vector<16xi32>
      %add3A_1609 = arith.constant 0 : i32
      %add3A_1610 = arith.addi %add3A_1597, %add3A_1609 : i32
      %broadcast_in_dim3A_1611 = vector.broadcast %add3A_1610 : i32 to vector<16xi32>
      %iota3A_1612 = tpu.iota {dimensions = array<i32: 0>} : vector<16xi32>
      %mul3A_1613 = arith.constant 4 : i32
      %mul3A_1614 = arith.muli %scan3A_228, %mul3A_1613 : i32
      %add3A_1615 = arith.constant 0 : i32
      %add3A_1616 = arith.addi %mul3A_1614, %add3A_1615 : i32
      %mul3A_1617 = arith.constant 64 : i32
      %mul3A_1618 = arith.muli %add3A_1616, %mul3A_1617 : i32
      %add3A_1619 = arith.constant 0 : i32
      %add3A_1620 = arith.addi %mul3A_1618, %add3A_1619 : i32
      %add3A_1621 = vector.broadcast %add3A_1620 : i32 to vector<16xi32>
      %add3A_1622 = arith.addi %iota3A_1612, %add3A_1621 : vector<16xi32>
      %gather3A_1623 = tpu.vector_load_idx %arg6[%add3A_1622, %broadcast_in_dim3A_1608] : memref<768x128xf32, #tpu.memory_space<vmem>>[vector<16xi32>, vector<16xi32>], vector<16xf32>,
      %iota3A_1624 = tpu.iota {dimensions = array<i32: 0>} : vector<16xi32>
      %add3A_1625 = arith.constant 0 : i32
      %add3A_1626 = vector.broadcast %add3A_1625 : i32 to vector<16xi32>
      %add3A_1627 = arith.addi %iota3A_1624, %add3A_1626 : vector<16xi32>
      %add3A_1628 = vector.broadcast %mul3A_1603 : i32 to vector<16xi32>
      %add3A_1629 = arith.addi %add3A_1627, %add3A_1628 : vector<16xi32>
      tpu.vector_store_idx %arg7[%add3A_1629, %broadcast_in_dim3A_1611], %gather3A_1623 : memref<128x128xf32, #tpu.memory_space<vmem>>[vector<16xi32>, vector<16xi32>], vector<16xf32>,
      %iota3A_1630 = tpu.iota {dimensions = array<i32: 0>} : vector<16xi32>
      %mul3A_1631 = arith.constant 4 : i32
      %mul3A_1632 = arith.muli %scan3A_228, %mul3A_1631 : i32
      %add3A_1633 = arith.constant 0 : i32
      %add3A_1634 = arith.addi %mul3A_1632, %add3A_1633 : i32
      %mul3A_1635 = arith.constant 64 : i32
      %mul3A_1636 = arith.muli %add3A_1634, %mul3A_1635 : i32
      %add3A_1637 = arith.constant 16 : i32
      %add3A_1638 = arith.addi %mul3A_1636, %add3A_1637 : i32
      %add3A_1639 = vector.broadcast %add3A_1638 : i32 to vector<16xi32>
      %add3A_1640 = arith.addi %iota3A_1630, %add3A_1639 : vector<16xi32>
      %gather3A_1641 = tpu.vector_load_idx %arg6[%add3A_1640, %broadcast_in_dim3A_1608] : memref<768x128xf32, #tpu.memory_space<vmem>>[vector<16xi32>, vector<16xi32>], vector<16xf32>,
      %iota3A_1642 = tpu.iota {dimensions = array<i32: 0>} : vector<16xi32>
      %add3A_1643 = arith.constant 16 : i32
      %add3A_1644 = vector.broadcast %add3A_1643 : i32 to vector<16xi32>
      %add3A_1645 = arith.addi %iota3A_1642, %add3A_1644 : vector<16xi32>
      %add3A_1646 = vector.broadcast %mul3A_1603 : i32 to vector<16xi32>
      %add3A_1647 = arith.addi %add3A_1645, %add3A_1646 : vector<16xi32>
      tpu.vector_store_idx %arg7[%add3A_1647, %broadcast_in_dim3A_1611], %gather3A_1641 : memref<128x128xf32, #tpu.memory_space<vmem>>[vector<16xi32>, vector<16xi32>], vector<16xf32>,
      %iota3A_1648 = tpu.iota {dimensions = array<i32: 0>} : vector<16xi32>
      %mul3A_1649 = arith.constant 4 : i32
      %mul3A_1650 = arith.muli %scan3A_228, %mul3A_1649 : i32
      %add3A_1651 = arith.constant 0 : i32
      %add3A_1652 = arith.addi %mul3A_1650, %add3A_1651 : i32
      %mul3A_1653 = arith.constant 64 : i32
      %mul3A_1654 = arith.muli %add3A_1652, %mul3A_1653 : i32
      %add3A_1655 = arith.constant 32 : i32
      %add3A_1656 = arith.addi %mul3A_1654, %add3A_1655 : i32
      %add3A_1657 = vector.broadcast %add3A_1656 : i32 to vector<16xi32>
      %add3A_1658 = arith.addi %iota3A_1648, %add3A_1657 : vector<16xi32>
      %gather3A_1659 = tpu.vector_load_idx %arg6[%add3A_1658, %broadcast_in_dim3A_1608] : memref<768x128xf32, #tpu.memory_space<vmem>>[vector<16xi32>, vector<16xi32>], vector<16xf32>,
      %iota3A_1660 = tpu.iota {dimensions = array<i32: 0>} : vector<16xi32>
      %add3A_1661 = arith.constant 32 : i32
      %add3A_1662 = vector.broadcast %add3A_1661 : i32 to vector<16xi32>
      %add3A_1663 = arith.addi %iota3A_1660, %add3A_1662 : vector<16xi32>
      %add3A_1664 = vector.broadcast %mul3A_1603 : i32 to vector<16xi32>
      %add3A_1665 = arith.addi %add3A_1663, %add3A_1664 : vector<16xi32>
      tpu.vector_store_idx %arg7[%add3A_1665, %broadcast_in_dim3A_1611], %gather3A_1659 : memref<128x128xf32, #tpu.memory_space<vmem>>[vector<16xi32>, vector<16xi32>], vector<16xf32>,
      %iota3A_1666 = tpu.iota {dimensions = array<i32: 0>} : vector<16xi32>
      %mul3A_1667 = arith.constant 4 : i32
      %mul3A_1668 = arith.muli %scan3A_228, %mul3A_1667 : i32
      %add3A_1669 = arith.constant 0 : i32
      %add3A_1670 = arith.addi %mul3A_1668, %add3A_1669 : i32
      %mul3A_1671 = arith.constant 64 : i32
      %mul3A_1672 = arith.muli %add3A_1670, %mul3A_1671 : i32
      %add3A_1673 = arith.constant 48 : i32
      %add3A_1674 = arith.addi %mul3A_1672, %add3A_1673 : i32
      %add3A_1675 = vector.broadcast %add3A_1674 : i32 to vector<16xi32>
      %add3A_1676 = arith.addi %iota3A_1666, %add3A_1675 : vector<16xi32>
      %gather3A_1677 = tpu.vector_load_idx %arg6[%add3A_1676, %broadcast_in_dim3A_1608] : memref<768x128xf32, #tpu.memory_space<vmem>>[vector<16xi32>, vector<16xi32>], vector<16xf32>,
      %iota3A_1678 = tpu.iota {dimensions = array<i32: 0>} : vector<16xi32>
      %add3A_1679 = arith.constant 48 : i32
      %add3A_1680 = vector.broadcast %add3A_1679 : i32 to vector<16xi32>
      %add3A_1681 = arith.addi %iota3A_1678, %add3A_1680 : vector<16xi32>
      %add3A_1682 = vector.broadcast %mul3A_1603 : i32 to vector<16xi32>
      %add3A_1683 = arith.addi %add3A_1681, %add3A_1682 : vector<16xi32>
      tpu.vector_store_idx %arg7[%add3A_1683, %broadcast_in_dim3A_1611], %gather3A_1677 : memref<128x128xf32, #tpu.memory_space<vmem>>[vector<16xi32>, vector<16xi32>], vector<16xf32>,
      %slice3A_1684 = vector.extract_strided_slice %get3A_232 {offsets = [13], sizes = [1], strides = [1]} : vector<16xi32> to vector<1xi32>
      %squeeze3A_1685 = vector.extract %slice3A_1684[0] : i32 from vector<1xi32>
      %and3A_1686 = arith.constant 127 : i32
      %and3A_1687 = arith.andi %squeeze3A_1685, %and3A_1686 : i32
      %broadcast_in_dim3A_1688 = vector.broadcast %and3A_1687 : i32 to vector<16xi32>
      %add3A_1689 = arith.constant 1 : i32
      %add3A_1690 = arith.addi %add3A_1597, %add3A_1689 : i32
      %broadcast_in_dim3A_1691 = vector.broadcast %add3A_1690 : i32 to vector<16xi32>
      %iota3A_1692 = tpu.iota {dimensions = array<i32: 0>} : vector<16xi32>
      %mul3A_1693 = arith.constant 4 : i32
      %mul3A_1694 = arith.muli %scan3A_228, %mul3A_1693 : i32
      %add3A_1695 = arith.constant 1 : i32
      %add3A_1696 = arith.addi %mul3A_1694, %add3A_1695 : i32
      %mul3A_1697 = arith.constant 64 : i32
      %mul3A_1698 = arith.muli %add3A_1696, %mul3A_1697 : i32
      %add3A_1699 = arith.constant 0 : i32
      %add3A_1700 = arith.addi %mul3A_1698, %add3A_1699 : i32
      %add3A_1701 = vector.broadcast %add3A_1700 : i32 to vector<16xi32>
      %add3A_1702 = arith.addi %iota3A_1692, %add3A_1701 : vector<16xi32>
      %gather3A_1703 = tpu.vector_load_idx %arg6[%add3A_1702, %broadcast_in_dim3A_1688] : memref<768x128xf32, #tpu.memory_space<vmem>>[vector<16xi32>, vector<16xi32>], vector<16xf32>,
      %iota3A_1704 = tpu.iota {dimensions = array<i32: 0>} : vector<16xi32>
      %add3A_1705 = arith.constant 0 : i32
      %add3A_1706 = vector.broadcast %add3A_1705 : i32 to vector<16xi32>
      %add3A_1707 = arith.addi %iota3A_1704, %add3A_1706 : vector<16xi32>
      %add3A_1708 = vector.broadcast %mul3A_1603 : i32 to vector<16xi32>
      %add3A_1709 = arith.addi %add3A_1707, %add3A_1708 : vector<16xi32>
      tpu.vector_store_idx %arg7[%add3A_1709, %broadcast_in_dim3A_1691], %gather3A_1703 : memref<128x128xf32, #tpu.memory_space<vmem>>[vector<16xi32>, vector<16xi32>], vector<16xf32>,
      %iota3A_1710 = tpu.iota {dimensions = array<i32: 0>} : vector<16xi32>
      %mul3A_1711 = arith.constant 4 : i32
      %mul3A_1712 = arith.muli %scan3A_228, %mul3A_1711 : i32
      %add3A_1713 = arith.constant 1 : i32
      %add3A_1714 = arith.addi %mul3A_1712, %add3A_1713 : i32
      %mul3A_1715 = arith.constant 64 : i32
      %mul3A_1716 = arith.muli %add3A_1714, %mul3A_1715 : i32
      %add3A_1717 = arith.constant 16 : i32
      %add3A_1718 = arith.addi %mul3A_1716, %add3A_1717 : i32
      %add3A_1719 = vector.broadcast %add3A_1718 : i32 to vector<16xi32>
      %add3A_1720 = arith.addi %iota3A_1710, %add3A_1719 : vector<16xi32>
      %gather3A_1721 = tpu.vector_load_idx %arg6[%add3A_1720, %broadcast_in_dim3A_1688] : memref<768x128xf32, #tpu.memory_space<vmem>>[vector<16xi32>, vector<16xi32>], vector<16xf32>,
      %iota3A_1722 = tpu.iota {dimensions = array<i32: 0>} : vector<16xi32>
      %add3A_1723 = arith.constant 16 : i32
      %add3A_1724 = vector.broadcast %add3A_1723 : i32 to vector<16xi32>
      %add3A_1725 = arith.addi %iota3A_1722, %add3A_1724 : vector<16xi32>
      %add3A_1726 = vector.broadcast %mul3A_1603 : i32 to vector<16xi32>
      %add3A_1727 = arith.addi %add3A_1725, %add3A_1726 : vector<16xi32>
      tpu.vector_store_idx %arg7[%add3A_1727, %broadcast_in_dim3A_1691], %gather3A_1721 : memref<128x128xf32, #tpu.memory_space<vmem>>[vector<16xi32>, vector<16xi32>], vector<16xf32>,
      %iota3A_1728 = tpu.iota {dimensions = array<i32: 0>} : vector<16xi32>
      %mul3A_1729 = arith.constant 4 : i32
      %mul3A_1730 = arith.muli %scan3A_228, %mul3A_1729 : i32
      %add3A_1731 = arith.constant 1 : i32
      %add3A_1732 = arith.addi %mul3A_1730, %add3A_1731 : i32
      %mul3A_1733 = arith.constant 64 : i32
      %mul3A_1734 = arith.muli %add3A_1732, %mul3A_1733 : i32
      %add3A_1735 = arith.constant 32 : i32
      %add3A_1736 = arith.addi %mul3A_1734, %add3A_1735 : i32
      %add3A_1737 = vector.broadcast %add3A_1736 : i32 to vector<16xi32>
      %add3A_1738 = arith.addi %iota3A_1728, %add3A_1737 : vector<16xi32>
      %gather3A_1739 = tpu.vector_load_idx %arg6[%add3A_1738, %broadcast_in_dim3A_1688] : memref<768x128xf32, #tpu.memory_space<vmem>>[vector<16xi32>, vector<16xi32>], vector<16xf32>,
      %iota3A_1740 = tpu.iota {dimensions = array<i32: 0>} : vector<16xi32>
      %add3A_1741 = arith.constant 32 : i32
      %add3A_1742 = vector.broadcast %add3A_1741 : i32 to vector<16xi32>
      %add3A_1743 = arith.addi %iota3A_1740, %add3A_1742 : vector<16xi32>
      %add3A_1744 = vector.broadcast %mul3A_1603 : i32 to vector<16xi32>
      %add3A_1745 = arith.addi %add3A_1743, %add3A_1744 : vector<16xi32>
      tpu.vector_store_idx %arg7[%add3A_1745, %broadcast_in_dim3A_1691], %gather3A_1739 : memref<128x128xf32, #tpu.memory_space<vmem>>[vector<16xi32>, vector<16xi32>], vector<16xf32>,
      %iota3A_1746 = tpu.iota {dimensions = array<i32: 0>} : vector<16xi32>
      %mul3A_1747 = arith.constant 4 : i32
      %mul3A_1748 = arith.muli %scan3A_228, %mul3A_1747 : i32
      %add3A_1749 = arith.constant 1 : i32
      %add3A_1750 = arith.addi %mul3A_1748, %add3A_1749 : i32
      %mul3A_1751 = arith.constant 64 : i32
      %mul3A_1752 = arith.muli %add3A_1750, %mul3A_1751 : i32
      %add3A_1753 = arith.constant 48 : i32
      %add3A_1754 = arith.addi %mul3A_1752, %add3A_1753 : i32
      %add3A_1755 = vector.broadcast %add3A_1754 : i32 to vector<16xi32>
      %add3A_1756 = arith.addi %iota3A_1746, %add3A_1755 : vector<16xi32>
      %gather3A_1757 = tpu.vector_load_idx %arg6[%add3A_1756, %broadcast_in_dim3A_1688] : memref<768x128xf32, #tpu.memory_space<vmem>>[vector<16xi32>, vector<16xi32>], vector<16xf32>,
      %iota3A_1758 = tpu.iota {dimensions = array<i32: 0>} : vector<16xi32>
      %add3A_1759 = arith.constant 48 : i32
      %add3A_1760 = vector.broadcast %add3A_1759 : i32 to vector<16xi32>
      %add3A_1761 = arith.addi %iota3A_1758, %add3A_1760 : vector<16xi32>
      %add3A_1762 = vector.broadcast %mul3A_1603 : i32 to vector<16xi32>
      %add3A_1763 = arith.addi %add3A_1761, %add3A_1762 : vector<16xi32>
      tpu.vector_store_idx %arg7[%add3A_1763, %broadcast_in_dim3A_1691], %gather3A_1757 : memref<128x128xf32, #tpu.memory_space<vmem>>[vector<16xi32>, vector<16xi32>], vector<16xf32>,
      %slice3A_1764 = vector.extract_strided_slice %get3A_232 {offsets = [14], sizes = [1], strides = [1]} : vector<16xi32> to vector<1xi32>
      %squeeze3A_1765 = vector.extract %slice3A_1764[0] : i32 from vector<1xi32>
      %and3A_1766 = arith.constant 127 : i32
      %and3A_1767 = arith.andi %squeeze3A_1765, %and3A_1766 : i32
      %broadcast_in_dim3A_1768 = vector.broadcast %and3A_1767 : i32 to vector<16xi32>
      %add3A_1769 = arith.constant 2 : i32
      %add3A_1770 = arith.addi %add3A_1597, %add3A_1769 : i32
      %broadcast_in_dim3A_1771 = vector.broadcast %add3A_1770 : i32 to vector<16xi32>
      %iota3A_1772 = tpu.iota {dimensions = array<i32: 0>} : vector<16xi32>
      %mul3A_1773 = arith.constant 4 : i32
      %mul3A_1774 = arith.muli %scan3A_228, %mul3A_1773 : i32
      %add3A_1775 = arith.constant 2 : i32
      %add3A_1776 = arith.addi %mul3A_1774, %add3A_1775 : i32
      %mul3A_1777 = arith.constant 64 : i32
      %mul3A_1778 = arith.muli %add3A_1776, %mul3A_1777 : i32
      %add3A_1779 = arith.constant 0 : i32
      %add3A_1780 = arith.addi %mul3A_1778, %add3A_1779 : i32
      %add3A_1781 = vector.broadcast %add3A_1780 : i32 to vector<16xi32>
      %add3A_1782 = arith.addi %iota3A_1772, %add3A_1781 : vector<16xi32>
      %gather3A_1783 = tpu.vector_load_idx %arg6[%add3A_1782, %broadcast_in_dim3A_1768] : memref<768x128xf32, #tpu.memory_space<vmem>>[vector<16xi32>, vector<16xi32>], vector<16xf32>,
      %iota3A_1784 = tpu.iota {dimensions = array<i32: 0>} : vector<16xi32>
      %add3A_1785 = arith.constant 0 : i32
      %add3A_1786 = vector.broadcast %add3A_1785 : i32 to vector<16xi32>
      %add3A_1787 = arith.addi %iota3A_1784, %add3A_1786 : vector<16xi32>
      %add3A_1788 = vector.broadcast %mul3A_1603 : i32 to vector<16xi32>
      %add3A_1789 = arith.addi %add3A_1787, %add3A_1788 : vector<16xi32>
      tpu.vector_store_idx %arg7[%add3A_1789, %broadcast_in_dim3A_1771], %gather3A_1783 : memref<128x128xf32, #tpu.memory_space<vmem>>[vector<16xi32>, vector<16xi32>], vector<16xf32>,
      %iota3A_1790 = tpu.iota {dimensions = array<i32: 0>} : vector<16xi32>
      %mul3A_1791 = arith.constant 4 : i32
      %mul3A_1792 = arith.muli %scan3A_228, %mul3A_1791 : i32
      %add3A_1793 = arith.constant 2 : i32
      %add3A_1794 = arith.addi %mul3A_1792, %add3A_1793 : i32
      %mul3A_1795 = arith.constant 64 : i32
      %mul3A_1796 = arith.muli %add3A_1794, %mul3A_1795 : i32
      %add3A_1797 = arith.constant 16 : i32
      %add3A_1798 = arith.addi %mul3A_1796, %add3A_1797 : i32
      %add3A_1799 = vector.broadcast %add3A_1798 : i32 to vector<16xi32>
      %add3A_1800 = arith.addi %iota3A_1790, %add3A_1799 : vector<16xi32>
      %gather3A_1801 = tpu.vector_load_idx %arg6[%add3A_1800, %broadcast_in_dim3A_1768] : memref<768x128xf32, #tpu.memory_space<vmem>>[vector<16xi32>, vector<16xi32>], vector<16xf32>,
      %iota3A_1802 = tpu.iota {dimensions = array<i32: 0>} : vector<16xi32>
      %add3A_1803 = arith.constant 16 : i32
      %add3A_1804 = vector.broadcast %add3A_1803 : i32 to vector<16xi32>
      %add3A_1805 = arith.addi %iota3A_1802, %add3A_1804 : vector<16xi32>
      %add3A_1806 = vector.broadcast %mul3A_1603 : i32 to vector<16xi32>
      %add3A_1807 = arith.addi %add3A_1805, %add3A_1806 : vector<16xi32>
      tpu.vector_store_idx %arg7[%add3A_1807, %broadcast_in_dim3A_1771], %gather3A_1801 : memref<128x128xf32, #tpu.memory_space<vmem>>[vector<16xi32>, vector<16xi32>], vector<16xf32>,
      %iota3A_1808 = tpu.iota {dimensions = array<i32: 0>} : vector<16xi32>
      %mul3A_1809 = arith.constant 4 : i32
      %mul3A_1810 = arith.muli %scan3A_228, %mul3A_1809 : i32
      %add3A_1811 = arith.constant 2 : i32
      %add3A_1812 = arith.addi %mul3A_1810, %add3A_1811 : i32
      %mul3A_1813 = arith.constant 64 : i32
      %mul3A_1814 = arith.muli %add3A_1812, %mul3A_1813 : i32
      %add3A_1815 = arith.constant 32 : i32
      %add3A_1816 = arith.addi %mul3A_1814, %add3A_1815 : i32
      %add3A_1817 = vector.broadcast %add3A_1816 : i32 to vector<16xi32>
      %add3A_1818 = arith.addi %iota3A_1808, %add3A_1817 : vector<16xi32>
      %gather3A_1819 = tpu.vector_load_idx %arg6[%add3A_1818, %broadcast_in_dim3A_1768] : memref<768x128xf32, #tpu.memory_space<vmem>>[vector<16xi32>, vector<16xi32>], vector<16xf32>,
      %iota3A_1820 = tpu.iota {dimensions = array<i32: 0>} : vector<16xi32>
      %add3A_1821 = arith.constant 32 : i32
      %add3A_1822 = vector.broadcast %add3A_1821 : i32 to vector<16xi32>
      %add3A_1823 = arith.addi %iota3A_1820, %add3A_1822 : vector<16xi32>
      %add3A_1824 = vector.broadcast %mul3A_1603 : i32 to vector<16xi32>
      %add3A_1825 = arith.addi %add3A_1823, %add3A_1824 : vector<16xi32>
      tpu.vector_store_idx %arg7[%add3A_1825, %broadcast_in_dim3A_1771], %gather3A_1819 : memref<128x128xf32, #tpu.memory_space<vmem>>[vector<16xi32>, vector<16xi32>], vector<16xf32>,
      %iota3A_1826 = tpu.iota {dimensions = array<i32: 0>} : vector<16xi32>
      %mul3A_1827 = arith.constant 4 : i32
      %mul3A_1828 = arith.muli %scan3A_228, %mul3A_1827 : i32
      %add3A_1829 = arith.constant 2 : i32
      %add3A_1830 = arith.addi %mul3A_1828, %add3A_1829 : i32
      %mul3A_1831 = arith.constant 64 : i32
      %mul3A_1832 = arith.muli %add3A_1830, %mul3A_1831 : i32
      %add3A_1833 = arith.constant 48 : i32
      %add3A_1834 = arith.addi %mul3A_1832, %add3A_1833 : i32
      %add3A_1835 = vector.broadcast %add3A_1834 : i32 to vector<16xi32>
      %add3A_1836 = arith.addi %iota3A_1826, %add3A_1835 : vector<16xi32>
      %gather3A_1837 = tpu.vector_load_idx %arg6[%add3A_1836, %broadcast_in_dim3A_1768] : memref<768x128xf32, #tpu.memory_space<vmem>>[vector<16xi32>, vector<16xi32>], vector<16xf32>,
      %iota3A_1838 = tpu.iota {dimensions = array<i32: 0>} : vector<16xi32>
      %add3A_1839 = arith.constant 48 : i32
      %add3A_1840 = vector.broadcast %add3A_1839 : i32 to vector<16xi32>
      %add3A_1841 = arith.addi %iota3A_1838, %add3A_1840 : vector<16xi32>
      %add3A_1842 = vector.broadcast %mul3A_1603 : i32 to vector<16xi32>
      %add3A_1843 = arith.addi %add3A_1841, %add3A_1842 : vector<16xi32>
      tpu.vector_store_idx %arg7[%add3A_1843, %broadcast_in_dim3A_1771], %gather3A_1837 : memref<128x128xf32, #tpu.memory_space<vmem>>[vector<16xi32>, vector<16xi32>], vector<16xf32>,
      %slice3A_1844 = vector.extract_strided_slice %get3A_232 {offsets = [15], sizes = [1], strides = [1]} : vector<16xi32> to vector<1xi32>
      %squeeze3A_1845 = vector.extract %slice3A_1844[0] : i32 from vector<1xi32>
      %and3A_1846 = arith.constant 127 : i32
      %and3A_1847 = arith.andi %squeeze3A_1845, %and3A_1846 : i32
      %broadcast_in_dim3A_1848 = vector.broadcast %and3A_1847 : i32 to vector<16xi32>
      %add3A_1849 = arith.constant 3 : i32
      %add3A_1850 = arith.addi %add3A_1597, %add3A_1849 : i32
      %broadcast_in_dim3A_1851 = vector.broadcast %add3A_1850 : i32 to vector<16xi32>
      %iota3A_1852 = tpu.iota {dimensions = array<i32: 0>} : vector<16xi32>
      %mul3A_1853 = arith.constant 4 : i32
      %mul3A_1854 = arith.muli %scan3A_228, %mul3A_1853 : i32
      %add3A_1855 = arith.constant 3 : i32
      %add3A_1856 = arith.addi %mul3A_1854, %add3A_1855 : i32
      %mul3A_1857 = arith.constant 64 : i32
      %mul3A_1858 = arith.muli %add3A_1856, %mul3A_1857 : i32
      %add3A_1859 = arith.constant 0 : i32
      %add3A_1860 = arith.addi %mul3A_1858, %add3A_1859 : i32
      %add3A_1861 = vector.broadcast %add3A_1860 : i32 to vector<16xi32>
      %add3A_1862 = arith.addi %iota3A_1852, %add3A_1861 : vector<16xi32>
      %gather3A_1863 = tpu.vector_load_idx %arg6[%add3A_1862, %broadcast_in_dim3A_1848] : memref<768x128xf32, #tpu.memory_space<vmem>>[vector<16xi32>, vector<16xi32>], vector<16xf32>,
      %iota3A_1864 = tpu.iota {dimensions = array<i32: 0>} : vector<16xi32>
      %add3A_1865 = arith.constant 0 : i32
      %add3A_1866 = vector.broadcast %add3A_1865 : i32 to vector<16xi32>
      %add3A_1867 = arith.addi %iota3A_1864, %add3A_1866 : vector<16xi32>
      %add3A_1868 = vector.broadcast %mul3A_1603 : i32 to vector<16xi32>
      %add3A_1869 = arith.addi %add3A_1867, %add3A_1868 : vector<16xi32>
      tpu.vector_store_idx %arg7[%add3A_1869, %broadcast_in_dim3A_1851], %gather3A_1863 : memref<128x128xf32, #tpu.memory_space<vmem>>[vector<16xi32>, vector<16xi32>], vector<16xf32>,
      %iota3A_1870 = tpu.iota {dimensions = array<i32: 0>} : vector<16xi32>
      %mul3A_1871 = arith.constant 4 : i32
      %mul3A_1872 = arith.muli %scan3A_228, %mul3A_1871 : i32
      %add3A_1873 = arith.constant 3 : i32
      %add3A_1874 = arith.addi %mul3A_1872, %add3A_1873 : i32
      %mul3A_1875 = arith.constant 64 : i32
      %mul3A_1876 = arith.muli %add3A_1874, %mul3A_1875 : i32
      %add3A_1877 = arith.constant 16 : i32
      %add3A_1878 = arith.addi %mul3A_1876, %add3A_1877 : i32
      %add3A_1879 = vector.broadcast %add3A_1878 : i32 to vector<16xi32>
      %add3A_1880 = arith.addi %iota3A_1870, %add3A_1879 : vector<16xi32>
      %gather3A_1881 = tpu.vector_load_idx %arg6[%add3A_1880, %broadcast_in_dim3A_1848] : memref<768x128xf32, #tpu.memory_space<vmem>>[vector<16xi32>, vector<16xi32>], vector<16xf32>,
      %iota3A_1882 = tpu.iota {dimensions = array<i32: 0>} : vector<16xi32>
      %add3A_1883 = arith.constant 16 : i32
      %add3A_1884 = vector.broadcast %add3A_1883 : i32 to vector<16xi32>
      %add3A_1885 = arith.addi %iota3A_1882, %add3A_1884 : vector<16xi32>
      %add3A_1886 = vector.broadcast %mul3A_1603 : i32 to vector<16xi32>
      %add3A_1887 = arith.addi %add3A_1885, %add3A_1886 : vector<16xi32>
      tpu.vector_store_idx %arg7[%add3A_1887, %broadcast_in_dim3A_1851], %gather3A_1881 : memref<128x128xf32, #tpu.memory_space<vmem>>[vector<16xi32>, vector<16xi32>], vector<16xf32>,
      %iota3A_1888 = tpu.iota {dimensions = array<i32: 0>} : vector<16xi32>
      %mul3A_1889 = arith.constant 4 : i32
      %mul3A_1890 = arith.muli %scan3A_228, %mul3A_1889 : i32
      %add3A_1891 = arith.constant 3 : i32
      %add3A_1892 = arith.addi %mul3A_1890, %add3A_1891 : i32
      %mul3A_1893 = arith.constant 64 : i32
      %mul3A_1894 = arith.muli %add3A_1892, %mul3A_1893 : i32
      %add3A_1895 = arith.constant 32 : i32
      %add3A_1896 = arith.addi %mul3A_1894, %add3A_1895 : i32
      %add3A_1897 = vector.broadcast %add3A_1896 : i32 to vector<16xi32>
      %add3A_1898 = arith.addi %iota3A_1888, %add3A_1897 : vector<16xi32>
      %gather3A_1899 = tpu.vector_load_idx %arg6[%add3A_1898, %broadcast_in_dim3A_1848] : memref<768x128xf32, #tpu.memory_space<vmem>>[vector<16xi32>, vector<16xi32>], vector<16xf32>,
      %iota3A_1900 = tpu.iota {dimensions = array<i32: 0>} : vector<16xi32>
      %add3A_1901 = arith.constant 32 : i32
      %add3A_1902 = vector.broadcast %add3A_1901 : i32 to vector<16xi32>
      %add3A_1903 = arith.addi %iota3A_1900, %add3A_1902 : vector<16xi32>
      %add3A_1904 = vector.broadcast %mul3A_1603 : i32 to vector<16xi32>
      %add3A_1905 = arith.addi %add3A_1903, %add3A_1904 : vector<16xi32>
      tpu.vector_store_idx %arg7[%add3A_1905, %broadcast_in_dim3A_1851], %gather3A_1899 : memref<128x128xf32, #tpu.memory_space<vmem>>[vector<16xi32>, vector<16xi32>], vector<16xf32>,
      %iota3A_1906 = tpu.iota {dimensions = array<i32: 0>} : vector<16xi32>
      %mul3A_1907 = arith.constant 4 : i32
      %mul3A_1908 = arith.muli %scan3A_228, %mul3A_1907 : i32
      %add3A_1909 = arith.constant 3 : i32
      %add3A_1910 = arith.addi %mul3A_1908, %add3A_1909 : i32
      %mul3A_1911 = arith.constant 64 : i32
      %mul3A_1912 = arith.muli %add3A_1910, %mul3A_1911 : i32
      %add3A_1913 = arith.constant 48 : i32
      %add3A_1914 = arith.addi %mul3A_1912, %add3A_1913 : i32
      %add3A_1915 = vector.broadcast %add3A_1914 : i32 to vector<16xi32>
      %add3A_1916 = arith.addi %iota3A_1906, %add3A_1915 : vector<16xi32>
      %gather3A_1917 = tpu.vector_load_idx %arg6[%add3A_1916, %broadcast_in_dim3A_1848] : memref<768x128xf32, #tpu.memory_space<vmem>>[vector<16xi32>, vector<16xi32>], vector<16xf32>,
      %iota3A_1918 = tpu.iota {dimensions = array<i32: 0>} : vector<16xi32>
      %add3A_1919 = arith.constant 48 : i32
      %add3A_1920 = vector.broadcast %add3A_1919 : i32 to vector<16xi32>
      %add3A_1921 = arith.addi %iota3A_1918, %add3A_1920 : vector<16xi32>
      %add3A_1922 = vector.broadcast %mul3A_1603 : i32 to vector<16xi32>
      %add3A_1923 = arith.addi %add3A_1921, %add3A_1922 : vector<16xi32>
      tpu.vector_store_idx %arg7[%add3A_1923, %broadcast_in_dim3A_1851], %gather3A_1917 : memref<128x128xf32, #tpu.memory_space<vmem>>[vector<16xi32>, vector<16xi32>], vector<16xf32>,
      %convert_element_type3A_1924 = arith.extui %lt3A_248 : i1 to i32
      %cond3A_1925 = arith.constant 0 : i32
      %cond3A_1926 = arith.cmpi ne, %convert_element_type3A_1924, %cond3A_1925 : i32
      scf.if %cond3A_1926 {
        %slice3A_1934 = vector.extract_strided_slice %get3A_238 {offsets = [8], sizes = [1], strides = [1]} : vector<16xi32> to vector<1xi32>
        %squeeze3A_1935 = vector.extract %slice3A_1934[0] : i32 from vector<1xi32>
        %shift_right_logical3A_1936 = arith.constant 7 : i32
        %shift_right_logical3A_1937 = arith.shrui %squeeze3A_1935, %shift_right_logical3A_1936 : i32
        %shift_left3A_1938 = arith.constant 7 : i32
        %shift_left3A_1939 = arith.shli %shift_right_logical3A_1937, %shift_left3A_1938 : i32
        %multiple_of3A_1940 = tpu.assume_multiple %shift_left3A_1939, 128 : i32
        %mul3A_1941 = arith.constant 4 : i32
        %mul3A_1942 = arith.muli %scan3A_228, %mul3A_1941 : i32
        %add3A_1943 = arith.constant 0 : i32
        %add3A_1944 = arith.addi %mul3A_1942, %add3A_1943 : i32
        %mul3A_1945 = arith.constant 64 : i32
        %mul3A_1946 = arith.muli %add3A_1944, %mul3A_1945 : i32
        %dma_start3A_1947 = arith.constant 0 : i32
        %dma_start3A_1948 = tpu.memref_slice %arg6[%mul3A_1946, %dma_start3A_1947] : memref<768x128xf32, #tpu.memory_space<vmem>> -> memref<64x128xf32, #tpu.memory_space<vmem>>
        %dma_start3A_1949 = arith.constant 0 : i32
        %dma_start3A_1950 = tpu.memref_slice %arg3[%dma_start3A_1949, %multiple_of3A_1940] : memref<64x1000000xf32, #tpu.memory_space<hbm>> -> memref<64x128xf32, #tpu.memory_space<hbm>>
        %dma_start3A_1951 = arith.constant 0 : i32
        %dma_start3A_1952 = tpu.memref_slice %arg6[%mul3A_1946, %dma_start3A_1951] : memref<768x128xf32, #tpu.memory_space<vmem>> -> memref<64x128xf32, #tpu.memory_space<vmem>>
        %dma_start3A_1953 = arith.constant 0 : i32
        %dma_start3A_1954 = tpu.memref_slice %arg3[%dma_start3A_1953, %multiple_of3A_1940] : memref<64x1000000xf32, #tpu.memory_space<hbm>> -> memref<64x128xf32, #tpu.memory_space<hbm>>
        tpu.enqueue_dma source(%dma_start3A_1954 : memref<64x128xf32, #tpu.memory_space<hbm>>) target(%dma_start3A_1952 : memref<64x128xf32, #tpu.memory_space<vmem>>) target_semaphore(%arg8 : memref<!tpu.dma_semaphore, #tpu.memory_space<semaphore_mem>>)
        %slice3A_1955 = vector.extract_strided_slice %get3A_238 {offsets = [9], sizes = [1], strides = [1]} : vector<16xi32> to vector<1xi32>
        %squeeze3A_1956 = vector.extract %slice3A_1955[0] : i32 from vector<1xi32>
        %shift_right_logical3A_1957 = arith.constant 7 : i32
        %shift_right_logical3A_1958 = arith.shrui %squeeze3A_1956, %shift_right_logical3A_1957 : i32
        %shift_left3A_1959 = arith.constant 7 : i32
        %shift_left3A_1960 = arith.shli %shift_right_logical3A_1958, %shift_left3A_1959 : i32
        %multiple_of3A_1961 = tpu.assume_multiple %shift_left3A_1960, 128 : i32
        %mul3A_1962 = arith.constant 4 : i32
        %mul3A_1963 = arith.muli %scan3A_228, %mul3A_1962 : i32
        %add3A_1964 = arith.constant 1 : i32
        %add3A_1965 = arith.addi %mul3A_1963, %add3A_1964 : i32
        %mul3A_1966 = arith.constant 64 : i32
        %mul3A_1967 = arith.muli %add3A_1965, %mul3A_1966 : i32
        %dma_start3A_1968 = arith.constant 0 : i32
        %dma_start3A_1969 = tpu.memref_slice %arg6[%mul3A_1967, %dma_start3A_1968] : memref<768x128xf32, #tpu.memory_space<vmem>> -> memref<64x128xf32, #tpu.memory_space<vmem>>
        %dma_start3A_1970 = arith.constant 0 : i32
        %dma_start3A_1971 = tpu.memref_slice %arg3[%dma_start3A_1970, %multiple_of3A_1961] : memref<64x1000000xf32, #tpu.memory_space<hbm>> -> memref<64x128xf32, #tpu.memory_space<hbm>>
        %dma_start3A_1972 = arith.constant 0 : i32
        %dma_start3A_1973 = tpu.memref_slice %arg6[%mul3A_1967, %dma_start3A_1972] : memref<768x128xf32, #tpu.memory_space<vmem>> -> memref<64x128xf32, #tpu.memory_space<vmem>>
        %dma_start3A_1974 = arith.constant 0 : i32
        %dma_start3A_1975 = tpu.memref_slice %arg3[%dma_start3A_1974, %multiple_of3A_1961] : memref<64x1000000xf32, #tpu.memory_space<hbm>> -> memref<64x128xf32, #tpu.memory_space<hbm>>
        tpu.enqueue_dma source(%dma_start3A_1975 : memref<64x128xf32, #tpu.memory_space<hbm>>) target(%dma_start3A_1973 : memref<64x128xf32, #tpu.memory_space<vmem>>) target_semaphore(%arg8 : memref<!tpu.dma_semaphore, #tpu.memory_space<semaphore_mem>>)
        %slice3A_1976 = vector.extract_strided_slice %get3A_238 {offsets = [10], sizes = [1], strides = [1]} : vector<16xi32> to vector<1xi32>
        %squeeze3A_1977 = vector.extract %slice3A_1976[0] : i32 from vector<1xi32>
        %shift_right_logical3A_1978 = arith.constant 7 : i32
        %shift_right_logical3A_1979 = arith.shrui %squeeze3A_1977, %shift_right_logical3A_1978 : i32
        %shift_left3A_1980 = arith.constant 7 : i32
        %shift_left3A_1981 = arith.shli %shift_right_logical3A_1979, %shift_left3A_1980 : i32
        %multiple_of3A_1982 = tpu.assume_multiple %shift_left3A_1981, 128 : i32
        %mul3A_1983 = arith.constant 4 : i32
        %mul3A_1984 = arith.muli %scan3A_228, %mul3A_1983 : i32
        %add3A_1985 = arith.constant 2 : i32
        %add3A_1986 = arith.addi %mul3A_1984, %add3A_1985 : i32
        %mul3A_1987 = arith.constant 64 : i32
        %mul3A_1988 = arith.muli %add3A_1986, %mul3A_1987 : i32
        %dma_start3A_1989 = arith.constant 0 : i32
        %dma_start3A_1990 = tpu.memref_slice %arg6[%mul3A_1988, %dma_start3A_1989] : memref<768x128xf32, #tpu.memory_space<vmem>> -> memref<64x128xf32, #tpu.memory_space<vmem>>
        %dma_start3A_1991 = arith.constant 0 : i32
        %dma_start3A_1992 = tpu.memref_slice %arg3[%dma_start3A_1991, %multiple_of3A_1982] : memref<64x1000000xf32, #tpu.memory_space<hbm>> -> memref<64x128xf32, #tpu.memory_space<hbm>>
        %dma_start3A_1993 = arith.constant 0 : i32
        %dma_start3A_1994 = tpu.memref_slice %arg6[%mul3A_1988, %dma_start3A_1993] : memref<768x128xf32, #tpu.memory_space<vmem>> -> memref<64x128xf32, #tpu.memory_space<vmem>>
        %dma_start3A_1995 = arith.constant 0 : i32
        %dma_start3A_1996 = tpu.memref_slice %arg3[%dma_start3A_1995, %multiple_of3A_1982] : memref<64x1000000xf32, #tpu.memory_space<hbm>> -> memref<64x128xf32, #tpu.memory_space<hbm>>
        tpu.enqueue_dma source(%dma_start3A_1996 : memref<64x128xf32, #tpu.memory_space<hbm>>) target(%dma_start3A_1994 : memref<64x128xf32, #tpu.memory_space<vmem>>) target_semaphore(%arg8 : memref<!tpu.dma_semaphore, #tpu.memory_space<semaphore_mem>>)
        %slice3A_1997 = vector.extract_strided_slice %get3A_238 {offsets = [11], sizes = [1], strides = [1]} : vector<16xi32> to vector<1xi32>
        %squeeze3A_1998 = vector.extract %slice3A_1997[0] : i32 from vector<1xi32>
        %shift_right_logical3A_1999 = arith.constant 7 : i32
        %shift_right_logical3A_2000 = arith.shrui %squeeze3A_1998, %shift_right_logical3A_1999 : i32
        %shift_left3A_2001 = arith.constant 7 : i32
        %shift_left3A_2002 = arith.shli %shift_right_logical3A_2000, %shift_left3A_2001 : i32
        %multiple_of3A_2003 = tpu.assume_multiple %shift_left3A_2002, 128 : i32
        %mul3A_2004 = arith.constant 4 : i32
        %mul3A_2005 = arith.muli %scan3A_228, %mul3A_2004 : i32
        %add3A_2006 = arith.constant 3 : i32
        %add3A_2007 = arith.addi %mul3A_2005, %add3A_2006 : i32
        %mul3A_2008 = arith.constant 64 : i32
        %mul3A_2009 = arith.muli %add3A_2007, %mul3A_2008 : i32
        %dma_start3A_2010 = arith.constant 0 : i32
        %dma_start3A_2011 = tpu.memref_slice %arg6[%mul3A_2009, %dma_start3A_2010] : memref<768x128xf32, #tpu.memory_space<vmem>> -> memref<64x128xf32, #tpu.memory_space<vmem>>
        %dma_start3A_2012 = arith.constant 0 : i32
        %dma_start3A_2013 = tpu.memref_slice %arg3[%dma_start3A_2012, %multiple_of3A_2003] : memref<64x1000000xf32, #tpu.memory_space<hbm>> -> memref<64x128xf32, #tpu.memory_space<hbm>>
        %dma_start3A_2014 = arith.constant 0 : i32
        %dma_start3A_2015 = tpu.memref_slice %arg6[%mul3A_2009, %dma_start3A_2014] : memref<768x128xf32, #tpu.memory_space<vmem>> -> memref<64x128xf32, #tpu.memory_space<vmem>>
        %dma_start3A_2016 = arith.constant 0 : i32
        %dma_start3A_2017 = tpu.memref_slice %arg3[%dma_start3A_2016, %multiple_of3A_2003] : memref<64x1000000xf32, #tpu.memory_space<hbm>> -> memref<64x128xf32, #tpu.memory_space<hbm>>
        tpu.enqueue_dma source(%dma_start3A_2017 : memref<64x128xf32, #tpu.memory_space<hbm>>) target(%dma_start3A_2015 : memref<64x128xf32, #tpu.memory_space<vmem>>) target_semaphore(%arg8 : memref<!tpu.dma_semaphore, #tpu.memory_space<semaphore_mem>>)
      } else {
      }
      %rem3A_1927 = arith.constant 8 : i32
      %rem3A_1928 = arith.remsi %scan3A_227, %rem3A_1927 : i32
      %eq3A_1929 = arith.constant 7 : i32
      %eq3A_1930 = arith.cmpi eq, %rem3A_1928, %eq3A_1929 : i32
      %convert_element_type3A_1931 = arith.extui %eq3A_1930 : i1 to i32
      %cond3A_1932 = arith.constant 0 : i32
      %cond3A_1933 = arith.cmpi ne, %convert_element_type3A_1931, %cond3A_1932 : i32
      scf.if %cond3A_1933 {
        %div3A_1934 = arith.constant 8 : i32
        %div3A_1935 = arith.divsi %scan3A_227, %div3A_1934 : i32
        %rem3A_1936 = arith.constant 2 : i32
        %rem3A_1937 = arith.remsi %div3A_1935, %rem3A_1936 : i32
        %mul3A_1938 = arith.constant 64 : i32
        %mul3A_1939 = arith.muli %rem3A_1937, %mul3A_1938 : i32
        %sub3A = arith.constant 7 : i32
        %sub3A_1940 = arith.subi %scan3A_227, %sub3A : i32
        %mul3A_1941 = arith.constant 16 : i32
        %mul3A_1942 = arith.muli %sub3A_1940, %mul3A_1941 : i32
        %add3A_1943 = arith.addi %mul3A_2, %mul3A_1942 : i32
        %multiple_of3A_1944 = tpu.assume_multiple %add3A_1943, 128 : i32
        %dma_start3A_1945 = arith.constant 0 : i32
        %dma_start3A_1946 = tpu.memref_slice %arg7[%mul3A_1939, %dma_start3A_1945] : memref<128x128xf32, #tpu.memory_space<vmem>> -> memref<64x128xf32, #tpu.memory_space<vmem>>
        %dma_start3A_1947 = arith.constant 0 : i32
        %dma_start3A_1948 = tpu.memref_slice %arg4[%dma_start3A_1947, %multiple_of3A_1944] : memref<64x16384xf32, #tpu.memory_space<hbm>> -> memref<64x128xf32, #tpu.memory_space<hbm>>
        %dma_start3A_1949 = arith.constant 0 : i32
        %dma_start3A_1950 = tpu.memref_slice %arg4[%dma_start3A_1949, %multiple_of3A_1944] : memref<64x16384xf32, #tpu.memory_space<hbm>> -> memref<64x128xf32, #tpu.memory_space<hbm>>
        %dma_start3A_1951 = arith.constant 0 : i32
        %dma_start3A_1952 = tpu.memref_slice %arg7[%mul3A_1939, %dma_start3A_1951] : memref<128x128xf32, #tpu.memory_space<vmem>> -> memref<64x128xf32, #tpu.memory_space<vmem>>
        tpu.enqueue_dma source(%dma_start3A_1952 : memref<64x128xf32, #tpu.memory_space<vmem>>) target(%dma_start3A_1950 : memref<64x128xf32, #tpu.memory_space<hbm>>) target_semaphore(%arg9 : memref<!tpu.dma_semaphore, #tpu.memory_space<semaphore_mem>>)
      } else {
      }
      scf.yield %rem3A_241 : i32
    }
    %scan3A_207 = arith.constant 32 : i32
    %dma_wait3A = arith.constant 0 : i32
    %dma_wait3A_208 = arith.constant 0 : i32
    %dma_wait3A_209 = tpu.memref_slice %arg7[%dma_wait3A, %dma_wait3A_208] : memref<128x128xf32, #tpu.memory_space<vmem>> -> memref<64x128xf32, #tpu.memory_space<vmem>>
    %dma_wait3A_210 = arith.constant 0 : i32
    %dma_wait3A_211 = tpu.memref_slice %arg4[%dma_wait3A_210, %mul3A_2] : memref<64x16384xf32, #tpu.memory_space<hbm>> -> memref<64x128xf32, #tpu.memory_space<hbm>>
    %dma_wait3A_212 = arith.constant 0 : i32
    %dma_wait3A_213 = tpu.memref_slice %arg4[%dma_wait3A_212, %mul3A_2] : memref<64x16384xf32, #tpu.memory_space<hbm>> -> memref<64x128xf32, #tpu.memory_space<hbm>>
    %dma_wait3A_214 = arith.constant 0 : i32
    %dma_wait3A_215 = arith.constant 0 : i32
    %dma_wait3A_216 = tpu.memref_slice %arg7[%dma_wait3A_214, %dma_wait3A_215] : memref<128x128xf32, #tpu.memory_space<vmem>> -> memref<64x128xf32, #tpu.memory_space<vmem>>
    tpu.wait_dma2 semaphore(%arg9 : memref<!tpu.dma_semaphore, #tpu.memory_space<semaphore_mem>>) src(%dma_wait3A_216 : memref<64x128xf32, #tpu.memory_space<vmem>>) dst(%dma_wait3A_213 : memref<64x128xf32, #tpu.memory_space<hbm>>)
    %dma_wait3A_217 = arith.constant 0 : i32
    %dma_wait3A_218 = arith.constant 0 : i32
    %dma_wait3A_219 = tpu.memref_slice %arg7[%dma_wait3A_217, %dma_wait3A_218] : memref<128x128xf32, #tpu.memory_space<vmem>> -> memref<64x128xf32, #tpu.memory_space<vmem>>
    %dma_wait3A_220 = arith.constant 0 : i32
    %dma_wait3A_221 = tpu.memref_slice %arg4[%dma_wait3A_220, %mul3A_2] : memref<64x16384xf32, #tpu.memory_space<hbm>> -> memref<64x128xf32, #tpu.memory_space<hbm>>
    %dma_wait3A_222 = arith.constant 0 : i32
    %dma_wait3A_223 = tpu.memref_slice %arg4[%dma_wait3A_222, %mul3A_2] : memref<64x16384xf32, #tpu.memory_space<hbm>> -> memref<64x128xf32, #tpu.memory_space<hbm>>
    %dma_wait3A_224 = arith.constant 0 : i32
    %dma_wait3A_225 = arith.constant 0 : i32
    %dma_wait3A_226 = tpu.memref_slice %arg7[%dma_wait3A_224, %dma_wait3A_225] : memref<128x128xf32, #tpu.memory_space<vmem>> -> memref<64x128xf32, #tpu.memory_space<vmem>>
    tpu.wait_dma2 semaphore(%arg9 : memref<!tpu.dma_semaphore, #tpu.memory_space<semaphore_mem>>) src(%dma_wait3A_226 : memref<64x128xf32, #tpu.memory_space<vmem>>) dst(%dma_wait3A_223 : memref<64x128xf32, #tpu.memory_space<hbm>>)
    return
  }
}

</mosaic_0001>

<sc_bundles>
// kernel: kernel.3.cloned.1.call-start
scs
__scs_entry_jumppad:
0x0: {  	(pc) =	sbr.rel $0x88, $3  }
0x1: {  	(tag) =	ssettag $0x0;
	lr =	simm.s32 $0x1  }
0x2: {  	[smem:$0x3F9F] =	sst lr;
	_ =	strace $0xD0000000  }
0x3: {  	_ = 	snop  }
0x4: {  	_ = 	snop  }
0x5: {  	_ = 	snop  }
0x6: {  	_ = 	snop  }
0x7: {  	_ = 	snop  }
__scs_overlays_trampoline_lowered:
0x8: {  	[smem:$0x3FAE] =	sst s0  }
0x9: {  	[smem:$0x3FAF] =	sst s1  }
0xa: {  	[smem:$0x3FB0] =	sst s2  }
0xb: {  	[smem:$0x3FB1] =	sst s3  }
0xc: {  	[smem:$0x3FB2] =	sst s4  }
0xd: {  	[smem:$0x3FB3] =	sst s5  }
0xe: {  	[smem:$0x3FB4] =	sst s6  }
0xf: {  	[smem:$0x3FB5] =	sst s7  }
0x10: {  	[smem:$0x3FB6] =	sst s8  }
0x11: {  	[smem:$0x3FB7] =	sst s9;
	s0 =	simm.s32 @!p0 $0x0  }
0x12: {  	s1 =	sld [smem:$0x3F9D];
	s0 =	simm.s32 @p0 $0x1  }
0x13: {  	[smem:$0x3FB8] =	sst s0;
	s0 =	simm.s32 @!p1 $0x0  }
0x14: {  	s2 =	sld [smem:$0x3F9C];
	s0 =	simm.s32 @p1 $0x1  }
0x15: {  	[smem:$0x3FB9] =	sst s0;
	s0 =	simm.s32 @!p2 $0x0  }
0x16: {  	s3 =	sld [smem:$0x3FDB];
	s0 =	simm.s32 @p2 $0x1  }
0x17: {  	s4 =	simm.s32 $0x1BF5;
	[smem:$0x3FBB] =	sst s0  }
0x18: {  	s0 =	sld [smem:$0x3F9E];
	_ =	swait.ge [sflag:s4], $0x0  }
0x19: {  	s7 =	sld [smem:$0x3F9F]  }
0x1a: {  	s8 =	sadd.s32 $0xFFFFE003, lr  }
0x1b: {  	s9 =	sadd.s32 $0xFFFFFEF7, lr;
	s5 =	simm.s32 $0xFFFFFFFF;
	p2 =	slt.u32 s8, $0xFFFFF086  }
0x1c: {  	p1 =	slt.u32 s9, $0xF7A;
	s5 =	simm.s32 @!p2 $0x0  }
0x1d: {  	s5 =	simm.s32 @p1 $0x1;
	p0 =	seq.s32 s7, s2  }
0x1e: {  	s7 =	smul.u32 @!p0 $0xF7A, s2;
	p2 =	seq.s32 @!p0 s5, $0x0  }
0x1f: {  	s9 =	smul.u32 $0xF7A, s1;
	s8 =	simm.s32 @!p0 $0x1BF5;
	p2 =	por !p2, p0  }
0x20: {  	[sflag:s8] =	ssyncset.s32 @!p0 $0xFFFFF086;
	s6 =	sadd.s32 @!p0 s3, s7;
	s7 =	simm.s32 @!p0 $0x108  }
0x21: {  	s3 =	sadd.s32 s3, s9;
	s6 =	sadd.s32 @!p0 $0x88, s6;
	s7 =	simm.s32 @p2 $0x1082  }
0x22: {  	[simem:s7], [sflag:s8] =	dma.local @!p0 [hbm:s6], $0xF7A  }
0x23: {  	s9 =	sor.u32 $0xD0000000, s2;
	s6 =	simm.s32 $0x108;
	_ =	swait.ge @!p0 [sflag:s8], $0x0  }
0x24: {  	s3 =	sadd.s32 $0x88, s3;
	s6 =	simm.s32 @!p1 $0x1082;
	[sflag:s4] =	ssyncset.s32 $0xFFFFF086  }
0x25: {  	[simem:s6], [sflag:s4] =	dma.local [hbm:s3], $0xF7A  }
0x26: {  	[smem:$0x3F9F] =	sst s1;
	(tag) =	ssettag s2;
	_ =	strace s9  }
0x27: {  	s1 =	sld [smem:$0x3FAF]  }
0x28: {  	s2 =	sld [smem:$0x3FB0]  }
0x29: {  	s4 =	sld [smem:$0x3FB2]  }
0x2a: {  	p0 =	seq.s32 s5, $0x0;
	s5 =	sld [smem:$0x3FB3]  }
0x2b: {  	s6 =	sld [smem:$0x3FB4]  }
0x2c: {  	s7 =	sld [smem:$0x3FB5]  }
0x2d: {  	s3 =	simm.s32 $0x108;
	s8 =	sld [smem:$0x3FB6]  }
0x2e: {  	s3 =	simm.s32 @!p0 $0x1082;
	s9 =	sld [smem:$0x3FB7]  }
0x2f: {  	lr =	sadd.s32 s0, s3;
	s0 =	sld [smem:$0x3FAE]  }
0x30: {  	s3 =	sld [smem:$0x3FB1]  }
0x31: {  	[smem:$0x3FBA] =	sst s10  }
0x32: {  	s10 =	sld [smem:$0x3FB8];
	_ =	sdelay $0x3  }
0x33: {  	p0 =	seq.s32 s10, $0x1;
	s10 =	sld [smem:$0x3FBA];
	_ =	sdelay $0x3  }
0x34: {  	[smem:$0x3FBA] =	sst s10  }
0x35: {  	s10 =	sld [smem:$0x3FB9];
	_ =	sdelay $0x3  }
0x36: {  	p1 =	seq.s32 s10, $0x1;
	s10 =	sld [smem:$0x3FBA];
	_ =	sdelay $0x3  }
0x37: {  	[smem:$0x3FBA] =	sst s10  }
0x38: {  	s10 =	sld [smem:$0x3FBB]  }
0x39: {  	_ = 	snop;
	(pc) =	sbr.ind lr, $3  }
0x3a: {  	_ = 	snop  }
0x3b: {  	_ = 	snop  }
0x3c: {  	p2 =	seq.s32 s10, $0x1;
	s10 =	sld [smem:$0x3FBA]  }
0x3d: {  	_ =	shalt  }
0x3e: {  	_ =	shalt  }
0x3f: {  	_ =	shalt  }
0x40: {  	_ =	shalt  }
0x41: {  	_ =	shalt  }
0x42: {  	_ =	shalt  }
0x43: {  	_ =	shalt  }
0x44: {  	_ =	shalt  }
0x45: {  	_ =	shalt  }
0x46: {  	_ =	shalt  }
0x47: {  	_ =	shalt  }
0x48: {  	_ =	shalt  }
0x49: {  	_ =	shalt  }
0x4a: {  	_ =	shalt  }
0x4b: {  	_ =	shalt  }
0x4c: {  	_ =	shalt  }
0x4d: {  	_ =	shalt  }
0x4e: {  	_ =	shalt  }
0x4f: {  	_ =	shalt  }
0x50: {  	_ =	shalt  }
0x51: {  	_ =	shalt  }
0x52: {  	_ =	shalt  }
0x53: {  	_ =	shalt  }
0x54: {  	_ =	shalt  }
0x55: {  	_ =	shalt  }
0x56: {  	_ =	shalt  }
0x57: {  	_ =	shalt  }
0x58: {  	_ =	shalt  }
0x59: {  	_ =	shalt  }
0x5a: {  	_ =	shalt  }
0x5b: {  	_ =	shalt  }
0x5c: {  	_ =	shalt  }
0x5d: {  	_ =	shalt  }
0x5e: {  	_ =	shalt  }
0x5f: {  	_ =	shalt  }
0x60: {  	_ =	shalt  }
0x61: {  	_ =	shalt  }
0x62: {  	_ =	shalt  }
0x63: {  	_ =	shalt  }
0x64: {  	_ =	shalt  }
0x65: {  	_ =	shalt  }
0x66: {  	_ =	shalt  }
0x67: {  	_ =	shalt  }
0x68: {  	_ =	shalt  }
0x69: {  	_ =	shalt  }
0x6a: {  	_ =	shalt  }
0x6b: {  	_ =	shalt  }
0x6c: {  	_ =	shalt  }
0x6d: {  	_ =	shalt  }
0x6e: {  	_ =	shalt  }
0x6f: {  	_ =	shalt  }
0x70: {  	_ =	shalt  }
0x71: {  	_ =	shalt  }
0x72: {  	_ =	shalt  }
0x73: {  	_ =	shalt  }
0x74: {  	_ =	shalt  }
0x75: {  	_ =	shalt  }
0x76: {  	_ =	shalt  }
0x77: {  	_ =	shalt  }
0x78: {  	_ =	shalt  }
0x79: {  	_ =	shalt  }
0x7a: {  	_ =	shalt  }
0x7b: {  	_ =	shalt  }
0x7c: {  	_ =	shalt  }
0x7d: {  	_ =	shalt  }
0x7e: {  	_ =	shalt  }
0x7f: {  	_ =	shalt  }
0x80: {  	_ =	shalt  }
0x81: {  	_ =	shalt  }
0x82: {  	_ =	shalt  }
0x83: {  	_ =	shalt  }
0x84: {  	_ =	shalt  }
0x85: {  	_ =	shalt  }
0x86: {  	_ =	shalt  }
0x87: {  	_ =	shalt  }
.Lfunc_end0:
.L_simem_size_0:
called_computation_lowered:
.L_overlay_start_0:
0x88: {  	s2 =	sld [smem:$0x3FD9]  }
0x89: {  	s3 =	sld [smem:$0x3FFE];
	_ =	sdelay $0x1  }
0x8a: {  	s1 =	srdreg.scid  }
0x8b: {  	s0 =	sand.u32 $0x1, s1  }
0x8c: {  	s18 =	sshll.u32 s0, $0xA;
	s2 =	sadd.s32 s3, s2  }
0x8d: {  	s2 =	sadd.s32 s2, s18  }
0x8e: {  	[smem:$0x3FC6] =	sst s2  }
0x8f: {  	_ = 	snop  }
0x90: {  	s2 =	sld [smem:$0x3FC9]  }
0x91: {  	s19 =	sld [smem:$0x3FC8]  }
0x92: {  	s4 =	sld [smem:$0x3FD0];
	(tm) =	ssettm $0x1  }
0x93: {  	s5 =	sld [smem:$0x3FFB];
	_ =	sdelay $0x3  }
0x94: {  	_ =	strace s5  }
0x95: {  	s5 =	sld [smem:$0x3FFC];
	_ =	sdelay $0x3  }
0x96: {  	_ =	strace s5  }
0x97: {  	s5 =	sld [smem:$0x3FFD];
	_ =	sdelay $0x3  }
0x98: {  	_ =	strace s5  }
0x99: {  	_ =	strace $0x8FFFFFFF  }
0x9a: {  	s20 =	sld [smem:$0x3FDB];
	_ =	sdelay $0x1  }
0x9b: {  	s6 =	simm.s32 $_scs_section_size  }
0x9c: {  	s7 =	simm.s32 $_size__tile_overlayer_lowered;
	s8 =	simm.s32 $_tile_overlayer_lowered  }
0x9d: {  	s23 =	simm.s32 $0x1BFF;
	s22 =	sshll.u32 s8, $0x1;
	s5 =	sadd.s32 s6, s20  }
0x9e: {  	s9 =	simm.s32 $0x0;
	s21 =	sshll.u32 s7, $0x1;
	s7 =	sadd.s32 s22, s5  }
0x9f: {  	[timem:s9], [sflag:s23] =	dma.local [hbm:s7], s21  }
0xa0: {  	_ =	swait.ge [sflag:s23], s21  }
0xa1: {  	s6 =	ssub.s32 $0x0, s21;
	[sflag:s23] =	ssyncset.done $0x0  }
0xa2: {  	[sflag:s23] =	ssyncadd.s32 s6;
	_ =	sdelay $0x1  }
0xa3: {  	s24 =	simm.s32 $0x1B8B  }
0xa4: {  	_ =	swait.ge [sflag:s24], $0x1  }
0xa5: {  	[sflag:s24] =	ssyncset.done $0x0  }
0xa6: {  	s25 =	simm.s32 $0x1B8E;
	[sflag:s24] =	ssyncadd.s32 $0xFFFFFFFF  }
0xa7: {  	s26 =	simm.s32 $execute0_lowered;
	[smem:$0x3FD2] =	sst s25  }
0xa8: {  	s6 =	sshll.u32 s26, $0x1;
	_ =	strace $0x80000046;
	[dreg:$0x1] =	wrdreg $0xFFFFFFFF  }
0xa9: {  	s28 =	simm.s32 $_size_execute0_lowered;
	s5 =	sadd.s32 s5, s6;
	[dreg:$0x0] =	wrdreg $0x0  }
0xaa: {  	s6 =	sshll.u32 s28, $0x1;
	[dreg:$0x2] =	wrdreg s5  }
0xab: {  	[dreg:$0x3] =	wrdreg s6  }
0xac: {  	[dreg:$0x4] =	wrdreg $0xC0  }
0xad: {  	_ =	task [dreg:s9], $0x5FFFF  }
0xae: {  	[dreg:$0x1] =	wrdreg $0xFFFFFFFF  }
0xaf: {  	[dreg:$0x0] =	wrdreg $0x60  }
0xb0: {  	[dreg:$0x2] =	wrdreg s2  }
0xb1: {  	[dreg:$0x3] =	wrdreg s19  }
0xb2: {  	[dreg:$0x4] =	wrdreg s4  }
0xb3: {  	[dreg:$0x5] =	wrdreg $0x9  }
0xb4: {  	_ =	task.clear_ibuf [dreg:s9], $0x6FFFF;
	_ =	strace $0x90000046  }
0xb5: {  	s29 =	simm.s32 $0x9;
	_ =	strace $0x80000048  }
0xb6: {  	_ =	swait.ge [sflag:s29], $0x1  }
0xb7: {  	[sflag:s29] =	ssyncadd.s32 $0xFFFFFFFF  }
0xb8: {  	_ =	strace $0x90000048  }
0xb9: {  	_ =	sfence  }
0xba: {  	s30 =	sld [smem:$0x0];
	_ =	sdelay $0x2  }
0xbb: {  	s31 =	sshll.u32 s1, $0xD;
	s1 =	sshrl.u32 s1, $0x2  }
0xbc: {  	s3 =	sand.u32 $0x4000, s31;
	s1 =	sadd.s32 s1, s30  }
0xbd: {  	s0 =	sor.u32 s3, s0;
	s1 =	sshll.u32 s1, $0x11  }
0xbe: {  	s0 =	sor.u32 s1, s0  }
0xbf: {  	s0 =	sadd.s32 $0x8F2B, s0  }
0xc0: {  	[sflag:s0] =	ssyncadd.remote.s32 $0x1  }
0xc1: {  	_ =	sfence.sel $0xFFFF  }
0xc2: {  	[dreg:$0x0] =	wrdreg $0xFFFFFFFF;
	(pc) =	sbr.abs _section_cstart, $3  }
0xc3: {  	[dreg:$0x1] =	wrdreg $0xFFFFFFFF  }
0xc4: {  	_ =	task.clear_ibuf [dreg:s9], $0x2FFFF;
	_ =	strace $0x9FFFFFFF  }
0xc5: {  	(tm) =	ssettm $0x7FFFFFFF  }
tec
execute0_lowered:
.L_overlay_start_1:
0x0: {  	(tag) =	ssettag $0x1  }
0x1: {  	s0 =	rddreg [dreg:$0x0]  }
0x2: {  	s2 =	rddreg [dreg:$0x1]  }
0x3: {  	s1 =	rddreg [dreg:$0x2]  }
0x4: {  	s3 =	srdreg.scid;
	s4 =	stileid.u32;
	s6 =	simm.s32 $0x0  }
0x5: {  	s8 =	simm.s32 $0x400;
	s9 =	simm.s32 $0x7A1400;
	s3 =	sand.u32 $0x1, s3  }
0x6: {  	s10 =	simm.s32 $0x280;
	s4 =	sshll.u32 s4, $0xA;
	s5 =	sshll.u32 s3, $0x9  }
0x7: {  	s22 =	simm.s32 $0x1;
	s3 =	ssub.s32 $0x2, s3;
	s4 =	sor.u32 s5, s4  }
0x8: {  	v0 =	vlaneseq.u32;
	s23 =	simm.s32 $0x18280;
	s29 =	sshrl.u32 s3, $0x1;
	s30 =	sshrl.u32 s4, $0x3  }
0x9: {  	[smem:$0x7FF] =	sst s6;
	v0 =	vmul.u32 $0x80, v0;
	s3 =	ssub.s32 s3, s29;
	s0 =	sadd.s32 s0, s30  }
0xa: {  	_ =	strace $0x80000047;
	s31 =	smax.u32 s3, $0x1;
	[dreg:$0x4] =	wrdreg s0  }
0xb: {  	v1 =	vor.u32 $0x1800, v0;
	v2 =	vor.u32 $0x1000, v0;
	v3 =	vor.u32 $0x800, v0;
	s5 =	sadd.s32 s1, s4;
	s3 =	simm.s32 $0x0;
	[dreg:$0x5] =	wrdreg s31  }
.LBB2_1:
0xc: {  	[dreg:$0x6] =	wrdreg s3  }
0xd: {  	s0 =	simm.s32 $0x0;
	s1 =	rddreg [dreg:$0x4];
	s18 =	simm.s32 $0x3  }
0xe: {  	[tilespmem:s0], [sflag:$0x3] =	stream.linear.gather [hbm4b:s1+s0], $0x200, $0x38;
	[tilespmem:$0x1C280] =	vst v63  }
0xf: {  	_ =	swait.ge [sflag:s18], $0x200  }
0x10: {  	[sflag:s18] =	ssyncset.done $0x0  }
0x11: {  	[sflag:s18] =	ssyncadd.s32 $0xFFFFFE00  }
0x12: {  	v4 =	vld [tilespmem:$0x0];
	_ =	sdelay $0x4  }
0x13: {  	(v2sf) =	vpush v4, $0x0  }
0x14: {  	(v2sf) =	vpush v4, $0x1;
	_ =	sdelay $0x1  }
0x15: {  	(v2sf) =	vpush v4, $0x2;
	_ =	sdelay $0x5  }
0x16: {  	(v2sf) =	vpush v4, $0x3;
	_ =	sdelay $0x5  }
0x17: {  	s19 =	spop (v2sf);
	(v2sf) =	vpush v4, $0x4  }
0x18: {  	s20 =	spop (v2sf);
	(v2sf) =	vpush v4, $0x5;
	_ =	sdelay $0x1  }
0x19: {  	s0 =	sand.u32 $0xFFFFF80, s19;
	s24 =	spop (v2sf);
	(v2sf) =	vpush v4, $0x6  }
0x1a: {  	s0 =	sadd.s32 s2, s0  }
0x1b: {  	[tilespmem:s10], [sflag:$0x1] =	stream.strided.gather [hbm4b:s0+s8], $0x2000, s9, s8, $0x38;
	[tilespmem:$0x1C280] =	vst v63  }
0x1c: {  	s0 =	sand.u32 $0xFFFFF80, s20  }
0x1d: {  	s21 =	simm.s32 $0x2280;
	s0 =	sadd.s32 s2, s0  }
0x1e: {  	(v2sf) =	vpush v4, $0x7;
	[tilespmem:s21], [sflag:$0x1] =	stream.strided.gather [hbm4b:s0+s8], $0x2000, s9, s8, $0x38;
	[tilespmem:$0x1C280] =	vst v63  }
0x1f: {  	s26 =	spop (v2sf);
	(v2sf) =	vpush v4, $0x8;
	s0 =	sand.u32 $0xFFFFF80, s24  }
0x20: {  	s25 =	simm.s32 $0x4280;
	s0 =	sadd.s32 s2, s0  }
0x21: {  	[tilespmem:s25], [sflag:$0x1] =	stream.strided.gather [hbm4b:s0+s8], $0x2000, s9, s8, $0x38;
	[tilespmem:$0x1C280] =	vst v63  }
0x22: {  	s0 =	sand.u32 $0xFFFFF80, s26  }
0x23: {  	s31 =	simm.s32 $0x6280;
	s0 =	sadd.s32 s2, s0  }
0x24: {  	[tilespmem:s31], [sflag:$0x1] =	stream.strided.gather [hbm4b:s0+s8], $0x2000, s9, s8, $0x38;
	[tilespmem:$0x1C280] =	vst v63  }
0x25: {  	s1 =	spop (v2sf);
	(v2sf) =	vpush v4, $0x9  }
0x26: {  	s4 =	spop (v2sf);
	(v2sf) =	vpush v4, $0xA  }
0x27: {  	s0 =	sand.u32 $0xFFFFF80, s1  }
0x28: {  	s3 =	simm.s32 $0x8280;
	s0 =	sadd.s32 s2, s0;
	s7 =	spop (v2sf)  }
0x29: {  	(v2sf) =	vpush v4, $0xB;
	[tilespmem:s3], [sflag:$0x1] =	stream.strided.gather [hbm4b:s0+s8], $0x2000, s9, s8, $0x38;
	[tilespmem:$0x1C280] =	vst v63  }
0x2a: {  	s0 =	sand.u32 $0xFFFFF80, s4  }
0x2b: {  	s6 =	simm.s32 $0xA280;
	s0 =	sadd.s32 s2, s0  }
0x2c: {  	[tilespmem:s6], [sflag:$0x1] =	stream.strided.gather [hbm4b:s0+s8], $0x2000, s9, s8, $0x38;
	[tilespmem:$0x1C280] =	vst v63  }
0x2d: {  	s12 =	simm.s32 $0xC280;
	s11 =	spop (v2sf);
	s0 =	sand.u32 $0xFFFFF80, s7  }
0x2e: {  	s13 =	sand.u32 $0xFFFFF80, s11;
	s14 =	spop (v2sf);
	s0 =	sadd.s32 s2, s0  }
0x2f: {  	[tilespmem:s12], [sflag:$0x1] =	stream.strided.gather [hbm4b:s0+s8], $0x2000, s9, s8, $0x38;
	[tilespmem:$0x1C280] =	vst v63  }
0x30: {  	s15 =	simm.s32 $0xE280;
	s16 =	sand.u32 $0xFFFFF80, s14;
	s0 =	sadd.s32 s2, s13  }
0x31: {  	[tilespmem:s15], [sflag:$0x1] =	stream.strided.gather [hbm4b:s0+s8], $0x2000, s9, s8, $0x38;
	[tilespmem:$0x1C280] =	vst v63  }
0x32: {  	s18 =	simm.s32 $0x10280;
	s0 =	sadd.s32 s2, s16  }
0x33: {  	[tilespmem:s18], [sflag:$0x1] =	stream.strided.gather [hbm4b:s0+s8], $0x2000, s9, s8, $0x38;
	[tilespmem:$0x1C280] =	vst v63  }
0x34: {  	s17 =	spop (v2sf)  }
0x35: {  	s28 =	simm.s32 $0x190;
	s19 =	sand.u32 $0xFFFFF80, s17;
	s20 =	spop (v2sf)  }
0x36: {  	s21 =	simm.s32 $0x12280;
	s0 =	sadd.s32 s2, s19;
	s24 =	sand.u32 $0xFFFFF80, s20  }
0x37: {  	[tilespmem:s21], [sflag:$0x1] =	stream.strided.gather [hbm4b:s0+s8], $0x2000, s9, s8, $0x38;
	[tilespmem:$0x1C280] =	vst v63  }
0x38: {  	s25 =	simm.s32 $0x14280;
	s26 =	spop (v2sf);
	s0 =	sadd.s32 s2, s24  }
0x39: {  	[tilespmem:s25], [sflag:$0x1] =	stream.strided.gather [hbm4b:s0+s8], $0x2000, s9, s8, $0x38;
	[tilespmem:$0x1C280] =	vst v63  }
0x3a: {  	s29 =	simm.s32 $0x10;
	s30 =	simm.s32 $0x0;
	s0 =	sand.u32 $0xFFFFF80, s26  }
0x3b: {  	s31 =	simm.s32 $0x16280;
	s11 =	simm.s32 $0x0;
	s0 =	sadd.s32 s2, s0  }
0x3c: {  	[tilespmem:s31], [sflag:$0x1] =	stream.strided.gather [hbm4b:s0+s8], $0x2000, s9, s8, $0x38;
	[tilespmem:$0x1C280] =	vst v63  }
.LBB2_2:
0x3d: {  	s31 =	sand.u32 $0x7, s30;
	p0 =	slt.u32 s30, $0x10  }
0x3e: {  	p1 =	sne.s32 @!p0 s31, $0x0  }
0x3f: {  	p0 =	por p1, p0  }
0x40: {  	v25 =	vld [tilespmem:s29+$0xFFFFFFF0];
	s0 =	simm.s32 @!p0 $0x2  }
0x41: {  	v4 =	vld [tilespmem:s29+$0x0];
	_ =	swait.ge @!p0 [sflag:s0], $0x2000  }
0x42: {  	[sflag:s0] =	ssyncset.done @!p0 $0x0  }
0x43: {  	[sflag:s0] =	ssyncadd.s32 @!p0 $0xFFFFE000  }
0x44: {  	_ =	swait.ge [sflag:s22], $0x2000  }
0x45: {  	[sflag:s22] =	ssyncset.done $0x0  }
0x46: {  	[sflag:s22] =	ssyncadd.s32 $0xFFFFE000  }
0x47: {  	_ =	swait.ge [sflag:s22], $0x2000  }
0x48: {  	[sflag:s22] =	ssyncset.done $0x0  }
0x49: {  	[sflag:s22] =	ssyncadd.s32 $0xFFFFE000  }
0x4a: {  	_ =	swait.ge [sflag:s22], $0x2000  }
0x4b: {  	[sflag:s22] =	ssyncset.done $0x0  }
0x4c: {  	[sflag:s22] =	ssyncadd.s32 $0xFFFFE000  }
0x4d: {  	_ =	swait.ge [sflag:s22], $0x2000  }
0x4e: {  	(v2sf) =	vpush v25, $0x0;
	_ =	sdelay $0xc  }
0x4f: {  	s3 =	sshll.u32 s11, $0x8  }
0x50: {  	v5 =	vmov s3  }
0x51: {  	v5 =	vshll.u32 v5, $0x7;
	s6 =	spop (v2sf)  }
0x52: {  	s1 =	sshrl.u32 s30, $0x3;
	v9 =	vor.u32 v0, v5;
	s4 =	sand.u32 $0x7F, s6  }
0x53: {  	s0 =	sand.u32 $0x1, s1;
	v6 =	vor.u32 s4, v9  }
0x54: {  	s1 =	sshll.u32 s0, $0x6  }
0x55: {  	s7 =	sor.u32 $0x10, s3;
	v5 =	vmov s1  }
0x56: {  	v7 =	vmov s7;
	v8 =	vshll.u32 v5, $0x7;
	[sflag:s22] =	ssyncset.done $0x0  }
0x57: {  	v7 =	vshll.u32 v7, $0x7;
	s1 =	sshll.u32 s31, $0x4;
	v5 =	vor.u32 v0, v8;
	[sflag:s22] =	ssyncadd.s32 $0xFFFFE000  }
0x58: {  	v10 =	vor.u32 v0, v7;
	v11 =	vor.u32 s1, v5;
	v6 =	vld.idx.msk [tilespmem:v6+s10+$0x0], $0xffff  }
0x59: {  	v7 =	vor.u32 s4, v10  }
0x5a: {  	(v2sf) =	vpush v25, $0x1  }
0x5b: {  	s6 =	sor.u32 $0x20, s3  }
0x5c: {  	v12 =	vmov s6  }
0x5d: {  	v31 =	vshll.u32 v12, $0x7;
	[tilespmem:v11+s23+$0x0] =	vst.idx.msk $0xffff, v6;
	v6 =	vor.u32 v3, v8  }
0x5e: {  	v11 =	vor.u32 v0, v31;
	v7 =	vld.idx.msk [tilespmem:v7+s10+$0x0], $0xffff;
	v32 =	vor.u32 s1, v6  }
0x5f: {  	v13 =	vor.u32 s4, v11;
	_ =	sdelay $0x1  }
0x60: {  	s19 =	smov.u32 s11;
	s11 =	sor.u32 $0x30, s3  }
0x61: {  	v14 =	vmov s11  }
0x62: {  	v33 =	vshll.u32 v14, $0x7;
	[tilespmem:v32+s23+$0x0] =	vst.idx.msk $0xffff, v7;
	v7 =	vor.u32 v2, v8  }
0x63: {  	v12 =	vor.u32 v0, v33;
	v13 =	vld.idx.msk [tilespmem:v13+s10+$0x0], $0xffff;
	v34 =	vor.u32 s1, v7  }
0x64: {  	v15 =	vor.u32 s4, v12;
	_ =	sdelay $0x1  }
0x65: {  	s4 =	sor.u32 $0x40, s3  }
0x66: {  	v16 =	vmov s4  }
0x67: {  	s12 =	spop (v2sf);
	v35 =	vshll.u32 v16, $0x7;
	v8 =	vor.u32 v1, v8;
	[tilespmem:v34+s23+$0x0] =	vst.idx.msk $0xffff, v13  }
0x68: {  	s6 =	sand.u32 $0x7F, s12;
	v36 =	vor.u32 s1, v8;
	v13 =	vor.u32 v0, v35;
	v14 =	vld.idx.msk [tilespmem:v15+s10+$0x0], $0xffff  }
0x69: {  	v37 =	vor.u32 s6, v13;
	_ =	sdelay $0x1  }
0x6a: {  	s7 =	sor.u32 $0x50, s3  }
0x6b: {  	v17 =	vmov s7  }
0x6c: {  	v38 =	vshll.u32 v17, $0x7;
	s13 =	sor.u32 $0x1, s1;
	[tilespmem:v36+s23+$0x0] =	vst.idx.msk $0xffff, v14  }
0x6d: {  	v39 =	vor.u32 s13, v5;
	v14 =	vor.u32 v0, v38;
	v15 =	vld.idx.msk [tilespmem:v37+s10+$0x0], $0xffff  }
0x6e: {  	v40 =	vor.u32 s6, v14  }
0x6f: {  	(v2sf) =	vpush v25, $0x2  }
0x70: {  	s11 =	sor.u32 $0x60, s3  }
0x71: {  	v18 =	vmov s11  }
0x72: {  	v41 =	vshll.u32 v18, $0x7;
	[tilespmem:v39+s23+$0x0] =	vst.idx.msk $0xffff, v15  }
0x73: {  	v42 =	vor.u32 s13, v6;
	v15 =	vor.u32 v0, v41;
	v16 =	vld.idx.msk [tilespmem:v40+s10+$0x0], $0xffff  }
0x74: {  	v43 =	vor.u32 s6, v15;
	_ =	sdelay $0x1  }
0x75: {  	s14 =	sor.u32 $0x70, s3  }
0x76: {  	v19 =	vmov s14  }
0x77: {  	v44 =	vshll.u32 v19, $0x7;
	[tilespmem:v42+s23+$0x0] =	vst.idx.msk $0xffff, v16  }
0x78: {  	v45 =	vor.u32 s13, v7;
	v16 =	vor.u32 v0, v44;
	v17 =	vld.idx.msk [tilespmem:v43+s10+$0x0], $0xffff  }
0x79: {  	v46 =	vor.u32 s6, v16;
	_ =	sdelay $0x1  }
0x7a: {  	s6 =	sor.u32 $0x80, s3  }
0x7b: {  	v20 =	vmov s6  }
0x7c: {  	s15 =	spop (v2sf);
	v47 =	vshll.u32 v20, $0x7;
	[tilespmem:v45+s23+$0x0] =	vst.idx.msk $0xffff, v17  }
0x7d: {  	s16 =	sand.u32 $0x7F, s15;
	v48 =	vor.u32 s13, v8;
	v17 =	vor.u32 v0, v47;
	v18 =	vld.idx.msk [tilespmem:v46+s10+$0x0], $0xffff  }
0x7e: {  	v49 =	vor.u32 s16, v17;
	_ =	sdelay $0x1  }
0x7f: {  	s17 =	sor.u32 $0x90, s3  }
0x80: {  	v21 =	vmov s17  }
0x81: {  	v50 =	vshll.u32 v21, $0x7;
	s18 =	sor.u32 $0x2, s1;
	[tilespmem:v48+s23+$0x0] =	vst.idx.msk $0xffff, v18  }
0x82: {  	v51 =	vor.u32 s18, v5;
	v18 =	vor.u32 v0, v50;
	v19 =	vld.idx.msk [tilespmem:v49+s10+$0x0], $0xffff  }
0x83: {  	v52 =	vor.u32 s16, v18  }
0x84: {  	(v2sf) =	vpush v25, $0x3  }
0x85: {  	s12 =	sor.u32 $0xA0, s3  }
0x86: {  	v22 =	vmov s12  }
0x87: {  	v53 =	vshll.u32 v22, $0x7;
	[tilespmem:v51+s23+$0x0] =	vst.idx.msk $0xffff, v19  }
0x88: {  	v54 =	vor.u32 s18, v6;
	v19 =	vor.u32 v0, v53;
	v20 =	vld.idx.msk [tilespmem:v52+s10+$0x0], $0xffff  }
0x89: {  	v55 =	vor.u32 s16, v19;
	_ =	sdelay $0x1  }
0x8a: {  	s20 =	sor.u32 $0xB0, s3  }
0x8b: {  	v23 =	vmov s20  }
0x8c: {  	v56 =	vshll.u32 v23, $0x7;
	[tilespmem:v54+s23+$0x0] =	vst.idx.msk $0xffff, v20  }
0x8d: {  	v57 =	vor.u32 s18, v7;
	v20 =	vor.u32 v0, v56;
	v21 =	vld.idx.msk [tilespmem:v55+s10+$0x0], $0xffff  }
0x8e: {  	v58 =	vor.u32 s16, v20;
	_ =	sdelay $0x1  }
0x8f: {  	s7 =	sor.u32 $0xC0, s3  }
0x90: {  	v24 =	vmov s7  }
0x91: {  	v59 =	vshll.u32 v24, $0x7;
	s21 =	spop (v2sf);
	[tilespmem:v57+s23+$0x0] =	vst.idx.msk $0xffff, v21  }
0x92: {  	s24 =	sand.u32 $0x7F, s21;
	v60 =	vor.u32 s18, v8;
	v21 =	vor.u32 v0, v59;
	v22 =	vld.idx.msk [tilespmem:v58+s10+$0x0], $0xffff  }
0x93: {  	v61 =	vor.u32 s24, v21;
	_ =	sdelay $0x1  }
0x94: {  	s25 =	sor.u32 $0xD0, s3  }
0x95: {  	v26 =	vmov s25  }
0x96: {  	v62 =	vshll.u32 v26, $0x7;
	s26 =	sor.u32 $0x3, s1;
	[tilespmem:v60+s23+$0x0] =	vst.idx.msk $0xffff, v22  }
0x97: {  	v63 =	vor.u32 s26, v5;
	v22 =	vor.u32 v0, v62;
	v23 =	vld.idx.msk [tilespmem:v61+s10+$0x0], $0xffff  }
0x98: {  	v30 =	vor.u32 s24, v22;
	_ =	sdelay $0x1  }
0x99: {  	s13 =	sor.u32 $0xE0, s3  }
0x9a: {  	v27 =	vmov s13  }
0x9b: {  	v31 =	vshll.u32 v27, $0x7;
	[tilespmem:v63+s23+$0x0] =	vst.idx.msk $0xffff, v23  }
0x9c: {  	(v2sf) =	vpush v25, $0xC;
	v32 =	vor.u32 s26, v6;
	v23 =	vor.u32 v0, v31;
	v24 =	vld.idx.msk [tilespmem:v30+s10+$0x0], $0xffff  }
0x9d: {  	(v2sf) =	vpush v25, $0xD;
	v33 =	vor.u32 s24, v23;
	_ =	sdelay $0x1  }
0x9e: {  	s3 =	sor.u32 $0xF0, s3  }
0x9f: {  	v28 =	vmov s3  }
0xa0: {  	v34 =	vshll.u32 v28, $0x7;
	[tilespmem:v32+s23+$0x0] =	vst.idx.msk $0xffff, v24  }
0xa1: {  	(v2sf) =	vpush v25, $0xE;
	v35 =	vor.u32 s26, v7;
	v24 =	vor.u32 v0, v34;
	v26 =	vld.idx.msk [tilespmem:v33+s10+$0x0], $0xffff  }
0xa2: {  	(v2sf) =	vpush v25, $0xF;
	v36 =	vor.u32 s24, v24;
	_ =	sdelay $0x3  }
0xa3: {  	[tilespmem:v35+s23+$0x0] =	vst.idx.msk $0xffff, v26  }
0xa4: {  	v37 =	vor.u32 s26, v8;
	v26 =	vld.idx.msk [tilespmem:v36+s10+$0x0], $0xffff;
	_ =	sdelay $0x1  }
0xa5: {  	s4 =	sshll.u32 s4, $0x7  }
0xa6: {  	s4 =	sand.u32 $0x3FFFA000, s4;
	s13 =	sshll.u32 s19, $0xF;
	s3 =	spop (v2sf)  }
0xa7: {  	s11 =	sand.u32 $0x3FFF8000, s13;
	s14 =	sand.u32 $0xFFFFF80, s3;
	s18 =	spop (v2sf)  }
0xa8: {  	s12 =	sor.u32 $0x280, s11;
	s15 =	sadd.s32 s2, s14;
	s16 =	sand.u32 $0xFFFFF80, s18;
	[tilespmem:v37+s23+$0x0] =	vst.idx.msk $0xffff, v26  }
0xa9: {  	[tilespmem:s12], [sflag:$0x1] =	stream.strided.gather [hbm4b:s15+s8], $0x2000, s9, s8, $0x38;
	[tilespmem:$0x1C280] =	vst v63  }
0xaa: {  	s13 =	sor.u32 $0x280, s4;
	s20 =	sshll.u32 s6, $0x7;
	s17 =	sadd.s32 s2, s16  }
0xab: {  	[tilespmem:s13], [sflag:$0x1] =	stream.strided.gather [hbm4b:s17+s8], $0x2000, s9, s8, $0x38;
	[tilespmem:$0x1C280] =	vst v63  }
0xac: {  	s25 =	sshll.u32 s7, $0x7;
	s4 =	sand.u32 $0x3FFFC000, s20;
	s17 =	spop (v2sf)  }
0xad: {  	s14 =	sor.u32 $0x280, s4;
	s21 =	sand.u32 $0xFFFFF80, s17;
	s16 =	spop (v2sf)  }
0xae: {  	s4 =	sand.u32 $0x3FFFE000, s25;
	s24 =	sadd.s32 s2, s21;
	s26 =	sand.u32 $0xFFFFF80, s16  }
0xaf: {  	[tilespmem:s14], [sflag:$0x1] =	stream.strided.gather [hbm4b:s24+s8], $0x2000, s9, s8, $0x38;
	[tilespmem:$0x1C280] =	vst v63  }
0xb0: {  	s15 =	sor.u32 $0x280, s4;
	s6 =	sadd.s32 s2, s26  }
0xb1: {  	[tilespmem:s15], [sflag:$0x1] =	stream.strided.gather [hbm4b:s6+s8], $0x2000, s9, s8, $0x38;
	[tilespmem:$0x1C280] =	vst v63  }
0xb2: {  	_ =	swait.ge [sflag:s22], $0x2000  }
0xb3: {  	[sflag:s22] =	ssyncset.done $0x0  }
0xb4: {  	[sflag:s22] =	ssyncadd.s32 $0xFFFFE000  }
0xb5: {  	_ =	swait.ge [sflag:s22], $0x2000  }
0xb6: {  	[sflag:s22] =	ssyncset.done $0x0  }
0xb7: {  	[sflag:s22] =	ssyncadd.s32 $0xFFFFE000  }
0xb8: {  	_ =	swait.ge [sflag:s22], $0x2000  }
0xb9: {  	[sflag:s22] =	ssyncset.done $0x0  }
0xba: {  	[sflag:s22] =	ssyncadd.s32 $0xFFFFE000  }
0xbb: {  	_ =	swait.ge [sflag:s22], $0x2000  }
0xbc: {  	(v2sf) =	vpush v25, $0x4;
	_ =	sdelay $0x9  }
0xbd: {  	s11 =	sadd.s32 $0x1, s19  }
0xbe: {  	p0 =	seq.s32 s11, $0x3  }
0xbf: {  	s11 =	simm.s32 @p0 $0x0  }
0xc0: {  	s4 =	sshll.u32 s11, $0x8  }
0xc1: {  	v38 =	vmov s4  }
0xc2: {  	v26 =	vshll.u32 v38, $0x7;
	s7 =	spop (v2sf)  }
0xc3: {  	v26 =	vor.u32 v0, v26;
	s6 =	sand.u32 $0x7F, s7  }
0xc4: {  	v26 =	vor.u32 s6, v26;
	_ =	sdelay $0x1  }
0xc5: {  	s20 =	sor.u32 $0x10, s4  }
0xc6: {  	v39 =	vmov s20;
	[sflag:s22] =	ssyncset.done $0x0  }
0xc7: {  	v27 =	vshll.u32 v39, $0x7;
	s21 =	sor.u32 $0x4, s1;
	[sflag:s22] =	ssyncadd.s32 $0xFFFFE000  }
0xc8: {  	v27 =	vor.u32 v0, v27;
	v40 =	vor.u32 s21, v5;
	v26 =	vld.idx.msk [tilespmem:v26+s10+$0x0], $0xffff  }
0xc9: {  	v27 =	vor.u32 s6, v27  }
0xca: {  	(v2sf) =	vpush v25, $0x5  }
0xcb: {  	s20 =	sor.u32 $0x20, s4  }
0xcc: {  	v29 =	vmov s20  }
0xcd: {  	v41 =	vshll.u32 v29, $0x7;
	[tilespmem:v40+s23+$0x0] =	vst.idx.msk $0xffff, v26  }
0xce: {  	v42 =	vor.u32 s21, v6;
	v26 =	vor.u32 v0, v41;
	v27 =	vld.idx.msk [tilespmem:v27+s10+$0x0], $0xffff  }
0xcf: {  	v26 =	vor.u32 s6, v26;
	_ =	sdelay $0x1  }
0xd0: {  	s24 =	sor.u32 $0x30, s4  }
0xd1: {  	v43 =	vmov s24  }
0xd2: {  	v44 =	vshll.u32 v43, $0x7;
	[tilespmem:v42+s23+$0x0] =	vst.idx.msk $0xffff, v27  }
0xd3: {  	v45 =	vor.u32 s21, v7;
	v27 =	vor.u32 v0, v44;
	v26 =	vld.idx.msk [tilespmem:v26+s10+$0x0], $0xffff  }
0xd4: {  	v27 =	vor.u32 s6, v27;
	_ =	sdelay $0x1  }
0xd5: {  	s6 =	sor.u32 $0x40, s4  }
0xd6: {  	v46 =	vmov s6  }
0xd7: {  	s25 =	spop (v2sf);
	v47 =	vshll.u32 v46, $0x7;
	[tilespmem:v45+s23+$0x0] =	vst.idx.msk $0xffff, v26  }
0xd8: {  	v48 =	vor.u32 s21, v8;
	s26 =	sand.u32 $0x7F, s25;
	v26 =	vor.u32 v0, v47;
	v27 =	vld.idx.msk [tilespmem:v27+s10+$0x0], $0xffff  }
0xd9: {  	v26 =	vor.u32 s26, v26;
	_ =	sdelay $0x1  }
0xda: {  	s21 =	sor.u32 $0x50, s4  }
0xdb: {  	v49 =	vmov s21  }
0xdc: {  	s24 =	sor.u32 $0x5, s1;
	v50 =	vshll.u32 v49, $0x7;
	[tilespmem:v48+s23+$0x0] =	vst.idx.msk $0xffff, v27  }
0xdd: {  	v51 =	vor.u32 s24, v5;
	v27 =	vor.u32 v0, v50;
	v26 =	vld.idx.msk [tilespmem:v26+s10+$0x0], $0xffff  }
0xde: {  	v27 =	vor.u32 s26, v27  }
0xdf: {  	(v2sf) =	vpush v25, $0x6  }
0xe0: {  	s21 =	sor.u32 $0x60, s4  }
0xe1: {  	v52 =	vmov s21  }
0xe2: {  	v53 =	vshll.u32 v52, $0x7;
	[tilespmem:v51+s23+$0x0] =	vst.idx.msk $0xffff, v26  }
0xe3: {  	v54 =	vor.u32 s24, v6;
	v26 =	vor.u32 v0, v53;
	v27 =	vld.idx.msk [tilespmem:v27+s10+$0x0], $0xffff  }
0xe4: {  	v26 =	vor.u32 s26, v26;
	_ =	sdelay $0x1  }
0xe5: {  	s25 =	sor.u32 $0x70, s4  }
0xe6: {  	v55 =	vmov s25  }
0xe7: {  	v56 =	vshll.u32 v55, $0x7;
	[tilespmem:v54+s23+$0x0] =	vst.idx.msk $0xffff, v27  }
0xe8: {  	v57 =	vor.u32 s24, v7;
	v27 =	vor.u32 v0, v56;
	v26 =	vld.idx.msk [tilespmem:v26+s10+$0x0], $0xffff  }
0xe9: {  	v27 =	vor.u32 s26, v27;
	_ =	sdelay $0x1  }
0xea: {  	s7 =	sor.u32 $0x80, s4  }
0xeb: {  	v58 =	vmov s7  }
0xec: {  	v59 =	vshll.u32 v58, $0x7;
	s26 =	spop (v2sf);
	[tilespmem:v57+s23+$0x0] =	vst.idx.msk $0xffff, v26  }
0xed: {  	v60 =	vor.u32 s24, v8;
	s24 =	sand.u32 $0x7F, s26;
	v26 =	vor.u32 v0, v59;
	v27 =	vld.idx.msk [tilespmem:v27+s10+$0x0], $0xffff  }
0xee: {  	v26 =	vor.u32 s24, v26;
	_ =	sdelay $0x1  }
0xef: {  	s25 =	sor.u32 $0x90, s4  }
0xf0: {  	v61 =	vmov s25  }
0xf1: {  	s21 =	sor.u32 $0x6, s1;
	v62 =	vshll.u32 v61, $0x7;
	[tilespmem:v60+s23+$0x0] =	vst.idx.msk $0xffff, v27  }
0xf2: {  	v63 =	vor.u32 s21, v5;
	v27 =	vor.u32 v0, v62;
	v26 =	vld.idx.msk [tilespmem:v26+s10+$0x0], $0xffff  }
0xf3: {  	v27 =	vor.u32 s24, v27  }
0xf4: {  	(v2sf) =	vpush v25, $0x7  }
0xf5: {  	s25 =	sor.u32 $0xA0, s4  }
0xf6: {  	v32 =	vmov s25  }
0xf7: {  	v33 =	vshll.u32 v32, $0x7;
	[tilespmem:v63+s23+$0x0] =	vst.idx.msk $0xffff, v26  }
0xf8: {  	v34 =	vor.u32 s21, v6;
	v26 =	vor.u32 v0, v33;
	v27 =	vld.idx.msk [tilespmem:v27+s10+$0x0], $0xffff  }
0xf9: {  	v26 =	vor.u32 s24, v26;
	_ =	sdelay $0x1  }
0xfa: {  	s26 =	sor.u32 $0xB0, s4  }
0xfb: {  	v35 =	vmov s26  }
0xfc: {  	v36 =	vshll.u32 v35, $0x7;
	[tilespmem:v34+s23+$0x0] =	vst.idx.msk $0xffff, v27  }
0xfd: {  	v37 =	vor.u32 s21, v7;
	v27 =	vor.u32 v0, v36;
	v26 =	vld.idx.msk [tilespmem:v26+s10+$0x0], $0xffff  }
0xfe: {  	v27 =	vor.u32 s24, v27;
	_ =	sdelay $0x1  }
0xff: {  	s25 =	sor.u32 $0xC0, s4  }
0x100: {  	v38 =	vmov s25  }
0x101: {  	v39 =	vshll.u32 v38, $0x7;
	s24 =	spop (v2sf);
	[tilespmem:v37+s23+$0x0] =	vst.idx.msk $0xffff, v26  }
0x102: {  	v40 =	vor.u32 s21, v8;
	s20 =	sand.u32 $0x7F, s24;
	v26 =	vor.u32 v0, v39;
	v27 =	vld.idx.msk [tilespmem:v27+s10+$0x0], $0xffff  }
0x103: {  	v26 =	vor.u32 s20, v26;
	_ =	sdelay $0x1  }
0x104: {  	s26 =	sor.u32 $0xD0, s4  }
0x105: {  	v41 =	vmov s26  }
0x106: {  	v42 =	vshll.u32 v41, $0x7;
	s24 =	sor.u32 $0x7, s1;
	[tilespmem:v40+s23+$0x0] =	vst.idx.msk $0xffff, v27  }
0x107: {  	v43 =	vor.u32 s24, v5;
	v27 =	vor.u32 v0, v42;
	v26 =	vld.idx.msk [tilespmem:v26+s10+$0x0], $0xffff  }
0x108: {  	v27 =	vor.u32 s20, v27;
	_ =	sdelay $0x1  }
0x109: {  	s26 =	sor.u32 $0xE0, s4  }
0x10a: {  	v44 =	vmov s26  }
0x10b: {  	p0 =	seq.s32 s30, $0x1F;
	v45 =	vshll.u32 v44, $0x7;
	[tilespmem:v43+s23+$0x0] =	vst.idx.msk $0xffff, v26  }
0x10c: {  	(v2sf) =	vpush @!p0 v4, $0x0;
	v46 =	vor.u32 s24, v6;
	v26 =	vor.u32 v0, v45;
	v27 =	vld.idx.msk [tilespmem:v27+s10+$0x0], $0xffff  }
0x10d: {  	v26 =	vor.u32 s20, v26;
	_ =	sdelay $0x1  }
0x10e: {  	s4 =	sor.u32 $0xF0, s4  }
0x10f: {  	(v2sf) =	vpush @!p0 v4, $0x1;
	v47 =	vmov s4  }
0x110: {  	v48 =	vshll.u32 v47, $0x7;
	[tilespmem:v46+s23+$0x0] =	vst.idx.msk $0xffff, v27  }
0x111: {  	v49 =	vor.u32 s24, v7;
	v27 =	vor.u32 v0, v48;
	v26 =	vld.idx.msk [tilespmem:v26+s10+$0x0], $0xffff  }
0x112: {  	v27 =	vor.u32 s20, v27  }
0x113: {  	(v2sf) =	vpush @!p0 v4, $0x2;
	_ =	sdelay $0x2  }
0x114: {  	[tilespmem:v49+s23+$0x0] =	vst.idx.msk $0xffff, v26  }
0x115: {  	(v2sf) =	vpush @!p0 v4, $0x3;
	v50 =	vor.u32 s24, v8;
	v26 =	vld.idx.msk [tilespmem:v27+s10+$0x0], $0xffff;
	_ =	sdelay $0x2  }
0x116: {  	s4 =	sshll.u32 @!p0 s11, $0x11;
	s20 =	spop @!p0 (v2sf)  }
0x117: {  	s21 =	simm.s32 @!p0 $0x7A1400;
	s4 =	sshra.s32 @!p0 s4, $0x2;
	s20 =	sand.u32 @!p0 $0xFFFFF80, s20  }
0x118: {  	s4 =	sor.u32 @!p0 $0x280, s4;
	s26 =	sadd.s32 @!p0 s2, s20;
	s20 =	simm.s32 @!p0 $0x400;
	[tilespmem:v50+s23+$0x0] =	vst.idx.msk $0xffff, v26  }
0x119: {  	[tilespmem:s4], [sflag:$0x1] =	stream.strided.gather @!p0 [hbm4b:s26+s20], $0x2000, s21, s20, $0x38;
	[tilespmem:$0x1C280] =	vst v63  }
0x11a: {  	s4 =	sshll.u32 @!p0 s6, $0x7;
	s6 =	spop @!p0 (v2sf)  }
0x11b: {  	s4 =	sand.u32 @!p0 $0x3FFFFF80, s4;
	s6 =	sand.u32 @!p0 $0xFFFFF80, s6  }
0x11c: {  	s4 =	sadd.s32 @!p0 $0x280, s4;
	s6 =	sadd.s32 @!p0 s2, s6  }
0x11d: {  	[tilespmem:s4], [sflag:$0x1] =	stream.strided.gather @!p0 [hbm4b:s6+s20], $0x2000, s21, s20, $0x38;
	[tilespmem:$0x1C280] =	vst v63  }
0x11e: {  	s4 =	sshll.u32 @!p0 s7, $0x7;
	s6 =	spop @!p0 (v2sf)  }
0x11f: {  	s4 =	sand.u32 @!p0 $0x3FFFFF80, s4;
	s6 =	sand.u32 @!p0 $0xFFFFF80, s6  }
0x120: {  	s4 =	sadd.s32 @!p0 $0x280, s4;
	s6 =	sadd.s32 @!p0 s2, s6  }
0x121: {  	[tilespmem:s4], [sflag:$0x1] =	stream.strided.gather @!p0 [hbm4b:s6+s20], $0x2000, s21, s20, $0x38;
	[tilespmem:$0x1C280] =	vst v63  }
0x122: {  	s4 =	sshll.u32 @!p0 s25, $0x7;
	s6 =	spop @!p0 (v2sf)  }
0x123: {  	s4 =	sand.u32 @!p0 $0x3FFFFF80, s4;
	s6 =	sand.u32 @!p0 $0xFFFFF80, s6  }
0x124: {  	s4 =	sadd.s32 @!p0 $0x280, s4;
	s6 =	sadd.s32 @!p0 s2, s6  }
0x125: {  	[tilespmem:s4], [sflag:$0x1] =	stream.strided.gather @!p0 [hbm4b:s6+s20], $0x2000, s21, s20, $0x38;
	[tilespmem:$0x1C280] =	vst v63  }
0x126: {  	_ =	swait.ge [sflag:s22], $0x2000  }
0x127: {  	[sflag:s22] =	ssyncset.done $0x0  }
0x128: {  	[sflag:s22] =	ssyncadd.s32 $0xFFFFE000  }
0x129: {  	_ =	swait.ge [sflag:s22], $0x2000  }
0x12a: {  	[sflag:s22] =	ssyncset.done $0x0  }
0x12b: {  	[sflag:s22] =	ssyncadd.s32 $0xFFFFE000  }
0x12c: {  	_ =	swait.ge [sflag:s22], $0x2000  }
0x12d: {  	[sflag:s22] =	ssyncset.done $0x0  }
0x12e: {  	[sflag:s22] =	ssyncadd.s32 $0xFFFFE000  }
0x12f: {  	_ =	swait.ge [sflag:s22], $0x2000  }
0x130: {  	(v2sf) =	vpush v25, $0x8;
	_ =	sdelay $0x5  }
0x131: {  	s25 =	sadd.s32 $0x2, s19  }
0x132: {  	s26 =	smulhi.u32 $0xAAAAAAAB, s25;
	_ =	sdelay $0x1  }
0x133: {  	s6 =	sshrl.u32 s26, $0x1  }
0x134: {  	s6 =	smul.u32 $0x3, s6;
	_ =	sdelay $0x1  }
0x135: {  	s19 =	ssub.s32 s25, s6  }
0x136: {  	s4 =	sshll.u32 s19, $0x8  }
0x137: {  	v51 =	vmov s4  }
0x138: {  	v26 =	vshll.u32 v51, $0x7;
	s7 =	spop (v2sf)  }
0x139: {  	v26 =	vor.u32 v0, v26;
	s6 =	sand.u32 $0x7F, s7  }
0x13a: {  	s24 =	sor.u32 $0x8, s1;
	v26 =	vor.u32 s6, v26  }
0x13b: {  	v52 =	vmov s24  }
0x13c: {  	v27 =	vand.u32 $0x78, v52;
	s25 =	sor.u32 $0x10, s4  }
0x13d: {  	v27 =	vbroadcast v27, $0x0;
	v53 =	vmov s25;
	[sflag:s22] =	ssyncset.done $0x0  }
0x13e: {  	v28 =	vshll.u32 v53, $0x7;
	[sflag:s22] =	ssyncadd.s32 $0xFFFFE000  }
0x13f: {  	v54 =	vor.u32 v27, v5;
	v28 =	vor.u32 v0, v28;
	v26 =	vld.idx.msk [tilespmem:v26+s10+$0x0], $0xffff  }
0x140: {  	v28 =	vor.u32 s6, v28  }
0x141: {  	(v2sf) =	vpush v25, $0x9  }
0x142: {  	s26 =	sor.u32 $0x20, s4  }
0x143: {  	v30 =	vmov s26  }
0x144: {  	v55 =	vshll.u32 v30, $0x7;
	[tilespmem:v54+s23+$0x0] =	vst.idx.msk $0xffff, v26  }
0x145: {  	v56 =	vor.u32 v27, v6;
	v26 =	vor.u32 v0, v55;
	v28 =	vld.idx.msk [tilespmem:v28+s10+$0x0], $0xffff  }
0x146: {  	v26 =	vor.u32 s6, v26;
	_ =	sdelay $0x1  }
0x147: {  	s24 =	sor.u32 $0x30, s4  }
0x148: {  	v57 =	vmov s24  }
0x149: {  	v58 =	vshll.u32 v57, $0x7;
	[tilespmem:v56+s23+$0x0] =	vst.idx.msk $0xffff, v28  }
0x14a: {  	v59 =	vor.u32 v27, v7;
	v28 =	vor.u32 v0, v58;
	v26 =	vld.idx.msk [tilespmem:v26+s10+$0x0], $0xffff  }
0x14b: {  	v28 =	vor.u32 s6, v28;
	_ =	sdelay $0x1  }
0x14c: {  	s6 =	sor.u32 $0x40, s4  }
0x14d: {  	v60 =	vmov s6  }
0x14e: {  	s25 =	spop (v2sf);
	v61 =	vshll.u32 v60, $0x7;
	[tilespmem:v59+s23+$0x0] =	vst.idx.msk $0xffff, v26  }
0x14f: {  	v27 =	vor.u32 v27, v8;
	s7 =	sand.u32 $0x7F, s25;
	v26 =	vor.u32 v0, v61;
	v28 =	vld.idx.msk [tilespmem:v28+s10+$0x0], $0xffff  }
0x150: {  	s26 =	sor.u32 $0x9, s1;
	v26 =	vor.u32 s7, v26  }
0x151: {  	v62 =	vmov s26  }
0x152: {  	s24 =	sor.u32 $0x50, s4;
	v29 =	vand.u32 $0x79, v62  }
0x153: {  	v63 =	vmov s24;
	v29 =	vbroadcast v29, $0x0  }
0x154: {  	v33 =	vshll.u32 v63, $0x7;
	[tilespmem:v27+s23+$0x0] =	vst.idx.msk $0xffff, v28  }
0x155: {  	v34 =	vor.u32 v29, v5;
	v27 =	vor.u32 v0, v33;
	v26 =	vld.idx.msk [tilespmem:v26+s10+$0x0], $0xffff  }
0x156: {  	v27 =	vor.u32 s7, v27  }
0x157: {  	(v2sf) =	vpush v25, $0xA  }
0x158: {  	s26 =	sor.u32 $0x60, s4  }
0x159: {  	v35 =	vmov s26  }
0x15a: {  	v36 =	vshll.u32 v35, $0x7;
	[tilespmem:v34+s23+$0x0] =	vst.idx.msk $0xffff, v26  }
0x15b: {  	v37 =	vor.u32 v29, v6;
	v26 =	vor.u32 v0, v36;
	v27 =	vld.idx.msk [tilespmem:v27+s10+$0x0], $0xffff  }
0x15c: {  	v26 =	vor.u32 s7, v26;
	_ =	sdelay $0x1  }
0x15d: {  	s24 =	sor.u32 $0x70, s4  }
0x15e: {  	v38 =	vmov s24  }
0x15f: {  	v39 =	vshll.u32 v38, $0x7;
	[tilespmem:v37+s23+$0x0] =	vst.idx.msk $0xffff, v27  }
0x160: {  	v40 =	vor.u32 v29, v7;
	v27 =	vor.u32 v0, v39;
	v26 =	vld.idx.msk [tilespmem:v26+s10+$0x0], $0xffff  }
0x161: {  	v27 =	vor.u32 s7, v27;
	_ =	sdelay $0x1  }
0x162: {  	s7 =	sor.u32 $0x80, s4  }
0x163: {  	v41 =	vmov s7  }
0x164: {  	s26 =	spop (v2sf);
	v42 =	vshll.u32 v41, $0x7;
	[tilespmem:v40+s23+$0x0] =	vst.idx.msk $0xffff, v26  }
0x165: {  	v43 =	vor.u32 v29, v8;
	s25 =	sand.u32 $0x7F, s26;
	v26 =	vor.u32 v0, v42;
	v27 =	vld.idx.msk [tilespmem:v27+s10+$0x0], $0xffff  }
0x166: {  	s24 =	sor.u32 $0xA, s1;
	v26 =	vor.u32 s25, v26  }
0x167: {  	v44 =	vmov s24  }
0x168: {  	s24 =	sor.u32 $0x90, s4;
	v29 =	vand.u32 $0x7A, v44  }
0x169: {  	v45 =	vmov s24;
	v29 =	vbroadcast v29, $0x0  }
0x16a: {  	v46 =	vshll.u32 v45, $0x7;
	[tilespmem:v43+s23+$0x0] =	vst.idx.msk $0xffff, v27  }
0x16b: {  	v47 =	vor.u32 v29, v5;
	v27 =	vor.u32 v0, v46;
	v26 =	vld.idx.msk [tilespmem:v26+s10+$0x0], $0xffff  }
0x16c: {  	v27 =	vor.u32 s25, v27  }
0x16d: {  	(v2sf) =	vpush v25, $0xB  }
0x16e: {  	s24 =	sor.u32 $0xA0, s4  }
0x16f: {  	v48 =	vmov s24  }
0x170: {  	v25 =	vshll.u32 v48, $0x7;
	[tilespmem:v47+s23+$0x0] =	vst.idx.msk $0xffff, v26  }
0x171: {  	v49 =	vor.u32 v29, v6;
	v25 =	vor.u32 v0, v25;
	v26 =	vld.idx.msk [tilespmem:v27+s10+$0x0], $0xffff  }
0x172: {  	v25 =	vor.u32 s25, v25;
	_ =	sdelay $0x1  }
0x173: {  	s24 =	sor.u32 $0xB0, s4  }
0x174: {  	v50 =	vmov s24  }
0x175: {  	v51 =	vshll.u32 v50, $0x7;
	[tilespmem:v49+s23+$0x0] =	vst.idx.msk $0xffff, v26  }
0x176: {  	v52 =	vor.u32 v29, v7;
	v26 =	vor.u32 v0, v51;
	v25 =	vld.idx.msk [tilespmem:v25+s10+$0x0], $0xffff  }
0x177: {  	v26 =	vor.u32 s25, v26;
	_ =	sdelay $0x1  }
0x178: {  	s25 =	sor.u32 $0xC0, s4  }
0x179: {  	v53 =	vmov s25  }
0x17a: {  	s24 =	spop (v2sf);
	v54 =	vshll.u32 v53, $0x7;
	[tilespmem:v52+s23+$0x0] =	vst.idx.msk $0xffff, v25  }
0x17b: {  	v55 =	vor.u32 v29, v8;
	s26 =	sand.u32 $0x7F, s24;
	v25 =	vor.u32 v0, v54;
	v26 =	vld.idx.msk [tilespmem:v26+s10+$0x0], $0xffff  }
0x17c: {  	s24 =	sor.u32 $0xB, s1;
	v25 =	vor.u32 s26, v25  }
0x17d: {  	v56 =	vmov s24  }
0x17e: {  	s24 =	sor.u32 $0xD0, s4;
	v28 =	vand.u32 $0x7B, v56  }
0x17f: {  	v57 =	vmov s24;
	v28 =	vbroadcast v28, $0x0  }
0x180: {  	v58 =	vshll.u32 v57, $0x7;
	[tilespmem:v55+s23+$0x0] =	vst.idx.msk $0xffff, v26  }
0x181: {  	v59 =	vor.u32 v28, v5;
	v26 =	vor.u32 v0, v58;
	v25 =	vld.idx.msk [tilespmem:v25+s10+$0x0], $0xffff  }
0x182: {  	v26 =	vor.u32 s26, v26;
	_ =	sdelay $0x1  }
0x183: {  	s24 =	sor.u32 $0xE0, s4  }
0x184: {  	v60 =	vmov s24  }
0x185: {  	v61 =	vshll.u32 v60, $0x7;
	[tilespmem:v59+s23+$0x0] =	vst.idx.msk $0xffff, v25  }
0x186: {  	(v2sf) =	vpush @!p0 v4, $0x4;
	v62 =	vor.u32 v28, v6;
	v25 =	vor.u32 v0, v61;
	v26 =	vld.idx.msk [tilespmem:v26+s10+$0x0], $0xffff  }
0x187: {  	v25 =	vor.u32 s26, v25;
	_ =	sdelay $0x1  }
0x188: {  	s4 =	sor.u32 $0xF0, s4  }
0x189: {  	(v2sf) =	vpush @!p0 v4, $0x5;
	v63 =	vmov s4  }
0x18a: {  	v31 =	vshll.u32 v63, $0x7;
	[tilespmem:v62+s23+$0x0] =	vst.idx.msk $0xffff, v26  }
0x18b: {  	v32 =	vor.u32 v28, v7;
	v26 =	vor.u32 v0, v31;
	v25 =	vld.idx.msk [tilespmem:v25+s10+$0x0], $0xffff  }
0x18c: {  	v26 =	vor.u32 s26, v26  }
0x18d: {  	(v2sf) =	vpush @!p0 v4, $0x6;
	_ =	sdelay $0x2  }
0x18e: {  	[tilespmem:v32+s23+$0x0] =	vst.idx.msk $0xffff, v25  }
0x18f: {  	(v2sf) =	vpush @!p0 v4, $0x7;
	v33 =	vor.u32 v28, v8;
	v25 =	vld.idx.msk [tilespmem:v26+s10+$0x0], $0xffff;
	_ =	sdelay $0x2  }
0x190: {  	s4 =	sshll.u32 @!p0 s19, $0xF;
	s19 =	spop @!p0 (v2sf)  }
0x191: {  	s4 =	sand.u32 @!p0 $0x3FFF8000, s4;
	s19 =	sand.u32 @!p0 $0xFFFFF80, s19  }
0x192: {  	s4 =	sor.u32 @!p0 $0x280, s4;
	s19 =	sadd.s32 @!p0 s2, s19;
	[tilespmem:v33+s23+$0x0] =	vst.idx.msk $0xffff, v25  }
0x193: {  	[tilespmem:s4], [sflag:$0x1] =	stream.strided.gather @!p0 [hbm4b:s19+s20], $0x2000, s21, s20, $0x38;
	[tilespmem:$0x1C280] =	vst v63  }
0x194: {  	s4 =	sshll.u32 @!p0 s6, $0x7;
	s6 =	spop @!p0 (v2sf)  }
0x195: {  	s4 =	sand.u32 @!p0 $0x3FFFFF80, s4;
	s6 =	sand.u32 @!p0 $0xFFFFF80, s6  }
0x196: {  	s4 =	sadd.s32 @!p0 $0x280, s4;
	s6 =	sadd.s32 @!p0 s2, s6  }
0x197: {  	[tilespmem:s4], [sflag:$0x1] =	stream.strided.gather @!p0 [hbm4b:s6+s20], $0x2000, s21, s20, $0x38;
	[tilespmem:$0x1C280] =	vst v63  }
0x198: {  	s4 =	sshll.u32 @!p0 s7, $0x7;
	s6 =	spop @!p0 (v2sf)  }
0x199: {  	s4 =	sand.u32 @!p0 $0x3FFFFF80, s4;
	s6 =	sand.u32 @!p0 $0xFFFFF80, s6  }
0x19a: {  	s4 =	sadd.s32 @!p0 $0x280, s4;
	s6 =	sadd.s32 @!p0 s2, s6  }
0x19b: {  	[tilespmem:s4], [sflag:$0x1] =	stream.strided.gather @!p0 [hbm4b:s6+s20], $0x2000, s21, s20, $0x38;
	[tilespmem:$0x1C280] =	vst v63  }
0x19c: {  	s4 =	sshll.u32 @!p0 s25, $0x7;
	s6 =	spop @!p0 (v2sf)  }
0x19d: {  	s4 =	sand.u32 @!p0 $0x3FFFFF80, s4;
	s6 =	sand.u32 @!p0 $0xFFFFF80, s6  }
0x19e: {  	s4 =	sadd.s32 @!p0 $0x280, s4;
	s6 =	sadd.s32 @!p0 s2, s6  }
0x19f: {  	[tilespmem:s4], [sflag:$0x1] =	stream.strided.gather @!p0 [hbm4b:s6+s20], $0x2000, s21, s20, $0x38;
	[tilespmem:$0x1C280] =	vst v63  }
0x1a0: {  	_ =	swait.ge [sflag:s22], $0x2000  }
0x1a1: {  	[sflag:s22] =	ssyncset.done $0x0  }
0x1a2: {  	[sflag:s22] =	ssyncadd.s32 $0xFFFFE000  }
0x1a3: {  	_ =	swait.ge [sflag:s22], $0x2000  }
0x1a4: {  	[sflag:s22] =	ssyncset.done $0x0  }
0x1a5: {  	[sflag:s22] =	ssyncadd.s32 $0xFFFFE000  }
0x1a6: {  	s3 =	sand.u32 $0x7F, s3;
	_ =	swait.ge [sflag:s22], $0x2000  }
0x1a7: {  	v9 =	vor.u32 s3, v9;
	s7 =	sor.u32 $0xC, s1;
	[sflag:s22] =	ssyncset.done $0x0  }
0x1a8: {  	v34 =	vmov s7;
	[sflag:s22] =	ssyncadd.s32 $0xFFFFE000  }
0x1a9: {  	v25 =	vand.u32 $0x7C, v34;
	_ =	swait.ge [sflag:s22], $0x2000  }
0x1aa: {  	v25 =	vbroadcast v25, $0x0;
	[sflag:s22] =	ssyncset.done $0x0  }
0x1ab: {  	[sflag:s22] =	ssyncadd.s32 $0xFFFFE000  }
0x1ac: {  	v35 =	vor.u32 v25, v5;
	v9 =	vld.idx.msk [tilespmem:v9+s10+$0x0], $0xffff  }
0x1ad: {  	v10 =	vor.u32 s3, v10;
	_ =	sdelay $0x3  }
0x1ae: {  	[tilespmem:v35+s23+$0x0] =	vst.idx.msk $0xffff, v9  }
0x1af: {  	v36 =	vor.u32 v25, v6;
	v9 =	vld.idx.msk [tilespmem:v10+s10+$0x0], $0xffff  }
0x1b0: {  	v11 =	vor.u32 s3, v11;
	_ =	sdelay $0x3  }
0x1b1: {  	[tilespmem:v36+s23+$0x0] =	vst.idx.msk $0xffff, v9  }
0x1b2: {  	v37 =	vor.u32 v25, v7;
	v9 =	vld.idx.msk [tilespmem:v11+s10+$0x0], $0xffff  }
0x1b3: {  	v38 =	vor.u32 s3, v12;
	_ =	sdelay $0x3  }
0x1b4: {  	[tilespmem:v37+s23+$0x0] =	vst.idx.msk $0xffff, v9  }
0x1b5: {  	s18 =	sand.u32 $0x7F, s18;
	v39 =	vor.u32 v25, v8;
	v9 =	vld.idx.msk [tilespmem:v38+s10+$0x0], $0xffff  }
0x1b6: {  	v40 =	vor.u32 s18, v13;
	s19 =	sor.u32 $0xD, s1  }
0x1b7: {  	v41 =	vmov s19  }
0x1b8: {  	v12 =	vand.u32 $0x7D, v41  }
0x1b9: {  	v12 =	vbroadcast v12, $0x0  }
0x1ba: {  	[tilespmem:v39+s23+$0x0] =	vst.idx.msk $0xffff, v9  }
0x1bb: {  	v42 =	vor.u32 v12, v5;
	v9 =	vld.idx.msk [tilespmem:v40+s10+$0x0], $0xffff  }
0x1bc: {  	v43 =	vor.u32 s18, v14;
	_ =	sdelay $0x3  }
0x1bd: {  	[tilespmem:v42+s23+$0x0] =	vst.idx.msk $0xffff, v9  }
0x1be: {  	v44 =	vor.u32 v12, v6;
	v9 =	vld.idx.msk [tilespmem:v43+s10+$0x0], $0xffff  }
0x1bf: {  	v45 =	vor.u32 s18, v15;
	_ =	sdelay $0x3  }
0x1c0: {  	[tilespmem:v44+s23+$0x0] =	vst.idx.msk $0xffff, v9  }
0x1c1: {  	v46 =	vor.u32 v12, v7;
	v9 =	vld.idx.msk [tilespmem:v45+s10+$0x0], $0xffff  }
0x1c2: {  	v47 =	vor.u32 s18, v16;
	_ =	sdelay $0x3  }
0x1c3: {  	[tilespmem:v46+s23+$0x0] =	vst.idx.msk $0xffff, v9  }
0x1c4: {  	s24 =	sand.u32 $0x7F, s17;
	v48 =	vor.u32 v12, v8;
	v9 =	vld.idx.msk [tilespmem:v47+s10+$0x0], $0xffff  }
0x1c5: {  	v49 =	vor.u32 s24, v17;
	s25 =	sor.u32 $0xE, s1  }
0x1c6: {  	v50 =	vmov s25  }
0x1c7: {  	v12 =	vand.u32 $0x7E, v50  }
0x1c8: {  	v12 =	vbroadcast v12, $0x0  }
0x1c9: {  	[tilespmem:v48+s23+$0x0] =	vst.idx.msk $0xffff, v9  }
0x1ca: {  	v51 =	vor.u32 v12, v5;
	v9 =	vld.idx.msk [tilespmem:v49+s10+$0x0], $0xffff  }
0x1cb: {  	v52 =	vor.u32 s24, v18;
	_ =	sdelay $0x3  }
0x1cc: {  	[tilespmem:v51+s23+$0x0] =	vst.idx.msk $0xffff, v9  }
0x1cd: {  	v53 =	vor.u32 v12, v6;
	v9 =	vld.idx.msk [tilespmem:v52+s10+$0x0], $0xffff  }
0x1ce: {  	v54 =	vor.u32 s24, v19;
	_ =	sdelay $0x3  }
0x1cf: {  	[tilespmem:v53+s23+$0x0] =	vst.idx.msk $0xffff, v9  }
0x1d0: {  	v55 =	vor.u32 v12, v7;
	v9 =	vld.idx.msk [tilespmem:v54+s10+$0x0], $0xffff  }
0x1d1: {  	v56 =	vor.u32 s24, v20;
	_ =	sdelay $0x3  }
0x1d2: {  	[tilespmem:v55+s23+$0x0] =	vst.idx.msk $0xffff, v9  }
0x1d3: {  	s26 =	sand.u32 $0x7F, s16;
	v57 =	vor.u32 v12, v8;
	v9 =	vld.idx.msk [tilespmem:v56+s10+$0x0], $0xffff  }
0x1d4: {  	v58 =	vor.u32 s26, v21;
	_ =	sdelay $0x3  }
0x1d5: {  	s1 =	sor.u32 $0xF, s1;
	[tilespmem:v57+s23+$0x0] =	vst.idx.msk $0xffff, v9  }
0x1d6: {  	v5 =	vor.u32 s1, v5;
	v9 =	vld.idx.msk [tilespmem:v58+s10+$0x0], $0xffff  }
0x1d7: {  	v59 =	vor.u32 s26, v22;
	_ =	sdelay $0x3  }
0x1d8: {  	[tilespmem:v5+s23+$0x0] =	vst.idx.msk $0xffff, v9  }
0x1d9: {  	v6 =	vor.u32 s1, v6;
	(v2sf) =	vpush @!p0 v4, $0x8;
	v5 =	vld.idx.msk [tilespmem:v59+s10+$0x0], $0xffff  }
0x1da: {  	v60 =	vor.u32 s26, v23;
	_ =	sdelay $0x2  }
0x1db: {  	(v2sf) =	vpush @!p0 v4, $0x9  }
0x1dc: {  	[tilespmem:v6+s23+$0x0] =	vst.idx.msk $0xffff, v5  }
0x1dd: {  	v61 =	vor.u32 s1, v7;
	v5 =	vld.idx.msk [tilespmem:v60+s10+$0x0], $0xffff  }
0x1de: {  	v62 =	vor.u32 s26, v24  }
0x1df: {  	(v2sf) =	vpush @!p0 v4, $0xA;
	_ =	sdelay $0x2  }
0x1e0: {  	[tilespmem:v61+s23+$0x0] =	vst.idx.msk $0xffff, v5  }
0x1e1: {  	v63 =	vor.u32 s1, v8;
	(v2sf) =	vpush @!p0 v4, $0xB;
	v5 =	vld.idx.msk [tilespmem:v62+s10+$0x0], $0xffff;
	_ =	sdelay $0x2  }
0x1e2: {  	s1 =	spop @!p0 (v2sf)  }
0x1e3: {  	s1 =	sand.u32 @!p0 $0xFFFFF80, s1  }
0x1e4: {  	s1 =	sadd.s32 @!p0 s2, s1;
	[tilespmem:v63+s23+$0x0] =	vst.idx.msk $0xffff, v5  }
0x1e5: {  	[tilespmem:s12], [sflag:$0x1] =	stream.strided.gather @!p0 [hbm4b:s1+s20], $0x2000, s21, s20, $0x38;
	[tilespmem:$0x1C280] =	vst v63  }
0x1e6: {  	s1 =	spop @!p0 (v2sf)  }
0x1e7: {  	s1 =	sand.u32 @!p0 $0xFFFFF80, s1  }
0x1e8: {  	s1 =	sadd.s32 @!p0 s2, s1  }
0x1e9: {  	[tilespmem:s13], [sflag:$0x1] =	stream.strided.gather @!p0 [hbm4b:s1+s20], $0x2000, s21, s20, $0x38;
	[tilespmem:$0x1C280] =	vst v63  }
0x1ea: {  	s1 =	spop @!p0 (v2sf)  }
0x1eb: {  	s1 =	sand.u32 @!p0 $0xFFFFF80, s1  }
0x1ec: {  	s1 =	sadd.s32 @!p0 s2, s1  }
0x1ed: {  	[tilespmem:s14], [sflag:$0x1] =	stream.strided.gather @!p0 [hbm4b:s1+s20], $0x2000, s21, s20, $0x38;
	[tilespmem:$0x1C280] =	vst v63  }
0x1ee: {  	s1 =	spop @!p0 (v2sf)  }
0x1ef: {  	s1 =	sand.u32 @!p0 $0xFFFFF80, s1  }
0x1f0: {  	p1 =	sne.s32 @!p0 s31, $0x7;
	s1 =	sadd.s32 @!p0 s2, s1  }
0x1f1: {  	[tilespmem:s15], [sflag:$0x1] =	stream.strided.gather @!p0 [hbm4b:s1+s20], $0x2000, s21, s20, $0x38;
	[tilespmem:$0x1C280] =	vst v63  }
0x1f2: {  	p0 =	por p0, !p1  }
0x1f3: {  	s30 =	sadd.s32 $0x1, s30;
	s0 =	sshll.u32 @p0 s0, $0xD;
	s1 =	sand.u32 @p0 $0x180, s28  }
0x1f4: {  	s3 =	simm.s32 @p0 $0x20000;
	s0 =	sor.u32 @p0 $0x18280, s0;
	s1 =	sadd.s32 @p0 s1, s5  }
0x1f5: {  	[hbm4b:s1+s8] =	stream.strided.scatter @p0 [tilespmem:s0], [sflag:$0x2], $0x2000, s3, s8, $0x38;
	[tilespmem:$0x1C280] =	vst v63  }
0x1f6: {  	p0 =	sne.s32 s30, $0x20  }
.Ltmp0:
0x1f7: {  	_ = 	snop;
	(pc) =	sbr.rel @p0 .LBB2_2-.Ltmp0, $2  }
0x1f8: {  	_ =	sdelay $0x2  }
0x1f9: {  	s29 =	sadd.s32 $0x10, s29;
	s28 =	sadd.s32 $0x10, s28  }
0x1fa: {  	s1 =	simm.s32 $0x2  }
0x1fb: {  	_ =	swait.ge [sflag:s1], $0x2000  }
0x1fc: {  	[sflag:s1] =	ssyncset.done $0x0  }
0x1fd: {  	[sflag:s1] =	ssyncadd.s32 $0xFFFFE000  }
0x1fe: {  	_ =	swait.ge [sflag:s1], $0x2000  }
0x1ff: {  	s3 =	rddreg [dreg:$0x6]  }
0x200: {  	s0 =	rddreg [dreg:$0x5];
	s3 =	sadd.s32 $0x1, s3  }
0x201: {  	p0 =	sne.s32 s3, s0  }
.Ltmp1:
0x202: {  	_ = 	snop;
	(pc) =	sbr.rel @p0 .LBB2_1-.Ltmp1, $3  }
0x203: {  	_ =	sdelay $0x1  }
0x204: {  	[sflag:s1] =	ssyncset.done $0x0  }
0x205: {  	[sflag:s1] =	ssyncadd.s32 $0xFFFFE000  }
0x206: {  	_ =	sfence.sel $0x180000  }
0x207: {  	[bflag:$0x0] =	sbarrier.arrive $0xFFFF  }
0x208: {  	_ =	strace $0x90000047  }
0x209: {  	s0 =	stileid.u32;
	[bflag:$0x2] =	sbarrier.arrive $0xFFFF  }
0x20a: {  	p0 =	sne.s32 s0, $0x0;
	s0 =	rddreg [dreg:$0x3]  }
0x20b: {  	s0 =	sadd.s32 @!p0 $0x100000, s0  }
0x20c: {  	[sflag:s0] =	ssyncadd.tile.s32 @!p0 $0x1;
	_ =	shalt  }
.Lfunc_end2:
_tile_overlayer_lowered:
.L_overlay_start_2:
0x20d: {  	(tag) =	ssettag $0x2  }
0x20e: {  	s0 =	rddreg [dreg:$0x0];
	s2 =	stileid.u32  }
0x20f: {  	s1 =	rddreg [dreg:$0x1];
	p0 =	sne.s32 s2, $0x0  }
0x210: {  	s3 =	rddreg [dreg:$0x2];
	[bflag:$0x3] =	sbarrier.arrive $0xFFFF;
	s2 =	simm.s32 @!p0 $0x1C03  }
0x211: {  	[timem:s3], [sflag:s2] =	dma.local @!p0 [hbm:s0], s1  }
0x212: {  	s0 =	simm.s32 @!p0 $0x3  }
0x213: {  	_ =	swait.ge @!p0 [sflag:s0], s1  }
0x214: {  	s1 =	ssub.s32 @!p0 $0x0, s1;
	[sflag:s0] =	ssyncset.done @!p0 $0x0  }
0x215: {  	[sflag:s0] =	ssyncadd.s32 @!p0 s1  }
0x216: {  	[bflag:$0x3] =	sbarrier.arrive $0xFFFF  }
0x217: {  	_ =	shalt  }

</sc_bundles>
